<compile_context>
chip_gen: v7x
topology: tpu7x:2x2x1
jax: 0.10.2.dev20260603
libtpu: 0.0.44.dev20260713+nightly
codegen_flags: <defaults>
</compile_context>

<pallas_src>
import functools

import jax
import jax.numpy as jnp
from jax import lax
from jax.experimental import pallas as pl
from jax.experimental.pallas import tpu as pltpu
from jax.experimental.pallas import tpu_sc as plsc

N = 10000
E = 320000
HID = 128
NC_OUT = 64
NG = 64

NTILE = 16
CHUNK = 128
N_CHUNKS = 158
EPW = N_CHUNKS * CHUNK
E_PAD = NTILE * EPW
N_PAD = 10240
ROWS_PER_TILE = N_PAD // NTILE

BM = 2048
GRID = N_PAD // BM

_mesh = plsc.VectorSubcoreMesh(core_axis_name="c", subcore_axis_name="s",
                               num_cores=1, num_subcores=NTILE)
_sc_params = pltpu.CompilerParams(needs_layout_passes=False)


@functools.partial(
    pl.kernel,
    out_type=jax.ShapeDtypeStruct((NTILE, N_PAD), jnp.float32),
    mesh=_mesh,
    compiler_params=_sc_params,
    scratch_types=[
        pltpu.VMEM((CHUNK,), jnp.int32),
        pltpu.VMEM((N_PAD,), jnp.float32),
    ],
)
def _deg_kernel(dst_hbm, out_hbm, idx_v, hist_v):
    s = lax.axis_index("s")

    zv = jnp.zeros((16,), jnp.float32)
    pl.loop(0, N_PAD // 16)(
        lambda i: hist_v.__setitem__(pl.ds(i * 16, 16), zv))

    ones = jnp.ones((16,), jnp.float32)

    def step(k):
        base = s * EPW + k * CHUNK
        pltpu.sync_copy(dst_hbm.at[pl.ds(base, CHUNK)], idx_v)
        for j in range(CHUNK // 16):
            idx16 = idx_v[pl.ds(j * 16, 16)]
            plsc.addupdate_scatter(hist_v, [idx16], ones)

    pl.loop(0, N_CHUNKS)(step)
    pltpu.sync_copy(hist_v, out_hbm.at[s])


@functools.partial(
    pl.kernel,
    out_type=jax.ShapeDtypeStruct((N_PAD, HID), jnp.float32),
    mesh=_mesh,
    compiler_params=_sc_params,
    scratch_types=[
        pltpu.VMEM((2, CHUNK), jnp.int32),
        pltpu.VMEM((2, CHUNK), jnp.int32),
        pltpu.VMEM((2, CHUNK, HID), jnp.float32),
        pltpu.VMEM_SHARED((N_PAD, HID), jnp.float32),
        pltpu.SemaphoreType.DMA,
        pltpu.SemaphoreType.DMA,
    ],
)
def _agg_kernel(src_hbm, dst_hbm, g_hbm, out_hbm,
                srcs_v, dsts_v, rows_v, acc_sh, sem_a, sem_b):
    s = lax.axis_index("s")

    zv = jnp.zeros((16,), jnp.float32)

    def zrow(i):
        for j in range(HID // 16):
            rows_v[0, i, pl.ds(j * 16, 16)] = zv

    pl.loop(0, CHUNK)(zrow)

    row0 = s * ROWS_PER_TILE
    for r in range(0, ROWS_PER_TILE, CHUNK):
        pltpu.sync_copy(rows_v.at[0],
                        acc_sh.at[pl.ds(row0 + r, CHUNK)])
    plsc.subcore_barrier()

    def step2(kk):
        base = s * EPW + kk * (2 * CHUNK)
        pltpu.sync_copy(src_hbm.at[pl.ds(base, CHUNK)], srcs_v.at[0])
        pltpu.sync_copy(dst_hbm.at[pl.ds(base, CHUNK)], dsts_v.at[0])
        cp_a = pltpu.async_copy(g_hbm.at[srcs_v.at[0]], rows_v.at[0], sem_a)
        pltpu.sync_copy(src_hbm.at[pl.ds(base + CHUNK, CHUNK)], srcs_v.at[1])
        pltpu.sync_copy(dst_hbm.at[pl.ds(base + CHUNK, CHUNK)], dsts_v.at[1])
        cp_b = pltpu.async_copy(g_hbm.at[srcs_v.at[1]], rows_v.at[1], sem_b)
        cp_a.wait()
        pltpu.sync_copy(rows_v.at[0], acc_sh.at[dsts_v.at[0]], add=True)
        cp_b.wait()
        pltpu.sync_copy(rows_v.at[1], acc_sh.at[dsts_v.at[1]], add=True)

    pl.loop(0, N_CHUNKS // 2)(step2)
    plsc.subcore_barrier()

    for r in range(0, ROWS_PER_TILE, CHUNK):
        pltpu.sync_copy(acc_sh.at[pl.ds(row0 + r, CHUNK)], rows_v.at[0])
        pltpu.sync_copy(rows_v.at[0],
                        out_hbm.at[pl.ds(row0 + r, CHUNK)])


_DOT = dict(preferred_element_type=jnp.float32,
            precision=lax.Precision.HIGHEST)


def _tc1_body(degp_ref, x_ref, w1_ref, g_ref, dinv_ref):
    ones16 = jnp.ones((NTILE, 1), jnp.float32)
    deg = lax.dot_general(degp_ref[...], ones16,
                          (((0,), (0,)), ((), ())), **_DOT) + 1.0
    dinv = lax.rsqrt(deg)
    h = jnp.dot(x_ref[...], w1_ref[...], **_DOT)
    g_ref[...] = h * dinv
    dinv_ref[...] = jnp.broadcast_to(dinv, (BM, 16))


def _tc2_body(acc_ref, g1_ref, dinv_ref, b1_ref, w2_ref, g2_ref):
    dinv = dinv_ref[:, 0:1]
    out1 = (acc_ref[...] + g1_ref[...]) * dinv + b1_ref[...]
    out1 = jnp.maximum(out1, 0.0)
    g2_ref[...] = jnp.dot(out1, w2_ref[...], **_DOT) * dinv


def _tc3_body(acc_ref, g2_ref, dinv_ref, b2_ref, batch_ref,
              wfc_ref, bfc_ref, out_ref, sums_scr, cnt_scr):
    i = pl.program_id(0)

    @pl.when(i == 0)
    def _():
        sums_scr[...] = jnp.zeros_like(sums_scr)
        cnt_scr[...] = jnp.zeros_like(cnt_scr)

    dinv = dinv_ref[:, 0:1]
    out2 = (acc_ref[...] + g2_ref[...]) * dinv + b2_ref[...]
    out2 = jnp.maximum(out2, 0.0)

    gids = lax.broadcasted_iota(jnp.int32, (BM, NG), 1)
    onehot = (batch_ref[:, 0:1] == gids).astype(jnp.float32)
    sums_scr[...] += lax.dot_general(
        onehot, out2, (((0,), (0,)), ((), ())), **_DOT)
    cnt = jnp.sum(onehot, axis=0)
    cnt_scr[...] += jnp.broadcast_to(cnt[:, None], (NG, HID))

    @pl.when(i == GRID - 1)
    def _():
        pooled = sums_scr[...] / jnp.maximum(cnt_scr[...], 1.0)
        out_ref[...] = jnp.dot(pooled, wfc_ref[...], **_DOT) + bfc_ref[...]


def _row_spec(width):
    return pl.BlockSpec((BM, width), lambda i: (i, 0))


def _full_spec(shape):
    nd = len(shape)
    return pl.BlockSpec(shape, lambda i: (0,) * nd)


_tc1 = pl.pallas_call(
    _tc1_body,
    grid=(GRID,),
    in_specs=[pl.BlockSpec((NTILE, BM), lambda i: (0, i)), _row_spec(HID),
              _full_spec((HID, HID))],
    out_specs=[_row_spec(HID), _row_spec(16)],
    out_shape=[jax.ShapeDtypeStruct((N_PAD, HID), jnp.float32),
               jax.ShapeDtypeStruct((N_PAD, 16), jnp.float32)],
)

_tc2 = pl.pallas_call(
    _tc2_body,
    grid=(GRID,),
    in_specs=[_row_spec(HID), _row_spec(HID), _row_spec(16),
              _full_spec((1, HID)), _full_spec((HID, HID))],
    out_specs=_row_spec(HID),
    out_shape=jax.ShapeDtypeStruct((N_PAD, HID), jnp.float32),
)

_tc3 = pl.pallas_call(
    _tc3_body,
    grid=(GRID,),
    in_specs=[_row_spec(HID), _row_spec(HID), _row_spec(16),
              _full_spec((1, HID)), _row_spec(8),
              _full_spec((HID, NC_OUT)), _full_spec((1, NC_OUT))],
    out_specs=_full_spec((NG, NC_OUT)),
    out_shape=jax.ShapeDtypeStruct((NG, NC_OUT), jnp.float32),
    scratch_shapes=[pltpu.VMEM((NG, HID), jnp.float32),
                    pltpu.VMEM((NG, HID), jnp.float32)],
)


@jax.jit
def kernel(x, edge_index, batch, W1, b1, W2, b2, Wfc, bfc):
    pad = E_PAD - E
    src = jnp.concatenate([edge_index[0], jnp.zeros((pad,), jnp.int32)])
    dst = jnp.concatenate(
        [edge_index[1], jnp.full((pad,), N_PAD - 1, jnp.int32)])

    xp = jnp.concatenate([x, jnp.zeros((N_PAD - N, HID), jnp.float32)])
    batch_p = jnp.concatenate(
        [batch, jnp.full((N_PAD - N,), NG, jnp.int32)])

    degp = _deg_kernel(dst)

    g1, dinv = _tc1(degp, xp, W1)

    acc1 = _agg_kernel(src, dst, g1)
    g2 = _tc2(acc1, g1, dinv, b1.reshape(1, HID), W2)

    acc2 = _agg_kernel(src, dst, g2)
    batch8 = jnp.broadcast_to(batch_p[:, None], (N_PAD, 8))
    return _tc3(acc2, g2, dinv, b2.reshape(1, HID),
                batch8, Wfc, bfc.reshape(1, NC_OUT))

# --- scband reference (transcript-rebuilt; emitter-appended) ---
"""Pipeline reference for scband-gcn-28836410425874 (READ-ONLY COPY).

The authoritative reference and input builder live on the scoring server;
editing this copy changes nothing except your own understanding.
"""

import jax, jax.numpy as jnp
import numpy as np

N = 10000
E = 320000
IN = 128
HID = 128
NC = 64
NG = 64


def setup_inputs(seed: int = 0) -> dict:
    key = jax.random.key(seed)
    ks = jax.random.split(key, 9)
    x = jax.random.normal(ks[0], (N, IN), dtype=jnp.float32)
    edge_index = jax.random.randint(ks[1], (2, E), 0, N, dtype=jnp.int32)
    batch = jnp.sort(jax.random.randint(ks[2], (N,), 0, NG, dtype=jnp.int32))
    W1 = jax.random.normal(ks[3], (IN, HID), dtype=jnp.float32) * 0.05
    b1 = jnp.zeros((HID,), dtype=jnp.float32)
    W2 = jax.random.normal(ks[4], (HID, HID), dtype=jnp.float32) * 0.05
    b2 = jnp.zeros((HID,), dtype=jnp.float32)
    Wfc = jax.random.normal(ks[5], (HID, NC), dtype=jnp.float32) * 0.05
    bfc = jnp.zeros((NC,), dtype=jnp.float32)
    return {"x": x, "edge_index": edge_index, "batch": batch,
            "W1": W1, "b1": b1, "W2": W2, "b2": b2, "Wfc": Wfc, "bfc": bfc}


def gcn_conv(x, edge_index, W, b):
    # PyG GCNConv: h = x @ W; add self-loops; symmetric normalization; scatter-add; + bias
    n = x.shape[0]
    loop = jnp.arange(n, dtype=edge_index.dtype)
    src = jnp.concatenate([edge_index[0], loop])
    dst = jnp.concatenate([edge_index[1], loop])
    deg = jnp.zeros((n,), dtype=x.dtype).at[dst].add(1.0)
    dinv = jnp.where(deg > 0, jax.lax.rsqrt(deg), 0.0)
    norm = dinv[src] * dinv[dst]
    h = x @ W
    msg = h[src] * norm[:, None]
    out = jnp.zeros((n, h.shape[1]), dtype=x.dtype).at[dst].add(msg)
    return out + b


def reference(x, edge_index, batch, W1, b1, W2, b2, Wfc, bfc):
    h = jax.nn.relu(gcn_conv(x, edge_index, W1, b1))
    h = jax.nn.relu(gcn_conv(h, edge_index, W2, b2))
    # global_mean_pool over batch assignment
    sums = jax.ops.segment_sum(h, batch, num_segments=NG)
    cnt = jax.ops.segment_sum(jnp.ones((h.shape[0], 1), dtype=h.dtype), batch, num_segments=NG)
    pooled = sums / jnp.maximum(cnt, 1.0)
    return pooled @ Wfc + bfc

if __name__ == "__main__":
    import jax
    _d = setup_inputs()
    print(jax.jit(kernel)(*tuple(_d.values())))

</pallas_src>

<mosaic_0001>
#map = affine_map<(d0, d1) -> (0)>
#map1 = affine_map<(d0, d1) -> (0, 0)>
module attributes {stable_mosaic.version = 14 : i64} {
  func.func @_agg_kernel(%arg0: i32, %arg1: i32, %arg2: memref<323584xi32, #tpu.memory_space<hbm>>, %arg3: memref<323584xi32, #tpu.memory_space<hbm>>, %arg4: memref<10240x128xf32, #tpu.memory_space<hbm>>, %arg5: memref<10240x128xf32, #tpu.memory_space<hbm>>, %arg6: memref<2x128xi32, #tpu.memory_space<vmem>>, %arg7: memref<2x128xi32, #tpu.memory_space<vmem>>, %arg8: memref<2x128x128xf32, #tpu.memory_space<vmem>>, %arg9: memref<10240x128xf32, #tpu.memory_space<vmem_shared>>, %arg10: memref<!tpu.dma_semaphore, #tpu.memory_space<semaphore_mem>>, %arg11: memref<!tpu.dma_semaphore, #tpu.memory_space<semaphore_mem>>) attributes {dimension_semantics = [#tpu.dimension_semantics<core_parallel>, #tpu.dimension_semantics<subcore_parallel>], iteration_bounds = array<i64: 1, 16>, scalar_prefetch = 0 : i64, scratch_operands = 6 : i64, tpu.core_type = #tpu.core_type<sc_vector_subcore>, window_params = [{transform_indices = #map}, {transform_indices = #map}, {transform_indices = #map1}, {transform_indices = #map1}]} {
    %broadcast_in_dim3A = arith.constant 0.000000e+00 : f32
    %broadcast_in_dim3A_0 = vector.broadcast %broadcast_in_dim3A : f32 to vector<16xf32>
    %scan3A = arith.constant 0 : i32
    %scan3A_1 = arith.constant 128 : i32
    %scan3A_2 = arith.addi %scan3A, %scan3A_1 : i32
    %scan3A_3 = arith.constant 1 : i32
    scf.for %scan3A_55 = %scan3A to %scan3A_2 step %scan3A_3  : i32 {
      %mul3A_56 = arith.constant 1 : i32
      %mul3A_57 = arith.muli %scan3A_55, %mul3A_56 : i32
      %add3A_58 = arith.constant 0 : i32
      %add3A_59 = arith.addi %add3A_58, %mul3A_57 : i32
      %swap3A = arith.constant 0 : i32
      %swap3A_60 = arith.index_cast %swap3A : i32 to index
      %swap3A_61 = arith.index_cast %add3A_59 : i32 to index
      %swap3A_62 = arith.constant 0 : index
      %swap3A_63 = tpu.vector_load %arg8[%swap3A_60, %swap3A_61, %swap3A_62] {strides = array<i32>} : memref<2x128x128xf32, #tpu.memory_space<vmem>>, vector<16xf32>,
      tpu.vector_store %arg8[%swap3A_60, %swap3A_61, %swap3A_62], %broadcast_in_dim3A_0 {strides = array<i32>} : memref<2x128x128xf32, #tpu.memory_space<vmem>>, vector<16xf32>,
      %swap3A_64 = arith.constant 0 : i32
      %swap3A_65 = arith.index_cast %swap3A_64 : i32 to index
      %swap3A_66 = arith.index_cast %add3A_59 : i32 to index
      %swap3A_67 = arith.constant 16 : index
      %swap3A_68 = tpu.vector_load %arg8[%swap3A_65, %swap3A_66, %swap3A_67] {strides = array<i32>} : memref<2x128x128xf32, #tpu.memory_space<vmem>>, vector<16xf32>,
      tpu.vector_store %arg8[%swap3A_65, %swap3A_66, %swap3A_67], %broadcast_in_dim3A_0 {strides = array<i32>} : memref<2x128x128xf32, #tpu.memory_space<vmem>>, vector<16xf32>,
      %swap3A_69 = arith.constant 0 : i32
      %swap3A_70 = arith.index_cast %swap3A_69 : i32 to index
      %swap3A_71 = arith.index_cast %add3A_59 : i32 to index
      %swap3A_72 = arith.constant 32 : index
      %swap3A_73 = tpu.vector_load %arg8[%swap3A_70, %swap3A_71, %swap3A_72] {strides = array<i32>} : memref<2x128x128xf32, #tpu.memory_space<vmem>>, vector<16xf32>,
      tpu.vector_store %arg8[%swap3A_70, %swap3A_71, %swap3A_72], %broadcast_in_dim3A_0 {strides = array<i32>} : memref<2x128x128xf32, #tpu.memory_space<vmem>>, vector<16xf32>,
      %swap3A_74 = arith.constant 0 : i32
      %swap3A_75 = arith.index_cast %swap3A_74 : i32 to index
      %swap3A_76 = arith.index_cast %add3A_59 : i32 to index
      %swap3A_77 = arith.constant 48 : index
      %swap3A_78 = tpu.vector_load %arg8[%swap3A_75, %swap3A_76, %swap3A_77] {strides = array<i32>} : memref<2x128x128xf32, #tpu.memory_space<vmem>>, vector<16xf32>,
      tpu.vector_store %arg8[%swap3A_75, %swap3A_76, %swap3A_77], %broadcast_in_dim3A_0 {strides = array<i32>} : memref<2x128x128xf32, #tpu.memory_space<vmem>>, vector<16xf32>,
      %swap3A_79 = arith.constant 0 : i32
      %swap3A_80 = arith.index_cast %swap3A_79 : i32 to index
      %swap3A_81 = arith.index_cast %add3A_59 : i32 to index
      %swap3A_82 = arith.constant 64 : index
      %swap3A_83 = tpu.vector_load %arg8[%swap3A_80, %swap3A_81, %swap3A_82] {strides = array<i32>} : memref<2x128x128xf32, #tpu.memory_space<vmem>>, vector<16xf32>,
      tpu.vector_store %arg8[%swap3A_80, %swap3A_81, %swap3A_82], %broadcast_in_dim3A_0 {strides = array<i32>} : memref<2x128x128xf32, #tpu.memory_space<vmem>>, vector<16xf32>,
      %swap3A_84 = arith.constant 0 : i32
      %swap3A_85 = arith.index_cast %swap3A_84 : i32 to index
      %swap3A_86 = arith.index_cast %add3A_59 : i32 to index
      %swap3A_87 = arith.constant 80 : index
      %swap3A_88 = tpu.vector_load %arg8[%swap3A_85, %swap3A_86, %swap3A_87] {strides = array<i32>} : memref<2x128x128xf32, #tpu.memory_space<vmem>>, vector<16xf32>,
      tpu.vector_store %arg8[%swap3A_85, %swap3A_86, %swap3A_87], %broadcast_in_dim3A_0 {strides = array<i32>} : memref<2x128x128xf32, #tpu.memory_space<vmem>>, vector<16xf32>,
      %swap3A_89 = arith.constant 0 : i32
      %swap3A_90 = arith.index_cast %swap3A_89 : i32 to index
      %swap3A_91 = arith.index_cast %add3A_59 : i32 to index
      %swap3A_92 = arith.constant 96 : index
      %swap3A_93 = tpu.vector_load %arg8[%swap3A_90, %swap3A_91, %swap3A_92] {strides = array<i32>} : memref<2x128x128xf32, #tpu.memory_space<vmem>>, vector<16xf32>,
      tpu.vector_store %arg8[%swap3A_90, %swap3A_91, %swap3A_92], %broadcast_in_dim3A_0 {strides = array<i32>} : memref<2x128x128xf32, #tpu.memory_space<vmem>>, vector<16xf32>,
      %swap3A_94 = arith.constant 0 : i32
      %swap3A_95 = arith.index_cast %swap3A_94 : i32 to index
      %swap3A_96 = arith.index_cast %add3A_59 : i32 to index
      %swap3A_97 = arith.constant 112 : index
      %swap3A_98 = tpu.vector_load %arg8[%swap3A_95, %swap3A_96, %swap3A_97] {strides = array<i32>} : memref<2x128x128xf32, #tpu.memory_space<vmem>>, vector<16xf32>,
      tpu.vector_store %arg8[%swap3A_95, %swap3A_96, %swap3A_97], %broadcast_in_dim3A_0 {strides = array<i32>} : memref<2x128x128xf32, #tpu.memory_space<vmem>>, vector<16xf32>,
    }
    %scan3A_4 = arith.constant 128 : i32
    %mul3A = arith.constant 640 : i32
    %mul3A_5 = arith.muli %arg1, %mul3A : i32
    %add3A = arith.constant 0 : i32
    %add3A_6 = arith.addi %mul3A_5, %add3A : i32
    %run_scoped3A = arith.constant 0 : i32
    "tpu.region"() ({
      %run_scoped3A_55 = tpu.sem_alloc : memref<!tpu.dma_semaphore, #tpu.memory_space<semaphore_mem>>
      %dma_start3A = arith.constant 0 : i32
      %dma_start3A_56 = arith.constant 0 : i32
      %dma_start3A_57 = tpu.memref_slice %arg8[%run_scoped3A, %dma_start3A, %dma_start3A_56] : memref<2x128x128xf32, #tpu.memory_space<vmem>> -> memref<1x128x128xf32, #tpu.memory_space<vmem>>
      %dma_start3A_58 = tpu.memref_squeeze %dma_start3A_57 : memref<1x128x128xf32, #tpu.memory_space<vmem>> -> memref<128x128xf32, #tpu.memory_space<vmem>>
      %dma_start3A_59 = arith.constant 0 : i32
      %dma_start3A_60 = tpu.memref_slice %arg9[%add3A_6, %dma_start3A_59] : memref<10240x128xf32, #tpu.memory_space<vmem_shared>> -> memref<128x128xf32, #tpu.memory_space<vmem_shared>>
      %dma_start3A_61 = arith.constant 0 : i32
      %dma_start3A_62 = tpu.memref_slice %arg9[%add3A_6, %dma_start3A_61] : memref<10240x128xf32, #tpu.memory_space<vmem_shared>> -> memref<128x128xf32, #tpu.memory_space<vmem_shared>>
      %dma_start3A_63 = arith.constant 0 : i32
      %dma_start3A_64 = arith.constant 0 : i32
      %dma_start3A_65 = tpu.memref_slice %arg8[%run_scoped3A, %dma_start3A_63, %dma_start3A_64] : memref<2x128x128xf32, #tpu.memory_space<vmem>> -> memref<1x128x128xf32, #tpu.memory_space<vmem>>
      %dma_start3A_66 = tpu.memref_squeeze %dma_start3A_65 : memref<1x128x128xf32, #tpu.memory_space<vmem>> -> memref<128x128xf32, #tpu.memory_space<vmem>>
      tpu.enqueue_dma source(%dma_start3A_66 : memref<128x128xf32, #tpu.memory_space<vmem>>) target(%dma_start3A_62 : memref<128x128xf32, #tpu.memory_space<vmem_shared>>) target_semaphore(%run_scoped3A_55 : memref<!tpu.dma_semaphore, #tpu.memory_space<semaphore_mem>>)
      %dma_wait3A = arith.constant 0 : i32
      %dma_wait3A_67 = arith.constant 0 : i32
      %dma_wait3A_68 = tpu.memref_slice %arg8[%run_scoped3A, %dma_wait3A, %dma_wait3A_67] : memref<2x128x128xf32, #tpu.memory_space<vmem>> -> memref<1x128x128xf32, #tpu.memory_space<vmem>>
      %dma_wait3A_69 = tpu.memref_squeeze %dma_wait3A_68 : memref<1x128x128xf32, #tpu.memory_space<vmem>> -> memref<128x128xf32, #tpu.memory_space<vmem>>
      %dma_wait3A_70 = arith.constant 0 : i32
      %dma_wait3A_71 = tpu.memref_slice %arg9[%add3A_6, %dma_wait3A_70] : memref<10240x128xf32, #tpu.memory_space<vmem_shared>> -> memref<128x128xf32, #tpu.memory_space<vmem_shared>>
      %dma_wait3A_72 = arith.constant 0 : i32
      %dma_wait3A_73 = tpu.memref_slice %arg9[%add3A_6, %dma_wait3A_72] : memref<10240x128xf32, #tpu.memory_space<vmem_shared>> -> memref<128x128xf32, #tpu.memory_space<vmem_shared>>
      %dma_wait3A_74 = arith.constant 0 : i32
      %dma_wait3A_75 = arith.constant 0 : i32
      %dma_wait3A_76 = tpu.memref_slice %arg8[%run_scoped3A, %dma_wait3A_74, %dma_wait3A_75] : memref<2x128x128xf32, #tpu.memory_space<vmem>> -> memref<1x128x128xf32, #tpu.memory_space<vmem>>
      %dma_wait3A_77 = tpu.memref_squeeze %dma_wait3A_76 : memref<1x128x128xf32, #tpu.memory_space<vmem>> -> memref<128x128xf32, #tpu.memory_space<vmem>>
      tpu.wait_dma2 semaphore(%run_scoped3A_55 : memref<!tpu.dma_semaphore, #tpu.memory_space<semaphore_mem>>) src(%dma_wait3A_77 : memref<128x128xf32, #tpu.memory_space<vmem>>) dst(%dma_wait3A_73 : memref<128x128xf32, #tpu.memory_space<vmem_shared>>)
      tpu.yield
    }) : () -> ()
    %add3A_7 = arith.constant 128 : i32
    %add3A_8 = arith.addi %mul3A_5, %add3A_7 : i32
    %run_scoped3A_9 = arith.constant 0 : i32
    "tpu.region"() ({
      %run_scoped3A_55 = tpu.sem_alloc : memref<!tpu.dma_semaphore, #tpu.memory_space<semaphore_mem>>
      %dma_start3A = arith.constant 0 : i32
      %dma_start3A_56 = arith.constant 0 : i32
      %dma_start3A_57 = tpu.memref_slice %arg8[%run_scoped3A_9, %dma_start3A, %dma_start3A_56] : memref<2x128x128xf32, #tpu.memory_space<vmem>> -> memref<1x128x128xf32, #tpu.memory_space<vmem>>
      %dma_start3A_58 = tpu.memref_squeeze %dma_start3A_57 : memref<1x128x128xf32, #tpu.memory_space<vmem>> -> memref<128x128xf32, #tpu.memory_space<vmem>>
      %dma_start3A_59 = arith.constant 0 : i32
      %dma_start3A_60 = tpu.memref_slice %arg9[%add3A_8, %dma_start3A_59] : memref<10240x128xf32, #tpu.memory_space<vmem_shared>> -> memref<128x128xf32, #tpu.memory_space<vmem_shared>>
      %dma_start3A_61 = arith.constant 0 : i32
      %dma_start3A_62 = tpu.memref_slice %arg9[%add3A_8, %dma_start3A_61] : memref<10240x128xf32, #tpu.memory_space<vmem_shared>> -> memref<128x128xf32, #tpu.memory_space<vmem_shared>>
      %dma_start3A_63 = arith.constant 0 : i32
      %dma_start3A_64 = arith.constant 0 : i32
      %dma_start3A_65 = tpu.memref_slice %arg8[%run_scoped3A_9, %dma_start3A_63, %dma_start3A_64] : memref<2x128x128xf32, #tpu.memory_space<vmem>> -> memref<1x128x128xf32, #tpu.memory_space<vmem>>
      %dma_start3A_66 = tpu.memref_squeeze %dma_start3A_65 : memref<1x128x128xf32, #tpu.memory_space<vmem>> -> memref<128x128xf32, #tpu.memory_space<vmem>>
      tpu.enqueue_dma source(%dma_start3A_66 : memref<128x128xf32, #tpu.memory_space<vmem>>) target(%dma_start3A_62 : memref<128x128xf32, #tpu.memory_space<vmem_shared>>) target_semaphore(%run_scoped3A_55 : memref<!tpu.dma_semaphore, #tpu.memory_space<semaphore_mem>>)
      %dma_wait3A = arith.constant 0 : i32
      %dma_wait3A_67 = arith.constant 0 : i32
      %dma_wait3A_68 = tpu.memref_slice %arg8[%run_scoped3A_9, %dma_wait3A, %dma_wait3A_67] : memref<2x128x128xf32, #tpu.memory_space<vmem>> -> memref<1x128x128xf32, #tpu.memory_space<vmem>>
      %dma_wait3A_69 = tpu.memref_squeeze %dma_wait3A_68 : memref<1x128x128xf32, #tpu.memory_space<vmem>> -> memref<128x128xf32, #tpu.memory_space<vmem>>
      %dma_wait3A_70 = arith.constant 0 : i32
      %dma_wait3A_71 = tpu.memref_slice %arg9[%add3A_8, %dma_wait3A_70] : memref<10240x128xf32, #tpu.memory_space<vmem_shared>> -> memref<128x128xf32, #tpu.memory_space<vmem_shared>>
      %dma_wait3A_72 = arith.constant 0 : i32
      %dma_wait3A_73 = tpu.memref_slice %arg9[%add3A_8, %dma_wait3A_72] : memref<10240x128xf32, #tpu.memory_space<vmem_shared>> -> memref<128x128xf32, #tpu.memory_space<vmem_shared>>
      %dma_wait3A_74 = arith.constant 0 : i32
      %dma_wait3A_75 = arith.constant 0 : i32
      %dma_wait3A_76 = tpu.memref_slice %arg8[%run_scoped3A_9, %dma_wait3A_74, %dma_wait3A_75] : memref<2x128x128xf32, #tpu.memory_space<vmem>> -> memref<1x128x128xf32, #tpu.memory_space<vmem>>
      %dma_wait3A_77 = tpu.memref_squeeze %dma_wait3A_76 : memref<1x128x128xf32, #tpu.memory_space<vmem>> -> memref<128x128xf32, #tpu.memory_space<vmem>>
      tpu.wait_dma2 semaphore(%run_scoped3A_55 : memref<!tpu.dma_semaphore, #tpu.memory_space<semaphore_mem>>) src(%dma_wait3A_77 : memref<128x128xf32, #tpu.memory_space<vmem>>) dst(%dma_wait3A_73 : memref<128x128xf32, #tpu.memory_space<vmem_shared>>)
      tpu.yield
    }) : () -> ()
    %add3A_10 = arith.constant 256 : i32
    %add3A_11 = arith.addi %mul3A_5, %add3A_10 : i32
    %run_scoped3A_12 = arith.constant 0 : i32
    "tpu.region"() ({
      %run_scoped3A_55 = tpu.sem_alloc : memref<!tpu.dma_semaphore, #tpu.memory_space<semaphore_mem>>
      %dma_start3A = arith.constant 0 : i32
      %dma_start3A_56 = arith.constant 0 : i32
      %dma_start3A_57 = tpu.memref_slice %arg8[%run_scoped3A_12, %dma_start3A, %dma_start3A_56] : memref<2x128x128xf32, #tpu.memory_space<vmem>> -> memref<1x128x128xf32, #tpu.memory_space<vmem>>
      %dma_start3A_58 = tpu.memref_squeeze %dma_start3A_57 : memref<1x128x128xf32, #tpu.memory_space<vmem>> -> memref<128x128xf32, #tpu.memory_space<vmem>>
      %dma_start3A_59 = arith.constant 0 : i32
      %dma_start3A_60 = tpu.memref_slice %arg9[%add3A_11, %dma_start3A_59] : memref<10240x128xf32, #tpu.memory_space<vmem_shared>> -> memref<128x128xf32, #tpu.memory_space<vmem_shared>>
      %dma_start3A_61 = arith.constant 0 : i32
      %dma_start3A_62 = tpu.memref_slice %arg9[%add3A_11, %dma_start3A_61] : memref<10240x128xf32, #tpu.memory_space<vmem_shared>> -> memref<128x128xf32, #tpu.memory_space<vmem_shared>>
      %dma_start3A_63 = arith.constant 0 : i32
      %dma_start3A_64 = arith.constant 0 : i32
      %dma_start3A_65 = tpu.memref_slice %arg8[%run_scoped3A_12, %dma_start3A_63, %dma_start3A_64] : memref<2x128x128xf32, #tpu.memory_space<vmem>> -> memref<1x128x128xf32, #tpu.memory_space<vmem>>
      %dma_start3A_66 = tpu.memref_squeeze %dma_start3A_65 : memref<1x128x128xf32, #tpu.memory_space<vmem>> -> memref<128x128xf32, #tpu.memory_space<vmem>>
      tpu.enqueue_dma source(%dma_start3A_66 : memref<128x128xf32, #tpu.memory_space<vmem>>) target(%dma_start3A_62 : memref<128x128xf32, #tpu.memory_space<vmem_shared>>) target_semaphore(%run_scoped3A_55 : memref<!tpu.dma_semaphore, #tpu.memory_space<semaphore_mem>>)
      %dma_wait3A = arith.constant 0 : i32
      %dma_wait3A_67 = arith.constant 0 : i32
      %dma_wait3A_68 = tpu.memref_slice %arg8[%run_scoped3A_12, %dma_wait3A, %dma_wait3A_67] : memref<2x128x128xf32, #tpu.memory_space<vmem>> -> memref<1x128x128xf32, #tpu.memory_space<vmem>>
      %dma_wait3A_69 = tpu.memref_squeeze %dma_wait3A_68 : memref<1x128x128xf32, #tpu.memory_space<vmem>> -> memref<128x128xf32, #tpu.memory_space<vmem>>
      %dma_wait3A_70 = arith.constant 0 : i32
      %dma_wait3A_71 = tpu.memref_slice %arg9[%add3A_11, %dma_wait3A_70] : memref<10240x128xf32, #tpu.memory_space<vmem_shared>> -> memref<128x128xf32, #tpu.memory_space<vmem_shared>>
      %dma_wait3A_72 = arith.constant 0 : i32
      %dma_wait3A_73 = tpu.memref_slice %arg9[%add3A_11, %dma_wait3A_72] : memref<10240x128xf32, #tpu.memory_space<vmem_shared>> -> memref<128x128xf32, #tpu.memory_space<vmem_shared>>
      %dma_wait3A_74 = arith.constant 0 : i32
      %dma_wait3A_75 = arith.constant 0 : i32
      %dma_wait3A_76 = tpu.memref_slice %arg8[%run_scoped3A_12, %dma_wait3A_74, %dma_wait3A_75] : memref<2x128x128xf32, #tpu.memory_space<vmem>> -> memref<1x128x128xf32, #tpu.memory_space<vmem>>
      %dma_wait3A_77 = tpu.memref_squeeze %dma_wait3A_76 : memref<1x128x128xf32, #tpu.memory_space<vmem>> -> memref<128x128xf32, #tpu.memory_space<vmem>>
      tpu.wait_dma2 semaphore(%run_scoped3A_55 : memref<!tpu.dma_semaphore, #tpu.memory_space<semaphore_mem>>) src(%dma_wait3A_77 : memref<128x128xf32, #tpu.memory_space<vmem>>) dst(%dma_wait3A_73 : memref<128x128xf32, #tpu.memory_space<vmem_shared>>)
      tpu.yield
    }) : () -> ()
    %add3A_13 = arith.constant 384 : i32
    %add3A_14 = arith.addi %mul3A_5, %add3A_13 : i32
    %run_scoped3A_15 = arith.constant 0 : i32
    "tpu.region"() ({
      %run_scoped3A_55 = tpu.sem_alloc : memref<!tpu.dma_semaphore, #tpu.memory_space<semaphore_mem>>
      %dma_start3A = arith.constant 0 : i32
      %dma_start3A_56 = arith.constant 0 : i32
      %dma_start3A_57 = tpu.memref_slice %arg8[%run_scoped3A_15, %dma_start3A, %dma_start3A_56] : memref<2x128x128xf32, #tpu.memory_space<vmem>> -> memref<1x128x128xf32, #tpu.memory_space<vmem>>
      %dma_start3A_58 = tpu.memref_squeeze %dma_start3A_57 : memref<1x128x128xf32, #tpu.memory_space<vmem>> -> memref<128x128xf32, #tpu.memory_space<vmem>>
      %dma_start3A_59 = arith.constant 0 : i32
      %dma_start3A_60 = tpu.memref_slice %arg9[%add3A_14, %dma_start3A_59] : memref<10240x128xf32, #tpu.memory_space<vmem_shared>> -> memref<128x128xf32, #tpu.memory_space<vmem_shared>>
      %dma_start3A_61 = arith.constant 0 : i32
      %dma_start3A_62 = tpu.memref_slice %arg9[%add3A_14, %dma_start3A_61] : memref<10240x128xf32, #tpu.memory_space<vmem_shared>> -> memref<128x128xf32, #tpu.memory_space<vmem_shared>>
      %dma_start3A_63 = arith.constant 0 : i32
      %dma_start3A_64 = arith.constant 0 : i32
      %dma_start3A_65 = tpu.memref_slice %arg8[%run_scoped3A_15, %dma_start3A_63, %dma_start3A_64] : memref<2x128x128xf32, #tpu.memory_space<vmem>> -> memref<1x128x128xf32, #tpu.memory_space<vmem>>
      %dma_start3A_66 = tpu.memref_squeeze %dma_start3A_65 : memref<1x128x128xf32, #tpu.memory_space<vmem>> -> memref<128x128xf32, #tpu.memory_space<vmem>>
      tpu.enqueue_dma source(%dma_start3A_66 : memref<128x128xf32, #tpu.memory_space<vmem>>) target(%dma_start3A_62 : memref<128x128xf32, #tpu.memory_space<vmem_shared>>) target_semaphore(%run_scoped3A_55 : memref<!tpu.dma_semaphore, #tpu.memory_space<semaphore_mem>>)
      %dma_wait3A = arith.constant 0 : i32
      %dma_wait3A_67 = arith.constant 0 : i32
      %dma_wait3A_68 = tpu.memref_slice %arg8[%run_scoped3A_15, %dma_wait3A, %dma_wait3A_67] : memref<2x128x128xf32, #tpu.memory_space<vmem>> -> memref<1x128x128xf32, #tpu.memory_space<vmem>>
      %dma_wait3A_69 = tpu.memref_squeeze %dma_wait3A_68 : memref<1x128x128xf32, #tpu.memory_space<vmem>> -> memref<128x128xf32, #tpu.memory_space<vmem>>
      %dma_wait3A_70 = arith.constant 0 : i32
      %dma_wait3A_71 = tpu.memref_slice %arg9[%add3A_14, %dma_wait3A_70] : memref<10240x128xf32, #tpu.memory_space<vmem_shared>> -> memref<128x128xf32, #tpu.memory_space<vmem_shared>>
      %dma_wait3A_72 = arith.constant 0 : i32
      %dma_wait3A_73 = tpu.memref_slice %arg9[%add3A_14, %dma_wait3A_72] : memref<10240x128xf32, #tpu.memory_space<vmem_shared>> -> memref<128x128xf32, #tpu.memory_space<vmem_shared>>
      %dma_wait3A_74 = arith.constant 0 : i32
      %dma_wait3A_75 = arith.constant 0 : i32
      %dma_wait3A_76 = tpu.memref_slice %arg8[%run_scoped3A_15, %dma_wait3A_74, %dma_wait3A_75] : memref<2x128x128xf32, #tpu.memory_space<vmem>> -> memref<1x128x128xf32, #tpu.memory_space<vmem>>
      %dma_wait3A_77 = tpu.memref_squeeze %dma_wait3A_76 : memref<1x128x128xf32, #tpu.memory_space<vmem>> -> memref<128x128xf32, #tpu.memory_space<vmem>>
      tpu.wait_dma2 semaphore(%run_scoped3A_55 : memref<!tpu.dma_semaphore, #tpu.memory_space<semaphore_mem>>) src(%dma_wait3A_77 : memref<128x128xf32, #tpu.memory_space<vmem>>) dst(%dma_wait3A_73 : memref<128x128xf32, #tpu.memory_space<vmem_shared>>)
      tpu.yield
    }) : () -> ()
    %add3A_16 = arith.constant 512 : i32
    %add3A_17 = arith.addi %mul3A_5, %add3A_16 : i32
    %run_scoped3A_18 = arith.constant 0 : i32
    "tpu.region"() ({
      %run_scoped3A_55 = tpu.sem_alloc : memref<!tpu.dma_semaphore, #tpu.memory_space<semaphore_mem>>
      %dma_start3A = arith.constant 0 : i32
      %dma_start3A_56 = arith.constant 0 : i32
      %dma_start3A_57 = tpu.memref_slice %arg8[%run_scoped3A_18, %dma_start3A, %dma_start3A_56] : memref<2x128x128xf32, #tpu.memory_space<vmem>> -> memref<1x128x128xf32, #tpu.memory_space<vmem>>
      %dma_start3A_58 = tpu.memref_squeeze %dma_start3A_57 : memref<1x128x128xf32, #tpu.memory_space<vmem>> -> memref<128x128xf32, #tpu.memory_space<vmem>>
      %dma_start3A_59 = arith.constant 0 : i32
      %dma_start3A_60 = tpu.memref_slice %arg9[%add3A_17, %dma_start3A_59] : memref<10240x128xf32, #tpu.memory_space<vmem_shared>> -> memref<128x128xf32, #tpu.memory_space<vmem_shared>>
      %dma_start3A_61 = arith.constant 0 : i32
      %dma_start3A_62 = tpu.memref_slice %arg9[%add3A_17, %dma_start3A_61] : memref<10240x128xf32, #tpu.memory_space<vmem_shared>> -> memref<128x128xf32, #tpu.memory_space<vmem_shared>>
      %dma_start3A_63 = arith.constant 0 : i32
      %dma_start3A_64 = arith.constant 0 : i32
      %dma_start3A_65 = tpu.memref_slice %arg8[%run_scoped3A_18, %dma_start3A_63, %dma_start3A_64] : memref<2x128x128xf32, #tpu.memory_space<vmem>> -> memref<1x128x128xf32, #tpu.memory_space<vmem>>
      %dma_start3A_66 = tpu.memref_squeeze %dma_start3A_65 : memref<1x128x128xf32, #tpu.memory_space<vmem>> -> memref<128x128xf32, #tpu.memory_space<vmem>>
      tpu.enqueue_dma source(%dma_start3A_66 : memref<128x128xf32, #tpu.memory_space<vmem>>) target(%dma_start3A_62 : memref<128x128xf32, #tpu.memory_space<vmem_shared>>) target_semaphore(%run_scoped3A_55 : memref<!tpu.dma_semaphore, #tpu.memory_space<semaphore_mem>>)
      %dma_wait3A = arith.constant 0 : i32
      %dma_wait3A_67 = arith.constant 0 : i32
      %dma_wait3A_68 = tpu.memref_slice %arg8[%run_scoped3A_18, %dma_wait3A, %dma_wait3A_67] : memref<2x128x128xf32, #tpu.memory_space<vmem>> -> memref<1x128x128xf32, #tpu.memory_space<vmem>>
      %dma_wait3A_69 = tpu.memref_squeeze %dma_wait3A_68 : memref<1x128x128xf32, #tpu.memory_space<vmem>> -> memref<128x128xf32, #tpu.memory_space<vmem>>
      %dma_wait3A_70 = arith.constant 0 : i32
      %dma_wait3A_71 = tpu.memref_slice %arg9[%add3A_17, %dma_wait3A_70] : memref<10240x128xf32, #tpu.memory_space<vmem_shared>> -> memref<128x128xf32, #tpu.memory_space<vmem_shared>>
      %dma_wait3A_72 = arith.constant 0 : i32
      %dma_wait3A_73 = tpu.memref_slice %arg9[%add3A_17, %dma_wait3A_72] : memref<10240x128xf32, #tpu.memory_space<vmem_shared>> -> memref<128x128xf32, #tpu.memory_space<vmem_shared>>
      %dma_wait3A_74 = arith.constant 0 : i32
      %dma_wait3A_75 = arith.constant 0 : i32
      %dma_wait3A_76 = tpu.memref_slice %arg8[%run_scoped3A_18, %dma_wait3A_74, %dma_wait3A_75] : memref<2x128x128xf32, #tpu.memory_space<vmem>> -> memref<1x128x128xf32, #tpu.memory_space<vmem>>
      %dma_wait3A_77 = tpu.memref_squeeze %dma_wait3A_76 : memref<1x128x128xf32, #tpu.memory_space<vmem>> -> memref<128x128xf32, #tpu.memory_space<vmem>>
      tpu.wait_dma2 semaphore(%run_scoped3A_55 : memref<!tpu.dma_semaphore, #tpu.memory_space<semaphore_mem>>) src(%dma_wait3A_77 : memref<128x128xf32, #tpu.memory_space<vmem>>) dst(%dma_wait3A_73 : memref<128x128xf32, #tpu.memory_space<vmem_shared>>)
      tpu.yield
    }) : () -> ()
    %barrier3A = arith.constant 0 : index
    tpu.barrier barrier_id(%barrier3A)
    %scan3A_19 = arith.constant 0 : i32
    %scan3A_20 = arith.constant 79 : i32
    %scan3A_21 = arith.addi %scan3A_19, %scan3A_20 : i32
    %scan3A_22 = arith.constant 1 : i32
    scf.for %scan3A_55 = %scan3A_19 to %scan3A_21 step %scan3A_22  : i32 {
      %mul3A_56 = arith.constant 1 : i32
      %mul3A_57 = arith.muli %scan3A_55, %mul3A_56 : i32
      %add3A_58 = arith.constant 0 : i32
      %add3A_59 = arith.addi %add3A_58, %mul3A_57 : i32
      %mul3A_60 = arith.constant 20224 : i32
      %mul3A_61 = arith.muli %arg1, %mul3A_60 : i32
      %mul3A_62 = arith.constant 256 : i32
      %mul3A_63 = arith.muli %add3A_59, %mul3A_62 : i32
      %add3A_64 = arith.addi %mul3A_61, %mul3A_63 : i32
      %run_scoped3A_65 = arith.constant 0 : i32
      "tpu.region"() ({
        %run_scoped3A_123 = tpu.sem_alloc : memref<!tpu.dma_semaphore, #tpu.memory_space<semaphore_mem>>
        %dma_start3A_124 = arith.constant 0 : i32
        %dma_start3A_125 = tpu.memref_slice %arg6[%run_scoped3A_65, %dma_start3A_124] : memref<2x128xi32, #tpu.memory_space<vmem>> -> memref<1x128xi32, #tpu.memory_space<vmem>>
        %dma_start3A_126 = tpu.memref_squeeze %dma_start3A_125 : memref<1x128xi32, #tpu.memory_space<vmem>> -> memref<128xi32, #tpu.memory_space<vmem>>
        %dma_start3A_127 = tpu.memref_slice %arg2[%add3A_64] : memref<323584xi32, #tpu.memory_space<hbm>> -> memref<128xi32, #tpu.memory_space<hbm>>
        %dma_start3A_128 = arith.constant 0 : i32
        %dma_start3A_129 = tpu.memref_slice %arg6[%run_scoped3A_65, %dma_start3A_128] : memref<2x128xi32, #tpu.memory_space<vmem>> -> memref<1x128xi32, #tpu.memory_space<vmem>>
        %dma_start3A_130 = tpu.memref_squeeze %dma_start3A_129 : memref<1x128xi32, #tpu.memory_space<vmem>> -> memref<128xi32, #tpu.memory_space<vmem>>
        %dma_start3A_131 = tpu.memref_slice %arg2[%add3A_64] : memref<323584xi32, #tpu.memory_space<hbm>> -> memref<128xi32, #tpu.memory_space<hbm>>
        tpu.enqueue_dma source(%dma_start3A_131 : memref<128xi32, #tpu.memory_space<hbm>>) target(%dma_start3A_130 : memref<128xi32, #tpu.memory_space<vmem>>) target_semaphore(%run_scoped3A_123 : memref<!tpu.dma_semaphore, #tpu.memory_space<semaphore_mem>>)
        %dma_wait3A_132 = arith.constant 0 : i32
        %dma_wait3A_133 = tpu.memref_slice %arg6[%run_scoped3A_65, %dma_wait3A_132] : memref<2x128xi32, #tpu.memory_space<vmem>> -> memref<1x128xi32, #tpu.memory_space<vmem>>
        %dma_wait3A_134 = tpu.memref_squeeze %dma_wait3A_133 : memref<1x128xi32, #tpu.memory_space<vmem>> -> memref<128xi32, #tpu.memory_space<vmem>>
        %dma_wait3A_135 = tpu.memref_slice %arg2[%add3A_64] : memref<323584xi32, #tpu.memory_space<hbm>> -> memref<128xi32, #tpu.memory_space<hbm>>
        %dma_wait3A_136 = arith.constant 0 : i32
        %dma_wait3A_137 = tpu.memref_slice %arg6[%run_scoped3A_65, %dma_wait3A_136] : memref<2x128xi32, #tpu.memory_space<vmem>> -> memref<1x128xi32, #tpu.memory_space<vmem>>
        %dma_wait3A_138 = tpu.memref_squeeze %dma_wait3A_137 : memref<1x128xi32, #tpu.memory_space<vmem>> -> memref<128xi32, #tpu.memory_space<vmem>>
        %dma_wait3A_139 = tpu.memref_slice %arg2[%add3A_64] : memref<323584xi32, #tpu.memory_space<hbm>> -> memref<128xi32, #tpu.memory_space<hbm>>
        tpu.wait_dma2 semaphore(%run_scoped3A_123 : memref<!tpu.dma_semaphore, #tpu.memory_space<semaphore_mem>>) src(%dma_wait3A_139 : memref<128xi32, #tpu.memory_space<hbm>>) dst(%dma_wait3A_138 : memref<128xi32, #tpu.memory_space<vmem>>)
        tpu.yield
      }) : () -> ()
      %run_scoped3A_66 = arith.constant 0 : i32
      "tpu.region"() ({
        %run_scoped3A_123 = tpu.sem_alloc : memref<!tpu.dma_semaphore, #tpu.memory_space<semaphore_mem>>
        %dma_start3A_124 = arith.constant 0 : i32
        %dma_start3A_125 = tpu.memref_slice %arg7[%run_scoped3A_66, %dma_start3A_124] : memref<2x128xi32, #tpu.memory_space<vmem>> -> memref<1x128xi32, #tpu.memory_space<vmem>>
        %dma_start3A_126 = tpu.memref_squeeze %dma_start3A_125 : memref<1x128xi32, #tpu.memory_space<vmem>> -> memref<128xi32, #tpu.memory_space<vmem>>
        %dma_start3A_127 = tpu.memref_slice %arg3[%add3A_64] : memref<323584xi32, #tpu.memory_space<hbm>> -> memref<128xi32, #tpu.memory_space<hbm>>
        %dma_start3A_128 = arith.constant 0 : i32
        %dma_start3A_129 = tpu.memref_slice %arg7[%run_scoped3A_66, %dma_start3A_128] : memref<2x128xi32, #tpu.memory_space<vmem>> -> memref<1x128xi32, #tpu.memory_space<vmem>>
        %dma_start3A_130 = tpu.memref_squeeze %dma_start3A_129 : memref<1x128xi32, #tpu.memory_space<vmem>> -> memref<128xi32, #tpu.memory_space<vmem>>
        %dma_start3A_131 = tpu.memref_slice %arg3[%add3A_64] : memref<323584xi32, #tpu.memory_space<hbm>> -> memref<128xi32, #tpu.memory_space<hbm>>
        tpu.enqueue_dma source(%dma_start3A_131 : memref<128xi32, #tpu.memory_space<hbm>>) target(%dma_start3A_130 : memref<128xi32, #tpu.memory_space<vmem>>) target_semaphore(%run_scoped3A_123 : memref<!tpu.dma_semaphore, #tpu.memory_space<semaphore_mem>>)
        %dma_wait3A_132 = arith.constant 0 : i32
        %dma_wait3A_133 = tpu.memref_slice %arg7[%run_scoped3A_66, %dma_wait3A_132] : memref<2x128xi32, #tpu.memory_space<vmem>> -> memref<1x128xi32, #tpu.memory_space<vmem>>
        %dma_wait3A_134 = tpu.memref_squeeze %dma_wait3A_133 : memref<1x128xi32, #tpu.memory_space<vmem>> -> memref<128xi32, #tpu.memory_space<vmem>>
        %dma_wait3A_135 = tpu.memref_slice %arg3[%add3A_64] : memref<323584xi32, #tpu.memory_space<hbm>> -> memref<128xi32, #tpu.memory_space<hbm>>
        %dma_wait3A_136 = arith.constant 0 : i32
        %dma_wait3A_137 = tpu.memref_slice %arg7[%run_scoped3A_66, %dma_wait3A_136] : memref<2x128xi32, #tpu.memory_space<vmem>> -> memref<1x128xi32, #tpu.memory_space<vmem>>
        %dma_wait3A_138 = tpu.memref_squeeze %dma_wait3A_137 : memref<1x128xi32, #tpu.memory_space<vmem>> -> memref<128xi32, #tpu.memory_space<vmem>>
        %dma_wait3A_139 = tpu.memref_slice %arg3[%add3A_64] : memref<323584xi32, #tpu.memory_space<hbm>> -> memref<128xi32, #tpu.memory_space<hbm>>
        tpu.wait_dma2 semaphore(%run_scoped3A_123 : memref<!tpu.dma_semaphore, #tpu.memory_space<semaphore_mem>>) src(%dma_wait3A_139 : memref<128xi32, #tpu.memory_space<hbm>>) dst(%dma_wait3A_138 : memref<128xi32, #tpu.memory_space<vmem>>)
        tpu.yield
      }) : () -> ()
      %dma_start3A = arith.constant 0 : i32
      %dma_start3A_67 = arith.constant 0 : i32
      %dma_start3A_68 = arith.constant 0 : i32
      %dma_start3A_69 = arith.constant 0 : i32
      %dma_start3A_70 = tpu.memref_slice %arg8[%dma_start3A_67, %dma_start3A_68, %dma_start3A_69] : memref<2x128x128xf32, #tpu.memory_space<vmem>> -> memref<1x128x128xf32, #tpu.memory_space<vmem>>
      %dma_start3A_71 = tpu.memref_squeeze %dma_start3A_70 : memref<1x128x128xf32, #tpu.memory_space<vmem>> -> memref<128x128xf32, #tpu.memory_space<vmem>>
      %dma_start3A_72 = arith.constant 0 : i32
      %dma_start3A_73 = tpu.memref_slice %arg6[%dma_start3A, %dma_start3A_72] : memref<2x128xi32, #tpu.memory_space<vmem>> -> memref<1x128xi32, #tpu.memory_space<vmem>>
      %dma_start3A_74 = tpu.memref_squeeze %dma_start3A_73 : memref<1x128xi32, #tpu.memory_space<vmem>> -> memref<128xi32, #tpu.memory_space<vmem>>
      %dma_start3A_75 = arith.constant 0 : i32
      %dma_start3A_76 = arith.constant 0 : i32
      %dma_start3A_77 = tpu.memref_slice %arg4[%dma_start3A_75, %dma_start3A_76] : memref<10240x128xf32, #tpu.memory_space<hbm>> -> memref<10240x128xf32, #tpu.memory_space<hbm>>
      tpu.enqueue_indirect_dma source(%dma_start3A_77 : memref<10240x128xf32, #tpu.memory_space<hbm>>) target(%dma_start3A_71 : memref<128x128xf32, #tpu.memory_space<vmem>>) offsets(%dma_start3A_74 : memref<128xi32, #tpu.memory_space<vmem>>) semaphore(%arg10 : memref<!tpu.dma_semaphore, #tpu.memory_space<semaphore_mem>>)
      %add3A_78 = arith.constant 128 : i32
      %add3A_79 = arith.addi %add3A_64, %add3A_78 : i32
      %run_scoped3A_80 = arith.constant 1 : i32
      "tpu.region"() ({
        %run_scoped3A_123 = tpu.sem_alloc : memref<!tpu.dma_semaphore, #tpu.memory_space<semaphore_mem>>
        %dma_start3A_124 = arith.constant 0 : i32
        %dma_start3A_125 = tpu.memref_slice %arg6[%run_scoped3A_80, %dma_start3A_124] : memref<2x128xi32, #tpu.memory_space<vmem>> -> memref<1x128xi32, #tpu.memory_space<vmem>>
        %dma_start3A_126 = tpu.memref_squeeze %dma_start3A_125 : memref<1x128xi32, #tpu.memory_space<vmem>> -> memref<128xi32, #tpu.memory_space<vmem>>
        %dma_start3A_127 = tpu.memref_slice %arg2[%add3A_79] : memref<323584xi32, #tpu.memory_space<hbm>> -> memref<128xi32, #tpu.memory_space<hbm>>
        %dma_start3A_128 = arith.constant 0 : i32
        %dma_start3A_129 = tpu.memref_slice %arg6[%run_scoped3A_80, %dma_start3A_128] : memref<2x128xi32, #tpu.memory_space<vmem>> -> memref<1x128xi32, #tpu.memory_space<vmem>>
        %dma_start3A_130 = tpu.memref_squeeze %dma_start3A_129 : memref<1x128xi32, #tpu.memory_space<vmem>> -> memref<128xi32, #tpu.memory_space<vmem>>
        %dma_start3A_131 = tpu.memref_slice %arg2[%add3A_79] : memref<323584xi32, #tpu.memory_space<hbm>> -> memref<128xi32, #tpu.memory_space<hbm>>
        tpu.enqueue_dma source(%dma_start3A_131 : memref<128xi32, #tpu.memory_space<hbm>>) target(%dma_start3A_130 : memref<128xi32, #tpu.memory_space<vmem>>) target_semaphore(%run_scoped3A_123 : memref<!tpu.dma_semaphore, #tpu.memory_space<semaphore_mem>>)
        %dma_wait3A_132 = arith.constant 0 : i32
        %dma_wait3A_133 = tpu.memref_slice %arg6[%run_scoped3A_80, %dma_wait3A_132] : memref<2x128xi32, #tpu.memory_space<vmem>> -> memref<1x128xi32, #tpu.memory_space<vmem>>
        %dma_wait3A_134 = tpu.memref_squeeze %dma_wait3A_133 : memref<1x128xi32, #tpu.memory_space<vmem>> -> memref<128xi32, #tpu.memory_space<vmem>>
        %dma_wait3A_135 = tpu.memref_slice %arg2[%add3A_79] : memref<323584xi32, #tpu.memory_space<hbm>> -> memref<128xi32, #tpu.memory_space<hbm>>
        %dma_wait3A_136 = arith.constant 0 : i32
        %dma_wait3A_137 = tpu.memref_slice %arg6[%run_scoped3A_80, %dma_wait3A_136] : memref<2x128xi32, #tpu.memory_space<vmem>> -> memref<1x128xi32, #tpu.memory_space<vmem>>
        %dma_wait3A_138 = tpu.memref_squeeze %dma_wait3A_137 : memref<1x128xi32, #tpu.memory_space<vmem>> -> memref<128xi32, #tpu.memory_space<vmem>>
        %dma_wait3A_139 = tpu.memref_slice %arg2[%add3A_79] : memref<323584xi32, #tpu.memory_space<hbm>> -> memref<128xi32, #tpu.memory_space<hbm>>
        tpu.wait_dma2 semaphore(%run_scoped3A_123 : memref<!tpu.dma_semaphore, #tpu.memory_space<semaphore_mem>>) src(%dma_wait3A_139 : memref<128xi32, #tpu.memory_space<hbm>>) dst(%dma_wait3A_138 : memref<128xi32, #tpu.memory_space<vmem>>)
        tpu.yield
      }) : () -> ()
      %add3A_81 = arith.constant 128 : i32
      %add3A_82 = arith.addi %add3A_64, %add3A_81 : i32
      %run_scoped3A_83 = arith.constant 1 : i32
      "tpu.region"() ({
        %run_scoped3A_123 = tpu.sem_alloc : memref<!tpu.dma_semaphore, #tpu.memory_space<semaphore_mem>>
        %dma_start3A_124 = arith.constant 0 : i32
        %dma_start3A_125 = tpu.memref_slice %arg7[%run_scoped3A_83, %dma_start3A_124] : memref<2x128xi32, #tpu.memory_space<vmem>> -> memref<1x128xi32, #tpu.memory_space<vmem>>
        %dma_start3A_126 = tpu.memref_squeeze %dma_start3A_125 : memref<1x128xi32, #tpu.memory_space<vmem>> -> memref<128xi32, #tpu.memory_space<vmem>>
        %dma_start3A_127 = tpu.memref_slice %arg3[%add3A_82] : memref<323584xi32, #tpu.memory_space<hbm>> -> memref<128xi32, #tpu.memory_space<hbm>>
        %dma_start3A_128 = arith.constant 0 : i32
        %dma_start3A_129 = tpu.memref_slice %arg7[%run_scoped3A_83, %dma_start3A_128] : memref<2x128xi32, #tpu.memory_space<vmem>> -> memref<1x128xi32, #tpu.memory_space<vmem>>
        %dma_start3A_130 = tpu.memref_squeeze %dma_start3A_129 : memref<1x128xi32, #tpu.memory_space<vmem>> -> memref<128xi32, #tpu.memory_space<vmem>>
        %dma_start3A_131 = tpu.memref_slice %arg3[%add3A_82] : memref<323584xi32, #tpu.memory_space<hbm>> -> memref<128xi32, #tpu.memory_space<hbm>>
        tpu.enqueue_dma source(%dma_start3A_131 : memref<128xi32, #tpu.memory_space<hbm>>) target(%dma_start3A_130 : memref<128xi32, #tpu.memory_space<vmem>>) target_semaphore(%run_scoped3A_123 : memref<!tpu.dma_semaphore, #tpu.memory_space<semaphore_mem>>)
        %dma_wait3A_132 = arith.constant 0 : i32
        %dma_wait3A_133 = tpu.memref_slice %arg7[%run_scoped3A_83, %dma_wait3A_132] : memref<2x128xi32, #tpu.memory_space<vmem>> -> memref<1x128xi32, #tpu.memory_space<vmem>>
        %dma_wait3A_134 = tpu.memref_squeeze %dma_wait3A_133 : memref<1x128xi32, #tpu.memory_space<vmem>> -> memref<128xi32, #tpu.memory_space<vmem>>
        %dma_wait3A_135 = tpu.memref_slice %arg3[%add3A_82] : memref<323584xi32, #tpu.memory_space<hbm>> -> memref<128xi32, #tpu.memory_space<hbm>>
        %dma_wait3A_136 = arith.constant 0 : i32
        %dma_wait3A_137 = tpu.memref_slice %arg7[%run_scoped3A_83, %dma_wait3A_136] : memref<2x128xi32, #tpu.memory_space<vmem>> -> memref<1x128xi32, #tpu.memory_space<vmem>>
        %dma_wait3A_138 = tpu.memref_squeeze %dma_wait3A_137 : memref<1x128xi32, #tpu.memory_space<vmem>> -> memref<128xi32, #tpu.memory_space<vmem>>
        %dma_wait3A_139 = tpu.memref_slice %arg3[%add3A_82] : memref<323584xi32, #tpu.memory_space<hbm>> -> memref<128xi32, #tpu.memory_space<hbm>>
        tpu.wait_dma2 semaphore(%run_scoped3A_123 : memref<!tpu.dma_semaphore, #tpu.memory_space<semaphore_mem>>) src(%dma_wait3A_139 : memref<128xi32, #tpu.memory_space<hbm>>) dst(%dma_wait3A_138 : memref<128xi32, #tpu.memory_space<vmem>>)
        tpu.yield
      }) : () -> ()
      %dma_start3A_84 = arith.constant 1 : i32
      %dma_start3A_85 = arith.constant 1 : i32
      %dma_start3A_86 = arith.constant 0 : i32
      %dma_start3A_87 = arith.constant 0 : i32
      %dma_start3A_88 = tpu.memref_slice %arg8[%dma_start3A_85, %dma_start3A_86, %dma_start3A_87] : memref<2x128x128xf32, #tpu.memory_space<vmem>> -> memref<1x128x128xf32, #tpu.memory_space<vmem>>
      %dma_start3A_89 = tpu.memref_squeeze %dma_start3A_88 : memref<1x128x128xf32, #tpu.memory_space<vmem>> -> memref<128x128xf32, #tpu.memory_space<vmem>>
      %dma_start3A_90 = arith.constant 0 : i32
      %dma_start3A_91 = tpu.memref_slice %arg6[%dma_start3A_84, %dma_start3A_90] : memref<2x128xi32, #tpu.memory_space<vmem>> -> memref<1x128xi32, #tpu.memory_space<vmem>>
      %dma_start3A_92 = tpu.memref_squeeze %dma_start3A_91 : memref<1x128xi32, #tpu.memory_space<vmem>> -> memref<128xi32, #tpu.memory_space<vmem>>
      %dma_start3A_93 = arith.constant 0 : i32
      %dma_start3A_94 = arith.constant 0 : i32
      %dma_start3A_95 = tpu.memref_slice %arg4[%dma_start3A_93, %dma_start3A_94] : memref<10240x128xf32, #tpu.memory_space<hbm>> -> memref<10240x128xf32, #tpu.memory_space<hbm>>
      tpu.enqueue_indirect_dma source(%dma_start3A_95 : memref<10240x128xf32, #tpu.memory_space<hbm>>) target(%dma_start3A_89 : memref<128x128xf32, #tpu.memory_space<vmem>>) offsets(%dma_start3A_92 : memref<128xi32, #tpu.memory_space<vmem>>) semaphore(%arg11 : memref<!tpu.dma_semaphore, #tpu.memory_space<semaphore_mem>>)
      %dma_wait3A = arith.constant 0 : i32
      %dma_wait3A_96 = arith.constant 0 : i32
      %dma_wait3A_97 = arith.constant 0 : i32
      %dma_wait3A_98 = arith.constant 0 : i32
      %dma_wait3A_99 = tpu.memref_slice %arg8[%dma_wait3A_96, %dma_wait3A_97, %dma_wait3A_98] : memref<2x128x128xf32, #tpu.memory_space<vmem>> -> memref<1x128x128xf32, #tpu.memory_space<vmem>>
      %dma_wait3A_100 = tpu.memref_squeeze %dma_wait3A_99 : memref<1x128x128xf32, #tpu.memory_space<vmem>> -> memref<128x128xf32, #tpu.memory_space<vmem>>
      %dma_wait3A_101 = arith.constant 0 : i32
      %dma_wait3A_102 = tpu.memref_slice %arg6[%dma_wait3A, %dma_wait3A_101] : memref<2x128xi32, #tpu.memory_space<vmem>> -> memref<1x128xi32, #tpu.memory_space<vmem>>
      %dma_wait3A_103 = tpu.memref_squeeze %dma_wait3A_102 : memref<1x128xi32, #tpu.memory_space<vmem>> -> memref<128xi32, #tpu.memory_space<vmem>>
      %dma_wait3A_104 = arith.constant 0 : i32
      %dma_wait3A_105 = arith.constant 0 : i32
      %dma_wait3A_106 = tpu.memref_slice %arg4[%dma_wait3A_104, %dma_wait3A_105] : memref<10240x128xf32, #tpu.memory_space<hbm>> -> memref<10240x128xf32, #tpu.memory_space<hbm>>
      tpu.wait_indirect_dma semaphore(%arg10 : memref<!tpu.dma_semaphore, #tpu.memory_space<semaphore_mem>>) src(%dma_wait3A_106 : memref<10240x128xf32, #tpu.memory_space<hbm>>) dst(%dma_wait3A_100 : memref<128x128xf32, #tpu.memory_space<vmem>>)
      %run_scoped3A_107 = arith.constant 0 : i32
      %run_scoped3A_108 = arith.constant 0 : i32
      "tpu.region"() ({
        %run_scoped3A_123 = tpu.sem_alloc : memref<!tpu.dma_semaphore, #tpu.memory_space<semaphore_mem>>
        %dma_start3A_124 = arith.constant 0 : i32
        %dma_start3A_125 = arith.constant 0 : i32
        %dma_start3A_126 = tpu.memref_slice %arg8[%run_scoped3A_107, %dma_start3A_124, %dma_start3A_125] : memref<2x128x128xf32, #tpu.memory_space<vmem>> -> memref<1x128x128xf32, #tpu.memory_space<vmem>>
        %dma_start3A_127 = tpu.memref_squeeze %dma_start3A_126 : memref<1x128x128xf32, #tpu.memory_space<vmem>> -> memref<128x128xf32, #tpu.memory_space<vmem>>
        %dma_start3A_128 = arith.constant 0 : i32
        %dma_start3A_129 = tpu.memref_slice %arg7[%run_scoped3A_108, %dma_start3A_128] : memref<2x128xi32, #tpu.memory_space<vmem>> -> memref<1x128xi32, #tpu.memory_space<vmem>>
        %dma_start3A_130 = tpu.memref_squeeze %dma_start3A_129 : memref<1x128xi32, #tpu.memory_space<vmem>> -> memref<128xi32, #tpu.memory_space<vmem>>
        %dma_start3A_131 = arith.constant 0 : i32
        %dma_start3A_132 = arith.constant 0 : i32
        %dma_start3A_133 = tpu.memref_slice %arg9[%dma_start3A_131, %dma_start3A_132] : memref<10240x128xf32, #tpu.memory_space<vmem_shared>> -> memref<10240x128xf32, #tpu.memory_space<vmem_shared>>
        tpu.enqueue_indirect_dma source(%dma_start3A_127 : memref<128x128xf32, #tpu.memory_space<vmem>>) target(%dma_start3A_133 : memref<10240x128xf32, #tpu.memory_space<vmem_shared>>) offsets(%dma_start3A_130 : memref<128xi32, #tpu.memory_space<vmem>>) semaphore(%run_scoped3A_123 : memref<!tpu.dma_semaphore, #tpu.memory_space<semaphore_mem>>) {add = true}
        %dma_wait3A_134 = arith.constant 0 : i32
        %dma_wait3A_135 = arith.constant 0 : i32
        %dma_wait3A_136 = tpu.memref_slice %arg8[%run_scoped3A_107, %dma_wait3A_134, %dma_wait3A_135] : memref<2x128x128xf32, #tpu.memory_space<vmem>> -> memref<1x128x128xf32, #tpu.memory_space<vmem>>
        %dma_wait3A_137 = tpu.memref_squeeze %dma_wait3A_136 : memref<1x128x128xf32, #tpu.memory_space<vmem>> -> memref<128x128xf32, #tpu.memory_space<vmem>>
        %dma_wait3A_138 = arith.constant 0 : i32
        %dma_wait3A_139 = tpu.memref_slice %arg7[%run_scoped3A_108, %dma_wait3A_138] : memref<2x128xi32, #tpu.memory_space<vmem>> -> memref<1x128xi32, #tpu.memory_space<vmem>>
        %dma_wait3A_140 = tpu.memref_squeeze %dma_wait3A_139 : memref<1x128xi32, #tpu.memory_space<vmem>> -> memref<128xi32, #tpu.memory_space<vmem>>
        %dma_wait3A_141 = arith.constant 0 : i32
        %dma_wait3A_142 = arith.constant 0 : i32
        %dma_wait3A_143 = tpu.memref_slice %arg9[%dma_wait3A_141, %dma_wait3A_142] : memref<10240x128xf32, #tpu.memory_space<vmem_shared>> -> memref<10240x128xf32, #tpu.memory_space<vmem_shared>>
        tpu.wait_indirect_dma semaphore(%run_scoped3A_123 : memref<!tpu.dma_semaphore, #tpu.memory_space<semaphore_mem>>) src(%dma_wait3A_137 : memref<128x128xf32, #tpu.memory_space<vmem>>) dst(%dma_wait3A_143 : memref<10240x128xf32, #tpu.memory_space<vmem_shared>>)
        tpu.yield
      }) : () -> ()
      %dma_wait3A_109 = arith.constant 1 : i32
      %dma_wait3A_110 = arith.constant 1 : i32
      %dma_wait3A_111 = arith.constant 0 : i32
      %dma_wait3A_112 = arith.constant 0 : i32
      %dma_wait3A_113 = tpu.memref_slice %arg8[%dma_wait3A_110, %dma_wait3A_111, %dma_wait3A_112] : memref<2x128x128xf32, #tpu.memory_space<vmem>> -> memref<1x128x128xf32, #tpu.memory_space<vmem>>
      %dma_wait3A_114 = tpu.memref_squeeze %dma_wait3A_113 : memref<1x128x128xf32, #tpu.memory_space<vmem>> -> memref<128x128xf32, #tpu.memory_space<vmem>>
      %dma_wait3A_115 = arith.constant 0 : i32
      %dma_wait3A_116 = tpu.memref_slice %arg6[%dma_wait3A_109, %dma_wait3A_115] : memref<2x128xi32, #tpu.memory_space<vmem>> -> memref<1x128xi32, #tpu.memory_space<vmem>>
      %dma_wait3A_117 = tpu.memref_squeeze %dma_wait3A_116 : memref<1x128xi32, #tpu.memory_space<vmem>> -> memref<128xi32, #tpu.memory_space<vmem>>
      %dma_wait3A_118 = arith.constant 0 : i32
      %dma_wait3A_119 = arith.constant 0 : i32
      %dma_wait3A_120 = tpu.memref_slice %arg4[%dma_wait3A_118, %dma_wait3A_119] : memref<10240x128xf32, #tpu.memory_space<hbm>> -> memref<10240x128xf32, #tpu.memory_space<hbm>>
      tpu.wait_indirect_dma semaphore(%arg11 : memref<!tpu.dma_semaphore, #tpu.memory_space<semaphore_mem>>) src(%dma_wait3A_120 : memref<10240x128xf32, #tpu.memory_space<hbm>>) dst(%dma_wait3A_114 : memref<128x128xf32, #tpu.memory_space<vmem>>)
      %run_scoped3A_121 = arith.constant 1 : i32
      %run_scoped3A_122 = arith.constant 1 : i32
      "tpu.region"() ({
        %run_scoped3A_123 = tpu.sem_alloc : memref<!tpu.dma_semaphore, #tpu.memory_space<semaphore_mem>>
        %dma_start3A_124 = arith.constant 0 : i32
        %dma_start3A_125 = arith.constant 0 : i32
        %dma_start3A_126 = tpu.memref_slice %arg8[%run_scoped3A_121, %dma_start3A_124, %dma_start3A_125] : memref<2x128x128xf32, #tpu.memory_space<vmem>> -> memref<1x128x128xf32, #tpu.memory_space<vmem>>
        %dma_start3A_127 = tpu.memref_squeeze %dma_start3A_126 : memref<1x128x128xf32, #tpu.memory_space<vmem>> -> memref<128x128xf32, #tpu.memory_space<vmem>>
        %dma_start3A_128 = arith.constant 0 : i32
        %dma_start3A_129 = tpu.memref_slice %arg7[%run_scoped3A_122, %dma_start3A_128] : memref<2x128xi32, #tpu.memory_space<vmem>> -> memref<1x128xi32, #tpu.memory_space<vmem>>
        %dma_start3A_130 = tpu.memref_squeeze %dma_start3A_129 : memref<1x128xi32, #tpu.memory_space<vmem>> -> memref<128xi32, #tpu.memory_space<vmem>>
        %dma_start3A_131 = arith.constant 0 : i32
        %dma_start3A_132 = arith.constant 0 : i32
        %dma_start3A_133 = tpu.memref_slice %arg9[%dma_start3A_131, %dma_start3A_132] : memref<10240x128xf32, #tpu.memory_space<vmem_shared>> -> memref<10240x128xf32, #tpu.memory_space<vmem_shared>>
        tpu.enqueue_indirect_dma source(%dma_start3A_127 : memref<128x128xf32, #tpu.memory_space<vmem>>) target(%dma_start3A_133 : memref<10240x128xf32, #tpu.memory_space<vmem_shared>>) offsets(%dma_start3A_130 : memref<128xi32, #tpu.memory_space<vmem>>) semaphore(%run_scoped3A_123 : memref<!tpu.dma_semaphore, #tpu.memory_space<semaphore_mem>>) {add = true}
        %dma_wait3A_134 = arith.constant 0 : i32
        %dma_wait3A_135 = arith.constant 0 : i32
        %dma_wait3A_136 = tpu.memref_slice %arg8[%run_scoped3A_121, %dma_wait3A_134, %dma_wait3A_135] : memref<2x128x128xf32, #tpu.memory_space<vmem>> -> memref<1x128x128xf32, #tpu.memory_space<vmem>>
        %dma_wait3A_137 = tpu.memref_squeeze %dma_wait3A_136 : memref<1x128x128xf32, #tpu.memory_space<vmem>> -> memref<128x128xf32, #tpu.memory_space<vmem>>
        %dma_wait3A_138 = arith.constant 0 : i32
        %dma_wait3A_139 = tpu.memref_slice %arg7[%run_scoped3A_122, %dma_wait3A_138] : memref<2x128xi32, #tpu.memory_space<vmem>> -> memref<1x128xi32, #tpu.memory_space<vmem>>
        %dma_wait3A_140 = tpu.memref_squeeze %dma_wait3A_139 : memref<1x128xi32, #tpu.memory_space<vmem>> -> memref<128xi32, #tpu.memory_space<vmem>>
        %dma_wait3A_141 = arith.constant 0 : i32
        %dma_wait3A_142 = arith.constant 0 : i32
        %dma_wait3A_143 = tpu.memref_slice %arg9[%dma_wait3A_141, %dma_wait3A_142] : memref<10240x128xf32, #tpu.memory_space<vmem_shared>> -> memref<10240x128xf32, #tpu.memory_space<vmem_shared>>
        tpu.wait_indirect_dma semaphore(%run_scoped3A_123 : memref<!tpu.dma_semaphore, #tpu.memory_space<semaphore_mem>>) src(%dma_wait3A_137 : memref<128x128xf32, #tpu.memory_space<vmem>>) dst(%dma_wait3A_143 : memref<10240x128xf32, #tpu.memory_space<vmem_shared>>)
        tpu.yield
      }) : () -> ()
    }
    %scan3A_23 = arith.constant 79 : i32
    %barrier3A_24 = arith.constant 0 : index
    tpu.barrier barrier_id(%barrier3A_24)
    %add3A_25 = arith.constant 0 : i32
    %add3A_26 = arith.addi %mul3A_5, %add3A_25 : i32
    %run_scoped3A_27 = arith.constant 0 : i32
    "tpu.region"() ({
      %run_scoped3A_55 = tpu.sem_alloc : memref<!tpu.dma_semaphore, #tpu.memory_space<semaphore_mem>>
      %dma_start3A = arith.constant 0 : i32
      %dma_start3A_56 = arith.constant 0 : i32
      %dma_start3A_57 = tpu.memref_slice %arg8[%run_scoped3A_27, %dma_start3A, %dma_start3A_56] : memref<2x128x128xf32, #tpu.memory_space<vmem>> -> memref<1x128x128xf32, #tpu.memory_space<vmem>>
      %dma_start3A_58 = tpu.memref_squeeze %dma_start3A_57 : memref<1x128x128xf32, #tpu.memory_space<vmem>> -> memref<128x128xf32, #tpu.memory_space<vmem>>
      %dma_start3A_59 = arith.constant 0 : i32
      %dma_start3A_60 = tpu.memref_slice %arg9[%add3A_26, %dma_start3A_59] : memref<10240x128xf32, #tpu.memory_space<vmem_shared>> -> memref<128x128xf32, #tpu.memory_space<vmem_shared>>
      %dma_start3A_61 = arith.constant 0 : i32
      %dma_start3A_62 = arith.constant 0 : i32
      %dma_start3A_63 = tpu.memref_slice %arg8[%run_scoped3A_27, %dma_start3A_61, %dma_start3A_62] : memref<2x128x128xf32, #tpu.memory_space<vmem>> -> memref<1x128x128xf32, #tpu.memory_space<vmem>>
      %dma_start3A_64 = tpu.memref_squeeze %dma_start3A_63 : memref<1x128x128xf32, #tpu.memory_space<vmem>> -> memref<128x128xf32, #tpu.memory_space<vmem>>
      %dma_start3A_65 = arith.constant 0 : i32
      %dma_start3A_66 = tpu.memref_slice %arg9[%add3A_26, %dma_start3A_65] : memref<10240x128xf32, #tpu.memory_space<vmem_shared>> -> memref<128x128xf32, #tpu.memory_space<vmem_shared>>
      tpu.enqueue_dma source(%dma_start3A_66 : memref<128x128xf32, #tpu.memory_space<vmem_shared>>) target(%dma_start3A_64 : memref<128x128xf32, #tpu.memory_space<vmem>>) target_semaphore(%run_scoped3A_55 : memref<!tpu.dma_semaphore, #tpu.memory_space<semaphore_mem>>)
      %dma_wait3A = arith.constant 0 : i32
      %dma_wait3A_67 = arith.constant 0 : i32
      %dma_wait3A_68 = tpu.memref_slice %arg8[%run_scoped3A_27, %dma_wait3A, %dma_wait3A_67] : memref<2x128x128xf32, #tpu.memory_space<vmem>> -> memref<1x128x128xf32, #tpu.memory_space<vmem>>
      %dma_wait3A_69 = tpu.memref_squeeze %dma_wait3A_68 : memref<1x128x128xf32, #tpu.memory_space<vmem>> -> memref<128x128xf32, #tpu.memory_space<vmem>>
      %dma_wait3A_70 = arith.constant 0 : i32
      %dma_wait3A_71 = tpu.memref_slice %arg9[%add3A_26, %dma_wait3A_70] : memref<10240x128xf32, #tpu.memory_space<vmem_shared>> -> memref<128x128xf32, #tpu.memory_space<vmem_shared>>
      %dma_wait3A_72 = arith.constant 0 : i32
      %dma_wait3A_73 = arith.constant 0 : i32
      %dma_wait3A_74 = tpu.memref_slice %arg8[%run_scoped3A_27, %dma_wait3A_72, %dma_wait3A_73] : memref<2x128x128xf32, #tpu.memory_space<vmem>> -> memref<1x128x128xf32, #tpu.memory_space<vmem>>
      %dma_wait3A_75 = tpu.memref_squeeze %dma_wait3A_74 : memref<1x128x128xf32, #tpu.memory_space<vmem>> -> memref<128x128xf32, #tpu.memory_space<vmem>>
      %dma_wait3A_76 = arith.constant 0 : i32
      %dma_wait3A_77 = tpu.memref_slice %arg9[%add3A_26, %dma_wait3A_76] : memref<10240x128xf32, #tpu.memory_space<vmem_shared>> -> memref<128x128xf32, #tpu.memory_space<vmem_shared>>
      tpu.wait_dma2 semaphore(%run_scoped3A_55 : memref<!tpu.dma_semaphore, #tpu.memory_space<semaphore_mem>>) src(%dma_wait3A_77 : memref<128x128xf32, #tpu.memory_space<vmem_shared>>) dst(%dma_wait3A_75 : memref<128x128xf32, #tpu.memory_space<vmem>>)
      tpu.yield
    }) : () -> ()
    %add3A_28 = arith.constant 0 : i32
    %add3A_29 = arith.addi %mul3A_5, %add3A_28 : i32
    %run_scoped3A_30 = arith.constant 0 : i32
    "tpu.region"() ({
      %run_scoped3A_55 = tpu.sem_alloc : memref<!tpu.dma_semaphore, #tpu.memory_space<semaphore_mem>>
      %dma_start3A = arith.constant 0 : i32
      %dma_start3A_56 = arith.constant 0 : i32
      %dma_start3A_57 = tpu.memref_slice %arg8[%run_scoped3A_30, %dma_start3A, %dma_start3A_56] : memref<2x128x128xf32, #tpu.memory_space<vmem>> -> memref<1x128x128xf32, #tpu.memory_space<vmem>>
      %dma_start3A_58 = tpu.memref_squeeze %dma_start3A_57 : memref<1x128x128xf32, #tpu.memory_space<vmem>> -> memref<128x128xf32, #tpu.memory_space<vmem>>
      %dma_start3A_59 = arith.constant 0 : i32
      %dma_start3A_60 = tpu.memref_slice %arg5[%add3A_29, %dma_start3A_59] : memref<10240x128xf32, #tpu.memory_space<hbm>> -> memref<128x128xf32, #tpu.memory_space<hbm>>
      %dma_start3A_61 = arith.constant 0 : i32
      %dma_start3A_62 = tpu.memref_slice %arg5[%add3A_29, %dma_start3A_61] : memref<10240x128xf32, #tpu.memory_space<hbm>> -> memref<128x128xf32, #tpu.memory_space<hbm>>
      %dma_start3A_63 = arith.constant 0 : i32
      %dma_start3A_64 = arith.constant 0 : i32
      %dma_start3A_65 = tpu.memref_slice %arg8[%run_scoped3A_30, %dma_start3A_63, %dma_start3A_64] : memref<2x128x128xf32, #tpu.memory_space<vmem>> -> memref<1x128x128xf32, #tpu.memory_space<vmem>>
      %dma_start3A_66 = tpu.memref_squeeze %dma_start3A_65 : memref<1x128x128xf32, #tpu.memory_space<vmem>> -> memref<128x128xf32, #tpu.memory_space<vmem>>
      tpu.enqueue_dma source(%dma_start3A_66 : memref<128x128xf32, #tpu.memory_space<vmem>>) target(%dma_start3A_62 : memref<128x128xf32, #tpu.memory_space<hbm>>) target_semaphore(%run_scoped3A_55 : memref<!tpu.dma_semaphore, #tpu.memory_space<semaphore_mem>>)
      %dma_wait3A = arith.constant 0 : i32
      %dma_wait3A_67 = arith.constant 0 : i32
      %dma_wait3A_68 = tpu.memref_slice %arg8[%run_scoped3A_30, %dma_wait3A, %dma_wait3A_67] : memref<2x128x128xf32, #tpu.memory_space<vmem>> -> memref<1x128x128xf32, #tpu.memory_space<vmem>>
      %dma_wait3A_69 = tpu.memref_squeeze %dma_wait3A_68 : memref<1x128x128xf32, #tpu.memory_space<vmem>> -> memref<128x128xf32, #tpu.memory_space<vmem>>
      %dma_wait3A_70 = arith.constant 0 : i32
      %dma_wait3A_71 = tpu.memref_slice %arg5[%add3A_29, %dma_wait3A_70] : memref<10240x128xf32, #tpu.memory_space<hbm>> -> memref<128x128xf32, #tpu.memory_space<hbm>>
      %dma_wait3A_72 = arith.constant 0 : i32
      %dma_wait3A_73 = tpu.memref_slice %arg5[%add3A_29, %dma_wait3A_72] : memref<10240x128xf32, #tpu.memory_space<hbm>> -> memref<128x128xf32, #tpu.memory_space<hbm>>
      %dma_wait3A_74 = arith.constant 0 : i32
      %dma_wait3A_75 = arith.constant 0 : i32
      %dma_wait3A_76 = tpu.memref_slice %arg8[%run_scoped3A_30, %dma_wait3A_74, %dma_wait3A_75] : memref<2x128x128xf32, #tpu.memory_space<vmem>> -> memref<1x128x128xf32, #tpu.memory_space<vmem>>
      %dma_wait3A_77 = tpu.memref_squeeze %dma_wait3A_76 : memref<1x128x128xf32, #tpu.memory_space<vmem>> -> memref<128x128xf32, #tpu.memory_space<vmem>>
      tpu.wait_dma2 semaphore(%run_scoped3A_55 : memref<!tpu.dma_semaphore, #tpu.memory_space<semaphore_mem>>) src(%dma_wait3A_77 : memref<128x128xf32, #tpu.memory_space<vmem>>) dst(%dma_wait3A_73 : memref<128x128xf32, #tpu.memory_space<hbm>>)
      tpu.yield
    }) : () -> ()
    %add3A_31 = arith.constant 128 : i32
    %add3A_32 = arith.addi %mul3A_5, %add3A_31 : i32
    %run_scoped3A_33 = arith.constant 0 : i32
    "tpu.region"() ({
      %run_scoped3A_55 = tpu.sem_alloc : memref<!tpu.dma_semaphore, #tpu.memory_space<semaphore_mem>>
      %dma_start3A = arith.constant 0 : i32
      %dma_start3A_56 = arith.constant 0 : i32
      %dma_start3A_57 = tpu.memref_slice %arg8[%run_scoped3A_33, %dma_start3A, %dma_start3A_56] : memref<2x128x128xf32, #tpu.memory_space<vmem>> -> memref<1x128x128xf32, #tpu.memory_space<vmem>>
      %dma_start3A_58 = tpu.memref_squeeze %dma_start3A_57 : memref<1x128x128xf32, #tpu.memory_space<vmem>> -> memref<128x128xf32, #tpu.memory_space<vmem>>
      %dma_start3A_59 = arith.constant 0 : i32
      %dma_start3A_60 = tpu.memref_slice %arg9[%add3A_32, %dma_start3A_59] : memref<10240x128xf32, #tpu.memory_space<vmem_shared>> -> memref<128x128xf32, #tpu.memory_space<vmem_shared>>
      %dma_start3A_61 = arith.constant 0 : i32
      %dma_start3A_62 = arith.constant 0 : i32
      %dma_start3A_63 = tpu.memref_slice %arg8[%run_scoped3A_33, %dma_start3A_61, %dma_start3A_62] : memref<2x128x128xf32, #tpu.memory_space<vmem>> -> memref<1x128x128xf32, #tpu.memory_space<vmem>>
      %dma_start3A_64 = tpu.memref_squeeze %dma_start3A_63 : memref<1x128x128xf32, #tpu.memory_space<vmem>> -> memref<128x128xf32, #tpu.memory_space<vmem>>
      %dma_start3A_65 = arith.constant 0 : i32
      %dma_start3A_66 = tpu.memref_slice %arg9[%add3A_32, %dma_start3A_65] : memref<10240x128xf32, #tpu.memory_space<vmem_shared>> -> memref<128x128xf32, #tpu.memory_space<vmem_shared>>
      tpu.enqueue_dma source(%dma_start3A_66 : memref<128x128xf32, #tpu.memory_space<vmem_shared>>) target(%dma_start3A_64 : memref<128x128xf32, #tpu.memory_space<vmem>>) target_semaphore(%run_scoped3A_55 : memref<!tpu.dma_semaphore, #tpu.memory_space<semaphore_mem>>)
      %dma_wait3A = arith.constant 0 : i32
      %dma_wait3A_67 = arith.constant 0 : i32
      %dma_wait3A_68 = tpu.memref_slice %arg8[%run_scoped3A_33, %dma_wait3A, %dma_wait3A_67] : memref<2x128x128xf32, #tpu.memory_space<vmem>> -> memref<1x128x128xf32, #tpu.memory_space<vmem>>
      %dma_wait3A_69 = tpu.memref_squeeze %dma_wait3A_68 : memref<1x128x128xf32, #tpu.memory_space<vmem>> -> memref<128x128xf32, #tpu.memory_space<vmem>>
      %dma_wait3A_70 = arith.constant 0 : i32
      %dma_wait3A_71 = tpu.memref_slice %arg9[%add3A_32, %dma_wait3A_70] : memref<10240x128xf32, #tpu.memory_space<vmem_shared>> -> memref<128x128xf32, #tpu.memory_space<vmem_shared>>
      %dma_wait3A_72 = arith.constant 0 : i32
      %dma_wait3A_73 = arith.constant 0 : i32
      %dma_wait3A_74 = tpu.memref_slice %arg8[%run_scoped3A_33, %dma_wait3A_72, %dma_wait3A_73] : memref<2x128x128xf32, #tpu.memory_space<vmem>> -> memref<1x128x128xf32, #tpu.memory_space<vmem>>
      %dma_wait3A_75 = tpu.memref_squeeze %dma_wait3A_74 : memref<1x128x128xf32, #tpu.memory_space<vmem>> -> memref<128x128xf32, #tpu.memory_space<vmem>>
      %dma_wait3A_76 = arith.constant 0 : i32
      %dma_wait3A_77 = tpu.memref_slice %arg9[%add3A_32, %dma_wait3A_76] : memref<10240x128xf32, #tpu.memory_space<vmem_shared>> -> memref<128x128xf32, #tpu.memory_space<vmem_shared>>
      tpu.wait_dma2 semaphore(%run_scoped3A_55 : memref<!tpu.dma_semaphore, #tpu.memory_space<semaphore_mem>>) src(%dma_wait3A_77 : memref<128x128xf32, #tpu.memory_space<vmem_shared>>) dst(%dma_wait3A_75 : memref<128x128xf32, #tpu.memory_space<vmem>>)
      tpu.yield
    }) : () -> ()
    %add3A_34 = arith.constant 128 : i32
    %add3A_35 = arith.addi %mul3A_5, %add3A_34 : i32
    %run_scoped3A_36 = arith.constant 0 : i32
    "tpu.region"() ({
      %run_scoped3A_55 = tpu.sem_alloc : memref<!tpu.dma_semaphore, #tpu.memory_space<semaphore_mem>>
      %dma_start3A = arith.constant 0 : i32
      %dma_start3A_56 = arith.constant 0 : i32
      %dma_start3A_57 = tpu.memref_slice %arg8[%run_scoped3A_36, %dma_start3A, %dma_start3A_56] : memref<2x128x128xf32, #tpu.memory_space<vmem>> -> memref<1x128x128xf32, #tpu.memory_space<vmem>>
      %dma_start3A_58 = tpu.memref_squeeze %dma_start3A_57 : memref<1x128x128xf32, #tpu.memory_space<vmem>> -> memref<128x128xf32, #tpu.memory_space<vmem>>
      %dma_start3A_59 = arith.constant 0 : i32
      %dma_start3A_60 = tpu.memref_slice %arg5[%add3A_35, %dma_start3A_59] : memref<10240x128xf32, #tpu.memory_space<hbm>> -> memref<128x128xf32, #tpu.memory_space<hbm>>
      %dma_start3A_61 = arith.constant 0 : i32
      %dma_start3A_62 = tpu.memref_slice %arg5[%add3A_35, %dma_start3A_61] : memref<10240x128xf32, #tpu.memory_space<hbm>> -> memref<128x128xf32, #tpu.memory_space<hbm>>
      %dma_start3A_63 = arith.constant 0 : i32
      %dma_start3A_64 = arith.constant 0 : i32
      %dma_start3A_65 = tpu.memref_slice %arg8[%run_scoped3A_36, %dma_start3A_63, %dma_start3A_64] : memref<2x128x128xf32, #tpu.memory_space<vmem>> -> memref<1x128x128xf32, #tpu.memory_space<vmem>>
      %dma_start3A_66 = tpu.memref_squeeze %dma_start3A_65 : memref<1x128x128xf32, #tpu.memory_space<vmem>> -> memref<128x128xf32, #tpu.memory_space<vmem>>
      tpu.enqueue_dma source(%dma_start3A_66 : memref<128x128xf32, #tpu.memory_space<vmem>>) target(%dma_start3A_62 : memref<128x128xf32, #tpu.memory_space<hbm>>) target_semaphore(%run_scoped3A_55 : memref<!tpu.dma_semaphore, #tpu.memory_space<semaphore_mem>>)
      %dma_wait3A = arith.constant 0 : i32
      %dma_wait3A_67 = arith.constant 0 : i32
      %dma_wait3A_68 = tpu.memref_slice %arg8[%run_scoped3A_36, %dma_wait3A, %dma_wait3A_67] : memref<2x128x128xf32, #tpu.memory_space<vmem>> -> memref<1x128x128xf32, #tpu.memory_space<vmem>>
      %dma_wait3A_69 = tpu.memref_squeeze %dma_wait3A_68 : memref<1x128x128xf32, #tpu.memory_space<vmem>> -> memref<128x128xf32, #tpu.memory_space<vmem>>
      %dma_wait3A_70 = arith.constant 0 : i32
      %dma_wait3A_71 = tpu.memref_slice %arg5[%add3A_35, %dma_wait3A_70] : memref<10240x128xf32, #tpu.memory_space<hbm>> -> memref<128x128xf32, #tpu.memory_space<hbm>>
      %dma_wait3A_72 = arith.constant 0 : i32
      %dma_wait3A_73 = tpu.memref_slice %arg5[%add3A_35, %dma_wait3A_72] : memref<10240x128xf32, #tpu.memory_space<hbm>> -> memref<128x128xf32, #tpu.memory_space<hbm>>
      %dma_wait3A_74 = arith.constant 0 : i32
      %dma_wait3A_75 = arith.constant 0 : i32
      %dma_wait3A_76 = tpu.memref_slice %arg8[%run_scoped3A_36, %dma_wait3A_74, %dma_wait3A_75] : memref<2x128x128xf32, #tpu.memory_space<vmem>> -> memref<1x128x128xf32, #tpu.memory_space<vmem>>
      %dma_wait3A_77 = tpu.memref_squeeze %dma_wait3A_76 : memref<1x128x128xf32, #tpu.memory_space<vmem>> -> memref<128x128xf32, #tpu.memory_space<vmem>>
      tpu.wait_dma2 semaphore(%run_scoped3A_55 : memref<!tpu.dma_semaphore, #tpu.memory_space<semaphore_mem>>) src(%dma_wait3A_77 : memref<128x128xf32, #tpu.memory_space<vmem>>) dst(%dma_wait3A_73 : memref<128x128xf32, #tpu.memory_space<hbm>>)
      tpu.yield
    }) : () -> ()
    %add3A_37 = arith.constant 256 : i32
    %add3A_38 = arith.addi %mul3A_5, %add3A_37 : i32
    %run_scoped3A_39 = arith.constant 0 : i32
    "tpu.region"() ({
      %run_scoped3A_55 = tpu.sem_alloc : memref<!tpu.dma_semaphore, #tpu.memory_space<semaphore_mem>>
      %dma_start3A = arith.constant 0 : i32
      %dma_start3A_56 = arith.constant 0 : i32
      %dma_start3A_57 = tpu.memref_slice %arg8[%run_scoped3A_39, %dma_start3A, %dma_start3A_56] : memref<2x128x128xf32, #tpu.memory_space<vmem>> -> memref<1x128x128xf32, #tpu.memory_space<vmem>>
      %dma_start3A_58 = tpu.memref_squeeze %dma_start3A_57 : memref<1x128x128xf32, #tpu.memory_space<vmem>> -> memref<128x128xf32, #tpu.memory_space<vmem>>
      %dma_start3A_59 = arith.constant 0 : i32
      %dma_start3A_60 = tpu.memref_slice %arg9[%add3A_38, %dma_start3A_59] : memref<10240x128xf32, #tpu.memory_space<vmem_shared>> -> memref<128x128xf32, #tpu.memory_space<vmem_shared>>
      %dma_start3A_61 = arith.constant 0 : i32
      %dma_start3A_62 = arith.constant 0 : i32
      %dma_start3A_63 = tpu.memref_slice %arg8[%run_scoped3A_39, %dma_start3A_61, %dma_start3A_62] : memref<2x128x128xf32, #tpu.memory_space<vmem>> -> memref<1x128x128xf32, #tpu.memory_space<vmem>>
      %dma_start3A_64 = tpu.memref_squeeze %dma_start3A_63 : memref<1x128x128xf32, #tpu.memory_space<vmem>> -> memref<128x128xf32, #tpu.memory_space<vmem>>
      %dma_start3A_65 = arith.constant 0 : i32
      %dma_start3A_66 = tpu.memref_slice %arg9[%add3A_38, %dma_start3A_65] : memref<10240x128xf32, #tpu.memory_space<vmem_shared>> -> memref<128x128xf32, #tpu.memory_space<vmem_shared>>
      tpu.enqueue_dma source(%dma_start3A_66 : memref<128x128xf32, #tpu.memory_space<vmem_shared>>) target(%dma_start3A_64 : memref<128x128xf32, #tpu.memory_space<vmem>>) target_semaphore(%run_scoped3A_55 : memref<!tpu.dma_semaphore, #tpu.memory_space<semaphore_mem>>)
      %dma_wait3A = arith.constant 0 : i32
      %dma_wait3A_67 = arith.constant 0 : i32
      %dma_wait3A_68 = tpu.memref_slice %arg8[%run_scoped3A_39, %dma_wait3A, %dma_wait3A_67] : memref<2x128x128xf32, #tpu.memory_space<vmem>> -> memref<1x128x128xf32, #tpu.memory_space<vmem>>
      %dma_wait3A_69 = tpu.memref_squeeze %dma_wait3A_68 : memref<1x128x128xf32, #tpu.memory_space<vmem>> -> memref<128x128xf32, #tpu.memory_space<vmem>>
      %dma_wait3A_70 = arith.constant 0 : i32
      %dma_wait3A_71 = tpu.memref_slice %arg9[%add3A_38, %dma_wait3A_70] : memref<10240x128xf32, #tpu.memory_space<vmem_shared>> -> memref<128x128xf32, #tpu.memory_space<vmem_shared>>
      %dma_wait3A_72 = arith.constant 0 : i32
      %dma_wait3A_73 = arith.constant 0 : i32
      %dma_wait3A_74 = tpu.memref_slice %arg8[%run_scoped3A_39, %dma_wait3A_72, %dma_wait3A_73] : memref<2x128x128xf32, #tpu.memory_space<vmem>> -> memref<1x128x128xf32, #tpu.memory_space<vmem>>
      %dma_wait3A_75 = tpu.memref_squeeze %dma_wait3A_74 : memref<1x128x128xf32, #tpu.memory_space<vmem>> -> memref<128x128xf32, #tpu.memory_space<vmem>>
      %dma_wait3A_76 = arith.constant 0 : i32
      %dma_wait3A_77 = tpu.memref_slice %arg9[%add3A_38, %dma_wait3A_76] : memref<10240x128xf32, #tpu.memory_space<vmem_shared>> -> memref<128x128xf32, #tpu.memory_space<vmem_shared>>
      tpu.wait_dma2 semaphore(%run_scoped3A_55 : memref<!tpu.dma_semaphore, #tpu.memory_space<semaphore_mem>>) src(%dma_wait3A_77 : memref<128x128xf32, #tpu.memory_space<vmem_shared>>) dst(%dma_wait3A_75 : memref<128x128xf32, #tpu.memory_space<vmem>>)
      tpu.yield
    }) : () -> ()
    %add3A_40 = arith.constant 256 : i32
    %add3A_41 = arith.addi %mul3A_5, %add3A_40 : i32
    %run_scoped3A_42 = arith.constant 0 : i32
    "tpu.region"() ({
      %run_scoped3A_55 = tpu.sem_alloc : memref<!tpu.dma_semaphore, #tpu.memory_space<semaphore_mem>>
      %dma_start3A = arith.constant 0 : i32
      %dma_start3A_56 = arith.constant 0 : i32
      %dma_start3A_57 = tpu.memref_slice %arg8[%run_scoped3A_42, %dma_start3A, %dma_start3A_56] : memref<2x128x128xf32, #tpu.memory_space<vmem>> -> memref<1x128x128xf32, #tpu.memory_space<vmem>>
      %dma_start3A_58 = tpu.memref_squeeze %dma_start3A_57 : memref<1x128x128xf32, #tpu.memory_space<vmem>> -> memref<128x128xf32, #tpu.memory_space<vmem>>
      %dma_start3A_59 = arith.constant 0 : i32
      %dma_start3A_60 = tpu.memref_slice %arg5[%add3A_41, %dma_start3A_59] : memref<10240x128xf32, #tpu.memory_space<hbm>> -> memref<128x128xf32, #tpu.memory_space<hbm>>
      %dma_start3A_61 = arith.constant 0 : i32
      %dma_start3A_62 = tpu.memref_slice %arg5[%add3A_41, %dma_start3A_61] : memref<10240x128xf32, #tpu.memory_space<hbm>> -> memref<128x128xf32, #tpu.memory_space<hbm>>
      %dma_start3A_63 = arith.constant 0 : i32
      %dma_start3A_64 = arith.constant 0 : i32
      %dma_start3A_65 = tpu.memref_slice %arg8[%run_scoped3A_42, %dma_start3A_63, %dma_start3A_64] : memref<2x128x128xf32, #tpu.memory_space<vmem>> -> memref<1x128x128xf32, #tpu.memory_space<vmem>>
      %dma_start3A_66 = tpu.memref_squeeze %dma_start3A_65 : memref<1x128x128xf32, #tpu.memory_space<vmem>> -> memref<128x128xf32, #tpu.memory_space<vmem>>
      tpu.enqueue_dma source(%dma_start3A_66 : memref<128x128xf32, #tpu.memory_space<vmem>>) target(%dma_start3A_62 : memref<128x128xf32, #tpu.memory_space<hbm>>) target_semaphore(%run_scoped3A_55 : memref<!tpu.dma_semaphore, #tpu.memory_space<semaphore_mem>>)
      %dma_wait3A = arith.constant 0 : i32
      %dma_wait3A_67 = arith.constant 0 : i32
      %dma_wait3A_68 = tpu.memref_slice %arg8[%run_scoped3A_42, %dma_wait3A, %dma_wait3A_67] : memref<2x128x128xf32, #tpu.memory_space<vmem>> -> memref<1x128x128xf32, #tpu.memory_space<vmem>>
      %dma_wait3A_69 = tpu.memref_squeeze %dma_wait3A_68 : memref<1x128x128xf32, #tpu.memory_space<vmem>> -> memref<128x128xf32, #tpu.memory_space<vmem>>
      %dma_wait3A_70 = arith.constant 0 : i32
      %dma_wait3A_71 = tpu.memref_slice %arg5[%add3A_41, %dma_wait3A_70] : memref<10240x128xf32, #tpu.memory_space<hbm>> -> memref<128x128xf32, #tpu.memory_space<hbm>>
      %dma_wait3A_72 = arith.constant 0 : i32
      %dma_wait3A_73 = tpu.memref_slice %arg5[%add3A_41, %dma_wait3A_72] : memref<10240x128xf32, #tpu.memory_space<hbm>> -> memref<128x128xf32, #tpu.memory_space<hbm>>
      %dma_wait3A_74 = arith.constant 0 : i32
      %dma_wait3A_75 = arith.constant 0 : i32
      %dma_wait3A_76 = tpu.memref_slice %arg8[%run_scoped3A_42, %dma_wait3A_74, %dma_wait3A_75] : memref<2x128x128xf32, #tpu.memory_space<vmem>> -> memref<1x128x128xf32, #tpu.memory_space<vmem>>
      %dma_wait3A_77 = tpu.memref_squeeze %dma_wait3A_76 : memref<1x128x128xf32, #tpu.memory_space<vmem>> -> memref<128x128xf32, #tpu.memory_space<vmem>>
      tpu.wait_dma2 semaphore(%run_scoped3A_55 : memref<!tpu.dma_semaphore, #tpu.memory_space<semaphore_mem>>) src(%dma_wait3A_77 : memref<128x128xf32, #tpu.memory_space<vmem>>) dst(%dma_wait3A_73 : memref<128x128xf32, #tpu.memory_space<hbm>>)
      tpu.yield
    }) : () -> ()
    %add3A_43 = arith.constant 384 : i32
    %add3A_44 = arith.addi %mul3A_5, %add3A_43 : i32
    %run_scoped3A_45 = arith.constant 0 : i32
    "tpu.region"() ({
      %run_scoped3A_55 = tpu.sem_alloc : memref<!tpu.dma_semaphore, #tpu.memory_space<semaphore_mem>>
      %dma_start3A = arith.constant 0 : i32
      %dma_start3A_56 = arith.constant 0 : i32
      %dma_start3A_57 = tpu.memref_slice %arg8[%run_scoped3A_45, %dma_start3A, %dma_start3A_56] : memref<2x128x128xf32, #tpu.memory_space<vmem>> -> memref<1x128x128xf32, #tpu.memory_space<vmem>>
      %dma_start3A_58 = tpu.memref_squeeze %dma_start3A_57 : memref<1x128x128xf32, #tpu.memory_space<vmem>> -> memref<128x128xf32, #tpu.memory_space<vmem>>
      %dma_start3A_59 = arith.constant 0 : i32
      %dma_start3A_60 = tpu.memref_slice %arg9[%add3A_44, %dma_start3A_59] : memref<10240x128xf32, #tpu.memory_space<vmem_shared>> -> memref<128x128xf32, #tpu.memory_space<vmem_shared>>
      %dma_start3A_61 = arith.constant 0 : i32
      %dma_start3A_62 = arith.constant 0 : i32
      %dma_start3A_63 = tpu.memref_slice %arg8[%run_scoped3A_45, %dma_start3A_61, %dma_start3A_62] : memref<2x128x128xf32, #tpu.memory_space<vmem>> -> memref<1x128x128xf32, #tpu.memory_space<vmem>>
      %dma_start3A_64 = tpu.memref_squeeze %dma_start3A_63 : memref<1x128x128xf32, #tpu.memory_space<vmem>> -> memref<128x128xf32, #tpu.memory_space<vmem>>
      %dma_start3A_65 = arith.constant 0 : i32
      %dma_start3A_66 = tpu.memref_slice %arg9[%add3A_44, %dma_start3A_65] : memref<10240x128xf32, #tpu.memory_space<vmem_shared>> -> memref<128x128xf32, #tpu.memory_space<vmem_shared>>
      tpu.enqueue_dma source(%dma_start3A_66 : memref<128x128xf32, #tpu.memory_space<vmem_shared>>) target(%dma_start3A_64 : memref<128x128xf32, #tpu.memory_space<vmem>>) target_semaphore(%run_scoped3A_55 : memref<!tpu.dma_semaphore, #tpu.memory_space<semaphore_mem>>)
      %dma_wait3A = arith.constant 0 : i32
      %dma_wait3A_67 = arith.constant 0 : i32
      %dma_wait3A_68 = tpu.memref_slice %arg8[%run_scoped3A_45, %dma_wait3A, %dma_wait3A_67] : memref<2x128x128xf32, #tpu.memory_space<vmem>> -> memref<1x128x128xf32, #tpu.memory_space<vmem>>
      %dma_wait3A_69 = tpu.memref_squeeze %dma_wait3A_68 : memref<1x128x128xf32, #tpu.memory_space<vmem>> -> memref<128x128xf32, #tpu.memory_space<vmem>>
      %dma_wait3A_70 = arith.constant 0 : i32
      %dma_wait3A_71 = tpu.memref_slice %arg9[%add3A_44, %dma_wait3A_70] : memref<10240x128xf32, #tpu.memory_space<vmem_shared>> -> memref<128x128xf32, #tpu.memory_space<vmem_shared>>
      %dma_wait3A_72 = arith.constant 0 : i32
      %dma_wait3A_73 = arith.constant 0 : i32
      %dma_wait3A_74 = tpu.memref_slice %arg8[%run_scoped3A_45, %dma_wait3A_72, %dma_wait3A_73] : memref<2x128x128xf32, #tpu.memory_space<vmem>> -> memref<1x128x128xf32, #tpu.memory_space<vmem>>
      %dma_wait3A_75 = tpu.memref_squeeze %dma_wait3A_74 : memref<1x128x128xf32, #tpu.memory_space<vmem>> -> memref<128x128xf32, #tpu.memory_space<vmem>>
      %dma_wait3A_76 = arith.constant 0 : i32
      %dma_wait3A_77 = tpu.memref_slice %arg9[%add3A_44, %dma_wait3A_76] : memref<10240x128xf32, #tpu.memory_space<vmem_shared>> -> memref<128x128xf32, #tpu.memory_space<vmem_shared>>
      tpu.wait_dma2 semaphore(%run_scoped3A_55 : memref<!tpu.dma_semaphore, #tpu.memory_space<semaphore_mem>>) src(%dma_wait3A_77 : memref<128x128xf32, #tpu.memory_space<vmem_shared>>) dst(%dma_wait3A_75 : memref<128x128xf32, #tpu.memory_space<vmem>>)
      tpu.yield
    }) : () -> ()
    %add3A_46 = arith.constant 384 : i32
    %add3A_47 = arith.addi %mul3A_5, %add3A_46 : i32
    %run_scoped3A_48 = arith.constant 0 : i32
    "tpu.region"() ({
      %run_scoped3A_55 = tpu.sem_alloc : memref<!tpu.dma_semaphore, #tpu.memory_space<semaphore_mem>>
      %dma_start3A = arith.constant 0 : i32
      %dma_start3A_56 = arith.constant 0 : i32
      %dma_start3A_57 = tpu.memref_slice %arg8[%run_scoped3A_48, %dma_start3A, %dma_start3A_56] : memref<2x128x128xf32, #tpu.memory_space<vmem>> -> memref<1x128x128xf32, #tpu.memory_space<vmem>>
      %dma_start3A_58 = tpu.memref_squeeze %dma_start3A_57 : memref<1x128x128xf32, #tpu.memory_space<vmem>> -> memref<128x128xf32, #tpu.memory_space<vmem>>
      %dma_start3A_59 = arith.constant 0 : i32
      %dma_start3A_60 = tpu.memref_slice %arg5[%add3A_47, %dma_start3A_59] : memref<10240x128xf32, #tpu.memory_space<hbm>> -> memref<128x128xf32, #tpu.memory_space<hbm>>
      %dma_start3A_61 = arith.constant 0 : i32
      %dma_start3A_62 = tpu.memref_slice %arg5[%add3A_47, %dma_start3A_61] : memref<10240x128xf32, #tpu.memory_space<hbm>> -> memref<128x128xf32, #tpu.memory_space<hbm>>
      %dma_start3A_63 = arith.constant 0 : i32
      %dma_start3A_64 = arith.constant 0 : i32
      %dma_start3A_65 = tpu.memref_slice %arg8[%run_scoped3A_48, %dma_start3A_63, %dma_start3A_64] : memref<2x128x128xf32, #tpu.memory_space<vmem>> -> memref<1x128x128xf32, #tpu.memory_space<vmem>>
      %dma_start3A_66 = tpu.memref_squeeze %dma_start3A_65 : memref<1x128x128xf32, #tpu.memory_space<vmem>> -> memref<128x128xf32, #tpu.memory_space<vmem>>
      tpu.enqueue_dma source(%dma_start3A_66 : memref<128x128xf32, #tpu.memory_space<vmem>>) target(%dma_start3A_62 : memref<128x128xf32, #tpu.memory_space<hbm>>) target_semaphore(%run_scoped3A_55 : memref<!tpu.dma_semaphore, #tpu.memory_space<semaphore_mem>>)
      %dma_wait3A = arith.constant 0 : i32
      %dma_wait3A_67 = arith.constant 0 : i32
      %dma_wait3A_68 = tpu.memref_slice %arg8[%run_scoped3A_48, %dma_wait3A, %dma_wait3A_67] : memref<2x128x128xf32, #tpu.memory_space<vmem>> -> memref<1x128x128xf32, #tpu.memory_space<vmem>>
      %dma_wait3A_69 = tpu.memref_squeeze %dma_wait3A_68 : memref<1x128x128xf32, #tpu.memory_space<vmem>> -> memref<128x128xf32, #tpu.memory_space<vmem>>
      %dma_wait3A_70 = arith.constant 0 : i32
      %dma_wait3A_71 = tpu.memref_slice %arg5[%add3A_47, %dma_wait3A_70] : memref<10240x128xf32, #tpu.memory_space<hbm>> -> memref<128x128xf32, #tpu.memory_space<hbm>>
      %dma_wait3A_72 = arith.constant 0 : i32
      %dma_wait3A_73 = tpu.memref_slice %arg5[%add3A_47, %dma_wait3A_72] : memref<10240x128xf32, #tpu.memory_space<hbm>> -> memref<128x128xf32, #tpu.memory_space<hbm>>
      %dma_wait3A_74 = arith.constant 0 : i32
      %dma_wait3A_75 = arith.constant 0 : i32
      %dma_wait3A_76 = tpu.memref_slice %arg8[%run_scoped3A_48, %dma_wait3A_74, %dma_wait3A_75] : memref<2x128x128xf32, #tpu.memory_space<vmem>> -> memref<1x128x128xf32, #tpu.memory_space<vmem>>
      %dma_wait3A_77 = tpu.memref_squeeze %dma_wait3A_76 : memref<1x128x128xf32, #tpu.memory_space<vmem>> -> memref<128x128xf32, #tpu.memory_space<vmem>>
      tpu.wait_dma2 semaphore(%run_scoped3A_55 : memref<!tpu.dma_semaphore, #tpu.memory_space<semaphore_mem>>) src(%dma_wait3A_77 : memref<128x128xf32, #tpu.memory_space<vmem>>) dst(%dma_wait3A_73 : memref<128x128xf32, #tpu.memory_space<hbm>>)
      tpu.yield
    }) : () -> ()
    %add3A_49 = arith.constant 512 : i32
    %add3A_50 = arith.addi %mul3A_5, %add3A_49 : i32
    %run_scoped3A_51 = arith.constant 0 : i32
    "tpu.region"() ({
      %run_scoped3A_55 = tpu.sem_alloc : memref<!tpu.dma_semaphore, #tpu.memory_space<semaphore_mem>>
      %dma_start3A = arith.constant 0 : i32
      %dma_start3A_56 = arith.constant 0 : i32
      %dma_start3A_57 = tpu.memref_slice %arg8[%run_scoped3A_51, %dma_start3A, %dma_start3A_56] : memref<2x128x128xf32, #tpu.memory_space<vmem>> -> memref<1x128x128xf32, #tpu.memory_space<vmem>>
      %dma_start3A_58 = tpu.memref_squeeze %dma_start3A_57 : memref<1x128x128xf32, #tpu.memory_space<vmem>> -> memref<128x128xf32, #tpu.memory_space<vmem>>
      %dma_start3A_59 = arith.constant 0 : i32
      %dma_start3A_60 = tpu.memref_slice %arg9[%add3A_50, %dma_start3A_59] : memref<10240x128xf32, #tpu.memory_space<vmem_shared>> -> memref<128x128xf32, #tpu.memory_space<vmem_shared>>
      %dma_start3A_61 = arith.constant 0 : i32
      %dma_start3A_62 = arith.constant 0 : i32
      %dma_start3A_63 = tpu.memref_slice %arg8[%run_scoped3A_51, %dma_start3A_61, %dma_start3A_62] : memref<2x128x128xf32, #tpu.memory_space<vmem>> -> memref<1x128x128xf32, #tpu.memory_space<vmem>>
      %dma_start3A_64 = tpu.memref_squeeze %dma_start3A_63 : memref<1x128x128xf32, #tpu.memory_space<vmem>> -> memref<128x128xf32, #tpu.memory_space<vmem>>
      %dma_start3A_65 = arith.constant 0 : i32
      %dma_start3A_66 = tpu.memref_slice %arg9[%add3A_50, %dma_start3A_65] : memref<10240x128xf32, #tpu.memory_space<vmem_shared>> -> memref<128x128xf32, #tpu.memory_space<vmem_shared>>
      tpu.enqueue_dma source(%dma_start3A_66 : memref<128x128xf32, #tpu.memory_space<vmem_shared>>) target(%dma_start3A_64 : memref<128x128xf32, #tpu.memory_space<vmem>>) target_semaphore(%run_scoped3A_55 : memref<!tpu.dma_semaphore, #tpu.memory_space<semaphore_mem>>)
      %dma_wait3A = arith.constant 0 : i32
      %dma_wait3A_67 = arith.constant 0 : i32
      %dma_wait3A_68 = tpu.memref_slice %arg8[%run_scoped3A_51, %dma_wait3A, %dma_wait3A_67] : memref<2x128x128xf32, #tpu.memory_space<vmem>> -> memref<1x128x128xf32, #tpu.memory_space<vmem>>
      %dma_wait3A_69 = tpu.memref_squeeze %dma_wait3A_68 : memref<1x128x128xf32, #tpu.memory_space<vmem>> -> memref<128x128xf32, #tpu.memory_space<vmem>>
      %dma_wait3A_70 = arith.constant 0 : i32
      %dma_wait3A_71 = tpu.memref_slice %arg9[%add3A_50, %dma_wait3A_70] : memref<10240x128xf32, #tpu.memory_space<vmem_shared>> -> memref<128x128xf32, #tpu.memory_space<vmem_shared>>
      %dma_wait3A_72 = arith.constant 0 : i32
      %dma_wait3A_73 = arith.constant 0 : i32
      %dma_wait3A_74 = tpu.memref_slice %arg8[%run_scoped3A_51, %dma_wait3A_72, %dma_wait3A_73] : memref<2x128x128xf32, #tpu.memory_space<vmem>> -> memref<1x128x128xf32, #tpu.memory_space<vmem>>
      %dma_wait3A_75 = tpu.memref_squeeze %dma_wait3A_74 : memref<1x128x128xf32, #tpu.memory_space<vmem>> -> memref<128x128xf32, #tpu.memory_space<vmem>>
      %dma_wait3A_76 = arith.constant 0 : i32
      %dma_wait3A_77 = tpu.memref_slice %arg9[%add3A_50, %dma_wait3A_76] : memref<10240x128xf32, #tpu.memory_space<vmem_shared>> -> memref<128x128xf32, #tpu.memory_space<vmem_shared>>
      tpu.wait_dma2 semaphore(%run_scoped3A_55 : memref<!tpu.dma_semaphore, #tpu.memory_space<semaphore_mem>>) src(%dma_wait3A_77 : memref<128x128xf32, #tpu.memory_space<vmem_shared>>) dst(%dma_wait3A_75 : memref<128x128xf32, #tpu.memory_space<vmem>>)
      tpu.yield
    }) : () -> ()
    %add3A_52 = arith.constant 512 : i32
    %add3A_53 = arith.addi %mul3A_5, %add3A_52 : i32
    %run_scoped3A_54 = arith.constant 0 : i32
    "tpu.region"() ({
      %run_scoped3A_55 = tpu.sem_alloc : memref<!tpu.dma_semaphore, #tpu.memory_space<semaphore_mem>>
      %dma_start3A = arith.constant 0 : i32
      %dma_start3A_56 = arith.constant 0 : i32
      %dma_start3A_57 = tpu.memref_slice %arg8[%run_scoped3A_54, %dma_start3A, %dma_start3A_56] : memref<2x128x128xf32, #tpu.memory_space<vmem>> -> memref<1x128x128xf32, #tpu.memory_space<vmem>>
      %dma_start3A_58 = tpu.memref_squeeze %dma_start3A_57 : memref<1x128x128xf32, #tpu.memory_space<vmem>> -> memref<128x128xf32, #tpu.memory_space<vmem>>
      %dma_start3A_59 = arith.constant 0 : i32
      %dma_start3A_60 = tpu.memref_slice %arg5[%add3A_53, %dma_start3A_59] : memref<10240x128xf32, #tpu.memory_space<hbm>> -> memref<128x128xf32, #tpu.memory_space<hbm>>
      %dma_start3A_61 = arith.constant 0 : i32
      %dma_start3A_62 = tpu.memref_slice %arg5[%add3A_53, %dma_start3A_61] : memref<10240x128xf32, #tpu.memory_space<hbm>> -> memref<128x128xf32, #tpu.memory_space<hbm>>
      %dma_start3A_63 = arith.constant 0 : i32
      %dma_start3A_64 = arith.constant 0 : i32
      %dma_start3A_65 = tpu.memref_slice %arg8[%run_scoped3A_54, %dma_start3A_63, %dma_start3A_64] : memref<2x128x128xf32, #tpu.memory_space<vmem>> -> memref<1x128x128xf32, #tpu.memory_space<vmem>>
      %dma_start3A_66 = tpu.memref_squeeze %dma_start3A_65 : memref<1x128x128xf32, #tpu.memory_space<vmem>> -> memref<128x128xf32, #tpu.memory_space<vmem>>
      tpu.enqueue_dma source(%dma_start3A_66 : memref<128x128xf32, #tpu.memory_space<vmem>>) target(%dma_start3A_62 : memref<128x128xf32, #tpu.memory_space<hbm>>) target_semaphore(%run_scoped3A_55 : memref<!tpu.dma_semaphore, #tpu.memory_space<semaphore_mem>>)
      %dma_wait3A = arith.constant 0 : i32
      %dma_wait3A_67 = arith.constant 0 : i32
      %dma_wait3A_68 = tpu.memref_slice %arg8[%run_scoped3A_54, %dma_wait3A, %dma_wait3A_67] : memref<2x128x128xf32, #tpu.memory_space<vmem>> -> memref<1x128x128xf32, #tpu.memory_space<vmem>>
      %dma_wait3A_69 = tpu.memref_squeeze %dma_wait3A_68 : memref<1x128x128xf32, #tpu.memory_space<vmem>> -> memref<128x128xf32, #tpu.memory_space<vmem>>
      %dma_wait3A_70 = arith.constant 0 : i32
      %dma_wait3A_71 = tpu.memref_slice %arg5[%add3A_53, %dma_wait3A_70] : memref<10240x128xf32, #tpu.memory_space<hbm>> -> memref<128x128xf32, #tpu.memory_space<hbm>>
      %dma_wait3A_72 = arith.constant 0 : i32
      %dma_wait3A_73 = tpu.memref_slice %arg5[%add3A_53, %dma_wait3A_72] : memref<10240x128xf32, #tpu.memory_space<hbm>> -> memref<128x128xf32, #tpu.memory_space<hbm>>
      %dma_wait3A_74 = arith.constant 0 : i32
      %dma_wait3A_75 = arith.constant 0 : i32
      %dma_wait3A_76 = tpu.memref_slice %arg8[%run_scoped3A_54, %dma_wait3A_74, %dma_wait3A_75] : memref<2x128x128xf32, #tpu.memory_space<vmem>> -> memref<1x128x128xf32, #tpu.memory_space<vmem>>
      %dma_wait3A_77 = tpu.memref_squeeze %dma_wait3A_76 : memref<1x128x128xf32, #tpu.memory_space<vmem>> -> memref<128x128xf32, #tpu.memory_space<vmem>>
      tpu.wait_dma2 semaphore(%run_scoped3A_55 : memref<!tpu.dma_semaphore, #tpu.memory_space<semaphore_mem>>) src(%dma_wait3A_77 : memref<128x128xf32, #tpu.memory_space<vmem>>) dst(%dma_wait3A_73 : memref<128x128xf32, #tpu.memory_space<hbm>>)
      tpu.yield
    }) : () -> ()
    return
  }
}

#map = affine_map<(d0, d1) -> (0)>
#map1 = affine_map<(d0, d1) -> (0, 0)>
module attributes {stable_mosaic.version = 14 : i64} {
  func.func @_agg_kernel(%arg0: i32, %arg1: i32, %arg2: memref<323584xi32, #tpu.memory_space<hbm>>, %arg3: memref<323584xi32, #tpu.memory_space<hbm>>, %arg4: memref<10240x128xf32, #tpu.memory_space<hbm>>, %arg5: memref<10240x128xf32, #tpu.memory_space<hbm>>, %arg6: memref<2x128xi32, #tpu.memory_space<vmem>>, %arg7: memref<2x128xi32, #tpu.memory_space<vmem>>, %arg8: memref<2x128x128xf32, #tpu.memory_space<vmem>>, %arg9: memref<10240x128xf32, #tpu.memory_space<vmem_shared>>, %arg10: memref<!tpu.dma_semaphore, #tpu.memory_space<semaphore_mem>>, %arg11: memref<!tpu.dma_semaphore, #tpu.memory_space<semaphore_mem>>) attributes {dimension_semantics = [#tpu.dimension_semantics<core_parallel>, #tpu.dimension_semantics<subcore_parallel>], iteration_bounds = array<i64: 1, 16>, scalar_prefetch = 0 : i64, scratch_operands = 6 : i64, tpu.core_type = #tpu.core_type<sc_vector_subcore>, window_params = [{transform_indices = #map}, {transform_indices = #map}, {transform_indices = #map1}, {transform_indices = #map1}]} {
    %broadcast_in_dim3A = arith.constant 0.000000e+00 : f32
    %broadcast_in_dim3A_0 = vector.broadcast %broadcast_in_dim3A : f32 to vector<16xf32>
    %scan3A = arith.constant 0 : i32
    %scan3A_1 = arith.constant 128 : i32
    %scan3A_2 = arith.addi %scan3A, %scan3A_1 : i32
    %scan3A_3 = arith.constant 1 : i32
    scf.for %scan3A_55 = %scan3A to %scan3A_2 step %scan3A_3  : i32 {
      %mul3A_56 = arith.constant 1 : i32
      %mul3A_57 = arith.muli %scan3A_55, %mul3A_56 : i32
      %add3A_58 = arith.constant 0 : i32
      %add3A_59 = arith.addi %add3A_58, %mul3A_57 : i32
      %swap3A = arith.constant 0 : i32
      %swap3A_60 = arith.index_cast %swap3A : i32 to index
      %swap3A_61 = arith.index_cast %add3A_59 : i32 to index
      %swap3A_62 = arith.constant 0 : index
      %swap3A_63 = tpu.vector_load %arg8[%swap3A_60, %swap3A_61, %swap3A_62] {strides = array<i32>} : memref<2x128x128xf32, #tpu.memory_space<vmem>>, vector<16xf32>,
      tpu.vector_store %arg8[%swap3A_60, %swap3A_61, %swap3A_62], %broadcast_in_dim3A_0 {strides = array<i32>} : memref<2x128x128xf32, #tpu.memory_space<vmem>>, vector<16xf32>,
      %swap3A_64 = arith.constant 0 : i32
      %swap3A_65 = arith.index_cast %swap3A_64 : i32 to index
      %swap3A_66 = arith.index_cast %add3A_59 : i32 to index
      %swap3A_67 = arith.constant 16 : index
      %swap3A_68 = tpu.vector_load %arg8[%swap3A_65, %swap3A_66, %swap3A_67] {strides = array<i32>} : memref<2x128x128xf32, #tpu.memory_space<vmem>>, vector<16xf32>,
      tpu.vector_store %arg8[%swap3A_65, %swap3A_66, %swap3A_67], %broadcast_in_dim3A_0 {strides = array<i32>} : memref<2x128x128xf32, #tpu.memory_space<vmem>>, vector<16xf32>,
      %swap3A_69 = arith.constant 0 : i32
      %swap3A_70 = arith.index_cast %swap3A_69 : i32 to index
      %swap3A_71 = arith.index_cast %add3A_59 : i32 to index
      %swap3A_72 = arith.constant 32 : index
      %swap3A_73 = tpu.vector_load %arg8[%swap3A_70, %swap3A_71, %swap3A_72] {strides = array<i32>} : memref<2x128x128xf32, #tpu.memory_space<vmem>>, vector<16xf32>,
      tpu.vector_store %arg8[%swap3A_70, %swap3A_71, %swap3A_72], %broadcast_in_dim3A_0 {strides = array<i32>} : memref<2x128x128xf32, #tpu.memory_space<vmem>>, vector<16xf32>,
      %swap3A_74 = arith.constant 0 : i32
      %swap3A_75 = arith.index_cast %swap3A_74 : i32 to index
      %swap3A_76 = arith.index_cast %add3A_59 : i32 to index
      %swap3A_77 = arith.constant 48 : index
      %swap3A_78 = tpu.vector_load %arg8[%swap3A_75, %swap3A_76, %swap3A_77] {strides = array<i32>} : memref<2x128x128xf32, #tpu.memory_space<vmem>>, vector<16xf32>,
      tpu.vector_store %arg8[%swap3A_75, %swap3A_76, %swap3A_77], %broadcast_in_dim3A_0 {strides = array<i32>} : memref<2x128x128xf32, #tpu.memory_space<vmem>>, vector<16xf32>,
      %swap3A_79 = arith.constant 0 : i32
      %swap3A_80 = arith.index_cast %swap3A_79 : i32 to index
      %swap3A_81 = arith.index_cast %add3A_59 : i32 to index
      %swap3A_82 = arith.constant 64 : index
      %swap3A_83 = tpu.vector_load %arg8[%swap3A_80, %swap3A_81, %swap3A_82] {strides = array<i32>} : memref<2x128x128xf32, #tpu.memory_space<vmem>>, vector<16xf32>,
      tpu.vector_store %arg8[%swap3A_80, %swap3A_81, %swap3A_82], %broadcast_in_dim3A_0 {strides = array<i32>} : memref<2x128x128xf32, #tpu.memory_space<vmem>>, vector<16xf32>,
      %swap3A_84 = arith.constant 0 : i32
      %swap3A_85 = arith.index_cast %swap3A_84 : i32 to index
      %swap3A_86 = arith.index_cast %add3A_59 : i32 to index
      %swap3A_87 = arith.constant 80 : index
      %swap3A_88 = tpu.vector_load %arg8[%swap3A_85, %swap3A_86, %swap3A_87] {strides = array<i32>} : memref<2x128x128xf32, #tpu.memory_space<vmem>>, vector<16xf32>,
      tpu.vector_store %arg8[%swap3A_85, %swap3A_86, %swap3A_87], %broadcast_in_dim3A_0 {strides = array<i32>} : memref<2x128x128xf32, #tpu.memory_space<vmem>>, vector<16xf32>,
      %swap3A_89 = arith.constant 0 : i32
      %swap3A_90 = arith.index_cast %swap3A_89 : i32 to index
      %swap3A_91 = arith.index_cast %add3A_59 : i32 to index
      %swap3A_92 = arith.constant 96 : index
      %swap3A_93 = tpu.vector_load %arg8[%swap3A_90, %swap3A_91, %swap3A_92] {strides = array<i32>} : memref<2x128x128xf32, #tpu.memory_space<vmem>>, vector<16xf32>,
      tpu.vector_store %arg8[%swap3A_90, %swap3A_91, %swap3A_92], %broadcast_in_dim3A_0 {strides = array<i32>} : memref<2x128x128xf32, #tpu.memory_space<vmem>>, vector<16xf32>,
      %swap3A_94 = arith.constant 0 : i32
      %swap3A_95 = arith.index_cast %swap3A_94 : i32 to index
      %swap3A_96 = arith.index_cast %add3A_59 : i32 to index
      %swap3A_97 = arith.constant 112 : index
      %swap3A_98 = tpu.vector_load %arg8[%swap3A_95, %swap3A_96, %swap3A_97] {strides = array<i32>} : memref<2x128x128xf32, #tpu.memory_space<vmem>>, vector<16xf32>,
      tpu.vector_store %arg8[%swap3A_95, %swap3A_96, %swap3A_97], %broadcast_in_dim3A_0 {strides = array<i32>} : memref<2x128x128xf32, #tpu.memory_space<vmem>>, vector<16xf32>,
    }
    %scan3A_4 = arith.constant 128 : i32
    %mul3A = arith.constant 640 : i32
    %mul3A_5 = arith.muli %arg1, %mul3A : i32
    %add3A = arith.constant 0 : i32
    %add3A_6 = arith.addi %mul3A_5, %add3A : i32
    %run_scoped3A = arith.constant 0 : i32
    "tpu.region"() ({
      %run_scoped3A_55 = tpu.sem_alloc : memref<!tpu.dma_semaphore, #tpu.memory_space<semaphore_mem>>
      %dma_start3A = arith.constant 0 : i32
      %dma_start3A_56 = arith.constant 0 : i32
      %dma_start3A_57 = tpu.memref_slice %arg8[%run_scoped3A, %dma_start3A, %dma_start3A_56] : memref<2x128x128xf32, #tpu.memory_space<vmem>> -> memref<1x128x128xf32, #tpu.memory_space<vmem>>
      %dma_start3A_58 = tpu.memref_squeeze %dma_start3A_57 : memref<1x128x128xf32, #tpu.memory_space<vmem>> -> memref<128x128xf32, #tpu.memory_space<vmem>>
      %dma_start3A_59 = arith.constant 0 : i32
      %dma_start3A_60 = tpu.memref_slice %arg9[%add3A_6, %dma_start3A_59] : memref<10240x128xf32, #tpu.memory_space<vmem_shared>> -> memref<128x128xf32, #tpu.memory_space<vmem_shared>>
      %dma_start3A_61 = arith.constant 0 : i32
      %dma_start3A_62 = tpu.memref_slice %arg9[%add3A_6, %dma_start3A_61] : memref<10240x128xf32, #tpu.memory_space<vmem_shared>> -> memref<128x128xf32, #tpu.memory_space<vmem_shared>>
      %dma_start3A_63 = arith.constant 0 : i32
      %dma_start3A_64 = arith.constant 0 : i32
      %dma_start3A_65 = tpu.memref_slice %arg8[%run_scoped3A, %dma_start3A_63, %dma_start3A_64] : memref<2x128x128xf32, #tpu.memory_space<vmem>> -> memref<1x128x128xf32, #tpu.memory_space<vmem>>
      %dma_start3A_66 = tpu.memref_squeeze %dma_start3A_65 : memref<1x128x128xf32, #tpu.memory_space<vmem>> -> memref<128x128xf32, #tpu.memory_space<vmem>>
      tpu.enqueue_dma source(%dma_start3A_66 : memref<128x128xf32, #tpu.memory_space<vmem>>) target(%dma_start3A_62 : memref<128x128xf32, #tpu.memory_space<vmem_shared>>) target_semaphore(%run_scoped3A_55 : memref<!tpu.dma_semaphore, #tpu.memory_space<semaphore_mem>>)
      %dma_wait3A = arith.constant 0 : i32
      %dma_wait3A_67 = arith.constant 0 : i32
      %dma_wait3A_68 = tpu.memref_slice %arg8[%run_scoped3A, %dma_wait3A, %dma_wait3A_67] : memref<2x128x128xf32, #tpu.memory_space<vmem>> -> memref<1x128x128xf32, #tpu.memory_space<vmem>>
      %dma_wait3A_69 = tpu.memref_squeeze %dma_wait3A_68 : memref<1x128x128xf32, #tpu.memory_space<vmem>> -> memref<128x128xf32, #tpu.memory_space<vmem>>
      %dma_wait3A_70 = arith.constant 0 : i32
      %dma_wait3A_71 = tpu.memref_slice %arg9[%add3A_6, %dma_wait3A_70] : memref<10240x128xf32, #tpu.memory_space<vmem_shared>> -> memref<128x128xf32, #tpu.memory_space<vmem_shared>>
      %dma_wait3A_72 = arith.constant 0 : i32
      %dma_wait3A_73 = tpu.memref_slice %arg9[%add3A_6, %dma_wait3A_72] : memref<10240x128xf32, #tpu.memory_space<vmem_shared>> -> memref<128x128xf32, #tpu.memory_space<vmem_shared>>
      %dma_wait3A_74 = arith.constant 0 : i32
      %dma_wait3A_75 = arith.constant 0 : i32
      %dma_wait3A_76 = tpu.memref_slice %arg8[%run_scoped3A, %dma_wait3A_74, %dma_wait3A_75] : memref<2x128x128xf32, #tpu.memory_space<vmem>> -> memref<1x128x128xf32, #tpu.memory_space<vmem>>
      %dma_wait3A_77 = tpu.memref_squeeze %dma_wait3A_76 : memref<1x128x128xf32, #tpu.memory_space<vmem>> -> memref<128x128xf32, #tpu.memory_space<vmem>>
      tpu.wait_dma2 semaphore(%run_scoped3A_55 : memref<!tpu.dma_semaphore, #tpu.memory_space<semaphore_mem>>) src(%dma_wait3A_77 : memref<128x128xf32, #tpu.memory_space<vmem>>) dst(%dma_wait3A_73 : memref<128x128xf32, #tpu.memory_space<vmem_shared>>)
      tpu.yield
    }) : () -> ()
    %add3A_7 = arith.constant 128 : i32
    %add3A_8 = arith.addi %mul3A_5, %add3A_7 : i32
    %run_scoped3A_9 = arith.constant 0 : i32
    "tpu.region"() ({
      %run_scoped3A_55 = tpu.sem_alloc : memref<!tpu.dma_semaphore, #tpu.memory_space<semaphore_mem>>
      %dma_start3A = arith.constant 0 : i32
      %dma_start3A_56 = arith.constant 0 : i32
      %dma_start3A_57 = tpu.memref_slice %arg8[%run_scoped3A_9, %dma_start3A, %dma_start3A_56] : memref<2x128x128xf32, #tpu.memory_space<vmem>> -> memref<1x128x128xf32, #tpu.memory_space<vmem>>
      %dma_start3A_58 = tpu.memref_squeeze %dma_start3A_57 : memref<1x128x128xf32, #tpu.memory_space<vmem>> -> memref<128x128xf32, #tpu.memory_space<vmem>>
      %dma_start3A_59 = arith.constant 0 : i32
      %dma_start3A_60 = tpu.memref_slice %arg9[%add3A_8, %dma_start3A_59] : memref<10240x128xf32, #tpu.memory_space<vmem_shared>> -> memref<128x128xf32, #tpu.memory_space<vmem_shared>>
      %dma_start3A_61 = arith.constant 0 : i32
      %dma_start3A_62 = tpu.memref_slice %arg9[%add3A_8, %dma_start3A_61] : memref<10240x128xf32, #tpu.memory_space<vmem_shared>> -> memref<128x128xf32, #tpu.memory_space<vmem_shared>>
      %dma_start3A_63 = arith.constant 0 : i32
      %dma_start3A_64 = arith.constant 0 : i32
      %dma_start3A_65 = tpu.memref_slice %arg8[%run_scoped3A_9, %dma_start3A_63, %dma_start3A_64] : memref<2x128x128xf32, #tpu.memory_space<vmem>> -> memref<1x128x128xf32, #tpu.memory_space<vmem>>
      %dma_start3A_66 = tpu.memref_squeeze %dma_start3A_65 : memref<1x128x128xf32, #tpu.memory_space<vmem>> -> memref<128x128xf32, #tpu.memory_space<vmem>>
      tpu.enqueue_dma source(%dma_start3A_66 : memref<128x128xf32, #tpu.memory_space<vmem>>) target(%dma_start3A_62 : memref<128x128xf32, #tpu.memory_space<vmem_shared>>) target_semaphore(%run_scoped3A_55 : memref<!tpu.dma_semaphore, #tpu.memory_space<semaphore_mem>>)
      %dma_wait3A = arith.constant 0 : i32
      %dma_wait3A_67 = arith.constant 0 : i32
      %dma_wait3A_68 = tpu.memref_slice %arg8[%run_scoped3A_9, %dma_wait3A, %dma_wait3A_67] : memref<2x128x128xf32, #tpu.memory_space<vmem>> -> memref<1x128x128xf32, #tpu.memory_space<vmem>>
      %dma_wait3A_69 = tpu.memref_squeeze %dma_wait3A_68 : memref<1x128x128xf32, #tpu.memory_space<vmem>> -> memref<128x128xf32, #tpu.memory_space<vmem>>
      %dma_wait3A_70 = arith.constant 0 : i32
      %dma_wait3A_71 = tpu.memref_slice %arg9[%add3A_8, %dma_wait3A_70] : memref<10240x128xf32, #tpu.memory_space<vmem_shared>> -> memref<128x128xf32, #tpu.memory_space<vmem_shared>>
      %dma_wait3A_72 = arith.constant 0 : i32
      %dma_wait3A_73 = tpu.memref_slice %arg9[%add3A_8, %dma_wait3A_72] : memref<10240x128xf32, #tpu.memory_space<vmem_shared>> -> memref<128x128xf32, #tpu.memory_space<vmem_shared>>
      %dma_wait3A_74 = arith.constant 0 : i32
      %dma_wait3A_75 = arith.constant 0 : i32
      %dma_wait3A_76 = tpu.memref_slice %arg8[%run_scoped3A_9, %dma_wait3A_74, %dma_wait3A_75] : memref<2x128x128xf32, #tpu.memory_space<vmem>> -> memref<1x128x128xf32, #tpu.memory_space<vmem>>
      %dma_wait3A_77 = tpu.memref_squeeze %dma_wait3A_76 : memref<1x128x128xf32, #tpu.memory_space<vmem>> -> memref<128x128xf32, #tpu.memory_space<vmem>>
      tpu.wait_dma2 semaphore(%run_scoped3A_55 : memref<!tpu.dma_semaphore, #tpu.memory_space<semaphore_mem>>) src(%dma_wait3A_77 : memref<128x128xf32, #tpu.memory_space<vmem>>) dst(%dma_wait3A_73 : memref<128x128xf32, #tpu.memory_space<vmem_shared>>)
      tpu.yield
    }) : () -> ()
    %add3A_10 = arith.constant 256 : i32
    %add3A_11 = arith.addi %mul3A_5, %add3A_10 : i32
    %run_scoped3A_12 = arith.constant 0 : i32
    "tpu.region"() ({
      %run_scoped3A_55 = tpu.sem_alloc : memref<!tpu.dma_semaphore, #tpu.memory_space<semaphore_mem>>
      %dma_start3A = arith.constant 0 : i32
      %dma_start3A_56 = arith.constant 0 : i32
      %dma_start3A_57 = tpu.memref_slice %arg8[%run_scoped3A_12, %dma_start3A, %dma_start3A_56] : memref<2x128x128xf32, #tpu.memory_space<vmem>> -> memref<1x128x128xf32, #tpu.memory_space<vmem>>
      %dma_start3A_58 = tpu.memref_squeeze %dma_start3A_57 : memref<1x128x128xf32, #tpu.memory_space<vmem>> -> memref<128x128xf32, #tpu.memory_space<vmem>>
      %dma_start3A_59 = arith.constant 0 : i32
      %dma_start3A_60 = tpu.memref_slice %arg9[%add3A_11, %dma_start3A_59] : memref<10240x128xf32, #tpu.memory_space<vmem_shared>> -> memref<128x128xf32, #tpu.memory_space<vmem_shared>>
      %dma_start3A_61 = arith.constant 0 : i32
      %dma_start3A_62 = tpu.memref_slice %arg9[%add3A_11, %dma_start3A_61] : memref<10240x128xf32, #tpu.memory_space<vmem_shared>> -> memref<128x128xf32, #tpu.memory_space<vmem_shared>>
      %dma_start3A_63 = arith.constant 0 : i32
      %dma_start3A_64 = arith.constant 0 : i32
      %dma_start3A_65 = tpu.memref_slice %arg8[%run_scoped3A_12, %dma_start3A_63, %dma_start3A_64] : memref<2x128x128xf32, #tpu.memory_space<vmem>> -> memref<1x128x128xf32, #tpu.memory_space<vmem>>
      %dma_start3A_66 = tpu.memref_squeeze %dma_start3A_65 : memref<1x128x128xf32, #tpu.memory_space<vmem>> -> memref<128x128xf32, #tpu.memory_space<vmem>>
      tpu.enqueue_dma source(%dma_start3A_66 : memref<128x128xf32, #tpu.memory_space<vmem>>) target(%dma_start3A_62 : memref<128x128xf32, #tpu.memory_space<vmem_shared>>) target_semaphore(%run_scoped3A_55 : memref<!tpu.dma_semaphore, #tpu.memory_space<semaphore_mem>>)
      %dma_wait3A = arith.constant 0 : i32
      %dma_wait3A_67 = arith.constant 0 : i32
      %dma_wait3A_68 = tpu.memref_slice %arg8[%run_scoped3A_12, %dma_wait3A, %dma_wait3A_67] : memref<2x128x128xf32, #tpu.memory_space<vmem>> -> memref<1x128x128xf32, #tpu.memory_space<vmem>>
      %dma_wait3A_69 = tpu.memref_squeeze %dma_wait3A_68 : memref<1x128x128xf32, #tpu.memory_space<vmem>> -> memref<128x128xf32, #tpu.memory_space<vmem>>
      %dma_wait3A_70 = arith.constant 0 : i32
      %dma_wait3A_71 = tpu.memref_slice %arg9[%add3A_11, %dma_wait3A_70] : memref<10240x128xf32, #tpu.memory_space<vmem_shared>> -> memref<128x128xf32, #tpu.memory_space<vmem_shared>>
      %dma_wait3A_72 = arith.constant 0 : i32
      %dma_wait3A_73 = tpu.memref_slice %arg9[%add3A_11, %dma_wait3A_72] : memref<10240x128xf32, #tpu.memory_space<vmem_shared>> -> memref<128x128xf32, #tpu.memory_space<vmem_shared>>
      %dma_wait3A_74 = arith.constant 0 : i32
      %dma_wait3A_75 = arith.constant 0 : i32
      %dma_wait3A_76 = tpu.memref_slice %arg8[%run_scoped3A_12, %dma_wait3A_74, %dma_wait3A_75] : memref<2x128x128xf32, #tpu.memory_space<vmem>> -> memref<1x128x128xf32, #tpu.memory_space<vmem>>
      %dma_wait3A_77 = tpu.memref_squeeze %dma_wait3A_76 : memref<1x128x128xf32, #tpu.memory_space<vmem>> -> memref<128x128xf32, #tpu.memory_space<vmem>>
      tpu.wait_dma2 semaphore(%run_scoped3A_55 : memref<!tpu.dma_semaphore, #tpu.memory_space<semaphore_mem>>) src(%dma_wait3A_77 : memref<128x128xf32, #tpu.memory_space<vmem>>) dst(%dma_wait3A_73 : memref<128x128xf32, #tpu.memory_space<vmem_shared>>)
      tpu.yield
    }) : () -> ()
    %add3A_13 = arith.constant 384 : i32
    %add3A_14 = arith.addi %mul3A_5, %add3A_13 : i32
    %run_scoped3A_15 = arith.constant 0 : i32
    "tpu.region"() ({
      %run_scoped3A_55 = tpu.sem_alloc : memref<!tpu.dma_semaphore, #tpu.memory_space<semaphore_mem>>
      %dma_start3A = arith.constant 0 : i32
      %dma_start3A_56 = arith.constant 0 : i32
      %dma_start3A_57 = tpu.memref_slice %arg8[%run_scoped3A_15, %dma_start3A, %dma_start3A_56] : memref<2x128x128xf32, #tpu.memory_space<vmem>> -> memref<1x128x128xf32, #tpu.memory_space<vmem>>
      %dma_start3A_58 = tpu.memref_squeeze %dma_start3A_57 : memref<1x128x128xf32, #tpu.memory_space<vmem>> -> memref<128x128xf32, #tpu.memory_space<vmem>>
      %dma_start3A_59 = arith.constant 0 : i32
      %dma_start3A_60 = tpu.memref_slice %arg9[%add3A_14, %dma_start3A_59] : memref<10240x128xf32, #tpu.memory_space<vmem_shared>> -> memref<128x128xf32, #tpu.memory_space<vmem_shared>>
      %dma_start3A_61 = arith.constant 0 : i32
      %dma_start3A_62 = tpu.memref_slice %arg9[%add3A_14, %dma_start3A_61] : memref<10240x128xf32, #tpu.memory_space<vmem_shared>> -> memref<128x128xf32, #tpu.memory_space<vmem_shared>>
      %dma_start3A_63 = arith.constant 0 : i32
      %dma_start3A_64 = arith.constant 0 : i32
      %dma_start3A_65 = tpu.memref_slice %arg8[%run_scoped3A_15, %dma_start3A_63, %dma_start3A_64] : memref<2x128x128xf32, #tpu.memory_space<vmem>> -> memref<1x128x128xf32, #tpu.memory_space<vmem>>
      %dma_start3A_66 = tpu.memref_squeeze %dma_start3A_65 : memref<1x128x128xf32, #tpu.memory_space<vmem>> -> memref<128x128xf32, #tpu.memory_space<vmem>>
      tpu.enqueue_dma source(%dma_start3A_66 : memref<128x128xf32, #tpu.memory_space<vmem>>) target(%dma_start3A_62 : memref<128x128xf32, #tpu.memory_space<vmem_shared>>) target_semaphore(%run_scoped3A_55 : memref<!tpu.dma_semaphore, #tpu.memory_space<semaphore_mem>>)
      %dma_wait3A = arith.constant 0 : i32
      %dma_wait3A_67 = arith.constant 0 : i32
      %dma_wait3A_68 = tpu.memref_slice %arg8[%run_scoped3A_15, %dma_wait3A, %dma_wait3A_67] : memref<2x128x128xf32, #tpu.memory_space<vmem>> -> memref<1x128x128xf32, #tpu.memory_space<vmem>>
      %dma_wait3A_69 = tpu.memref_squeeze %dma_wait3A_68 : memref<1x128x128xf32, #tpu.memory_space<vmem>> -> memref<128x128xf32, #tpu.memory_space<vmem>>
      %dma_wait3A_70 = arith.constant 0 : i32
      %dma_wait3A_71 = tpu.memref_slice %arg9[%add3A_14, %dma_wait3A_70] : memref<10240x128xf32, #tpu.memory_space<vmem_shared>> -> memref<128x128xf32, #tpu.memory_space<vmem_shared>>
      %dma_wait3A_72 = arith.constant 0 : i32
      %dma_wait3A_73 = tpu.memref_slice %arg9[%add3A_14, %dma_wait3A_72] : memref<10240x128xf32, #tpu.memory_space<vmem_shared>> -> memref<128x128xf32, #tpu.memory_space<vmem_shared>>
      %dma_wait3A_74 = arith.constant 0 : i32
      %dma_wait3A_75 = arith.constant 0 : i32
      %dma_wait3A_76 = tpu.memref_slice %arg8[%run_scoped3A_15, %dma_wait3A_74, %dma_wait3A_75] : memref<2x128x128xf32, #tpu.memory_space<vmem>> -> memref<1x128x128xf32, #tpu.memory_space<vmem>>
      %dma_wait3A_77 = tpu.memref_squeeze %dma_wait3A_76 : memref<1x128x128xf32, #tpu.memory_space<vmem>> -> memref<128x128xf32, #tpu.memory_space<vmem>>
      tpu.wait_dma2 semaphore(%run_scoped3A_55 : memref<!tpu.dma_semaphore, #tpu.memory_space<semaphore_mem>>) src(%dma_wait3A_77 : memref<128x128xf32, #tpu.memory_space<vmem>>) dst(%dma_wait3A_73 : memref<128x128xf32, #tpu.memory_space<vmem_shared>>)
      tpu.yield
    }) : () -> ()
    %add3A_16 = arith.constant 512 : i32
    %add3A_17 = arith.addi %mul3A_5, %add3A_16 : i32
    %run_scoped3A_18 = arith.constant 0 : i32
    "tpu.region"() ({
      %run_scoped3A_55 = tpu.sem_alloc : memref<!tpu.dma_semaphore, #tpu.memory_space<semaphore_mem>>
      %dma_start3A = arith.constant 0 : i32
      %dma_start3A_56 = arith.constant 0 : i32
      %dma_start3A_57 = tpu.memref_slice %arg8[%run_scoped3A_18, %dma_start3A, %dma_start3A_56] : memref<2x128x128xf32, #tpu.memory_space<vmem>> -> memref<1x128x128xf32, #tpu.memory_space<vmem>>
      %dma_start3A_58 = tpu.memref_squeeze %dma_start3A_57 : memref<1x128x128xf32, #tpu.memory_space<vmem>> -> memref<128x128xf32, #tpu.memory_space<vmem>>
      %dma_start3A_59 = arith.constant 0 : i32
      %dma_start3A_60 = tpu.memref_slice %arg9[%add3A_17, %dma_start3A_59] : memref<10240x128xf32, #tpu.memory_space<vmem_shared>> -> memref<128x128xf32, #tpu.memory_space<vmem_shared>>
      %dma_start3A_61 = arith.constant 0 : i32
      %dma_start3A_62 = tpu.memref_slice %arg9[%add3A_17, %dma_start3A_61] : memref<10240x128xf32, #tpu.memory_space<vmem_shared>> -> memref<128x128xf32, #tpu.memory_space<vmem_shared>>
      %dma_start3A_63 = arith.constant 0 : i32
      %dma_start3A_64 = arith.constant 0 : i32
      %dma_start3A_65 = tpu.memref_slice %arg8[%run_scoped3A_18, %dma_start3A_63, %dma_start3A_64] : memref<2x128x128xf32, #tpu.memory_space<vmem>> -> memref<1x128x128xf32, #tpu.memory_space<vmem>>
      %dma_start3A_66 = tpu.memref_squeeze %dma_start3A_65 : memref<1x128x128xf32, #tpu.memory_space<vmem>> -> memref<128x128xf32, #tpu.memory_space<vmem>>
      tpu.enqueue_dma source(%dma_start3A_66 : memref<128x128xf32, #tpu.memory_space<vmem>>) target(%dma_start3A_62 : memref<128x128xf32, #tpu.memory_space<vmem_shared>>) target_semaphore(%run_scoped3A_55 : memref<!tpu.dma_semaphore, #tpu.memory_space<semaphore_mem>>)
      %dma_wait3A = arith.constant 0 : i32
      %dma_wait3A_67 = arith.constant 0 : i32
      %dma_wait3A_68 = tpu.memref_slice %arg8[%run_scoped3A_18, %dma_wait3A, %dma_wait3A_67] : memref<2x128x128xf32, #tpu.memory_space<vmem>> -> memref<1x128x128xf32, #tpu.memory_space<vmem>>
      %dma_wait3A_69 = tpu.memref_squeeze %dma_wait3A_68 : memref<1x128x128xf32, #tpu.memory_space<vmem>> -> memref<128x128xf32, #tpu.memory_space<vmem>>
      %dma_wait3A_70 = arith.constant 0 : i32
      %dma_wait3A_71 = tpu.memref_slice %arg9[%add3A_17, %dma_wait3A_70] : memref<10240x128xf32, #tpu.memory_space<vmem_shared>> -> memref<128x128xf32, #tpu.memory_space<vmem_shared>>
      %dma_wait3A_72 = arith.constant 0 : i32
      %dma_wait3A_73 = tpu.memref_slice %arg9[%add3A_17, %dma_wait3A_72] : memref<10240x128xf32, #tpu.memory_space<vmem_shared>> -> memref<128x128xf32, #tpu.memory_space<vmem_shared>>
      %dma_wait3A_74 = arith.constant 0 : i32
      %dma_wait3A_75 = arith.constant 0 : i32
      %dma_wait3A_76 = tpu.memref_slice %arg8[%run_scoped3A_18, %dma_wait3A_74, %dma_wait3A_75] : memref<2x128x128xf32, #tpu.memory_space<vmem>> -> memref<1x128x128xf32, #tpu.memory_space<vmem>>
      %dma_wait3A_77 = tpu.memref_squeeze %dma_wait3A_76 : memref<1x128x128xf32, #tpu.memory_space<vmem>> -> memref<128x128xf32, #tpu.memory_space<vmem>>
      tpu.wait_dma2 semaphore(%run_scoped3A_55 : memref<!tpu.dma_semaphore, #tpu.memory_space<semaphore_mem>>) src(%dma_wait3A_77 : memref<128x128xf32, #tpu.memory_space<vmem>>) dst(%dma_wait3A_73 : memref<128x128xf32, #tpu.memory_space<vmem_shared>>)
      tpu.yield
    }) : () -> ()
    %barrier3A = arith.constant 0 : index
    tpu.barrier barrier_id(%barrier3A)
    %scan3A_19 = arith.constant 0 : i32
    %scan3A_20 = arith.constant 79 : i32
    %scan3A_21 = arith.addi %scan3A_19, %scan3A_20 : i32
    %scan3A_22 = arith.constant 1 : i32
    scf.for %scan3A_55 = %scan3A_19 to %scan3A_21 step %scan3A_22  : i32 {
      %mul3A_56 = arith.constant 1 : i32
      %mul3A_57 = arith.muli %scan3A_55, %mul3A_56 : i32
      %add3A_58 = arith.constant 0 : i32
      %add3A_59 = arith.addi %add3A_58, %mul3A_57 : i32
      %mul3A_60 = arith.constant 20224 : i32
      %mul3A_61 = arith.muli %arg1, %mul3A_60 : i32
      %mul3A_62 = arith.constant 256 : i32
      %mul3A_63 = arith.muli %add3A_59, %mul3A_62 : i32
      %add3A_64 = arith.addi %mul3A_61, %mul3A_63 : i32
      %run_scoped3A_65 = arith.constant 0 : i32
      "tpu.region"() ({
        %run_scoped3A_123 = tpu.sem_alloc : memref<!tpu.dma_semaphore, #tpu.memory_space<semaphore_mem>>
        %dma_start3A_124 = arith.constant 0 : i32
        %dma_start3A_125 = tpu.memref_slice %arg6[%run_scoped3A_65, %dma_start3A_124] : memref<2x128xi32, #tpu.memory_space<vmem>> -> memref<1x128xi32, #tpu.memory_space<vmem>>
        %dma_start3A_126 = tpu.memref_squeeze %dma_start3A_125 : memref<1x128xi32, #tpu.memory_space<vmem>> -> memref<128xi32, #tpu.memory_space<vmem>>
        %dma_start3A_127 = tpu.memref_slice %arg2[%add3A_64] : memref<323584xi32, #tpu.memory_space<hbm>> -> memref<128xi32, #tpu.memory_space<hbm>>
        %dma_start3A_128 = arith.constant 0 : i32
        %dma_start3A_129 = tpu.memref_slice %arg6[%run_scoped3A_65, %dma_start3A_128] : memref<2x128xi32, #tpu.memory_space<vmem>> -> memref<1x128xi32, #tpu.memory_space<vmem>>
        %dma_start3A_130 = tpu.memref_squeeze %dma_start3A_129 : memref<1x128xi32, #tpu.memory_space<vmem>> -> memref<128xi32, #tpu.memory_space<vmem>>
        %dma_start3A_131 = tpu.memref_slice %arg2[%add3A_64] : memref<323584xi32, #tpu.memory_space<hbm>> -> memref<128xi32, #tpu.memory_space<hbm>>
        tpu.enqueue_dma source(%dma_start3A_131 : memref<128xi32, #tpu.memory_space<hbm>>) target(%dma_start3A_130 : memref<128xi32, #tpu.memory_space<vmem>>) target_semaphore(%run_scoped3A_123 : memref<!tpu.dma_semaphore, #tpu.memory_space<semaphore_mem>>)
        %dma_wait3A_132 = arith.constant 0 : i32
        %dma_wait3A_133 = tpu.memref_slice %arg6[%run_scoped3A_65, %dma_wait3A_132] : memref<2x128xi32, #tpu.memory_space<vmem>> -> memref<1x128xi32, #tpu.memory_space<vmem>>
        %dma_wait3A_134 = tpu.memref_squeeze %dma_wait3A_133 : memref<1x128xi32, #tpu.memory_space<vmem>> -> memref<128xi32, #tpu.memory_space<vmem>>
        %dma_wait3A_135 = tpu.memref_slice %arg2[%add3A_64] : memref<323584xi32, #tpu.memory_space<hbm>> -> memref<128xi32, #tpu.memory_space<hbm>>
        %dma_wait3A_136 = arith.constant 0 : i32
        %dma_wait3A_137 = tpu.memref_slice %arg6[%run_scoped3A_65, %dma_wait3A_136] : memref<2x128xi32, #tpu.memory_space<vmem>> -> memref<1x128xi32, #tpu.memory_space<vmem>>
        %dma_wait3A_138 = tpu.memref_squeeze %dma_wait3A_137 : memref<1x128xi32, #tpu.memory_space<vmem>> -> memref<128xi32, #tpu.memory_space<vmem>>
        %dma_wait3A_139 = tpu.memref_slice %arg2[%add3A_64] : memref<323584xi32, #tpu.memory_space<hbm>> -> memref<128xi32, #tpu.memory_space<hbm>>
        tpu.wait_dma2 semaphore(%run_scoped3A_123 : memref<!tpu.dma_semaphore, #tpu.memory_space<semaphore_mem>>) src(%dma_wait3A_139 : memref<128xi32, #tpu.memory_space<hbm>>) dst(%dma_wait3A_138 : memref<128xi32, #tpu.memory_space<vmem>>)
        tpu.yield
      }) : () -> ()
      %run_scoped3A_66 = arith.constant 0 : i32
      "tpu.region"() ({
        %run_scoped3A_123 = tpu.sem_alloc : memref<!tpu.dma_semaphore, #tpu.memory_space<semaphore_mem>>
        %dma_start3A_124 = arith.constant 0 : i32
        %dma_start3A_125 = tpu.memref_slice %arg7[%run_scoped3A_66, %dma_start3A_124] : memref<2x128xi32, #tpu.memory_space<vmem>> -> memref<1x128xi32, #tpu.memory_space<vmem>>
        %dma_start3A_126 = tpu.memref_squeeze %dma_start3A_125 : memref<1x128xi32, #tpu.memory_space<vmem>> -> memref<128xi32, #tpu.memory_space<vmem>>
        %dma_start3A_127 = tpu.memref_slice %arg3[%add3A_64] : memref<323584xi32, #tpu.memory_space<hbm>> -> memref<128xi32, #tpu.memory_space<hbm>>
        %dma_start3A_128 = arith.constant 0 : i32
        %dma_start3A_129 = tpu.memref_slice %arg7[%run_scoped3A_66, %dma_start3A_128] : memref<2x128xi32, #tpu.memory_space<vmem>> -> memref<1x128xi32, #tpu.memory_space<vmem>>
        %dma_start3A_130 = tpu.memref_squeeze %dma_start3A_129 : memref<1x128xi32, #tpu.memory_space<vmem>> -> memref<128xi32, #tpu.memory_space<vmem>>
        %dma_start3A_131 = tpu.memref_slice %arg3[%add3A_64] : memref<323584xi32, #tpu.memory_space<hbm>> -> memref<128xi32, #tpu.memory_space<hbm>>
        tpu.enqueue_dma source(%dma_start3A_131 : memref<128xi32, #tpu.memory_space<hbm>>) target(%dma_start3A_130 : memref<128xi32, #tpu.memory_space<vmem>>) target_semaphore(%run_scoped3A_123 : memref<!tpu.dma_semaphore, #tpu.memory_space<semaphore_mem>>)
        %dma_wait3A_132 = arith.constant 0 : i32
        %dma_wait3A_133 = tpu.memref_slice %arg7[%run_scoped3A_66, %dma_wait3A_132] : memref<2x128xi32, #tpu.memory_space<vmem>> -> memref<1x128xi32, #tpu.memory_space<vmem>>
        %dma_wait3A_134 = tpu.memref_squeeze %dma_wait3A_133 : memref<1x128xi32, #tpu.memory_space<vmem>> -> memref<128xi32, #tpu.memory_space<vmem>>
        %dma_wait3A_135 = tpu.memref_slice %arg3[%add3A_64] : memref<323584xi32, #tpu.memory_space<hbm>> -> memref<128xi32, #tpu.memory_space<hbm>>
        %dma_wait3A_136 = arith.constant 0 : i32
        %dma_wait3A_137 = tpu.memref_slice %arg7[%run_scoped3A_66, %dma_wait3A_136] : memref<2x128xi32, #tpu.memory_space<vmem>> -> memref<1x128xi32, #tpu.memory_space<vmem>>
        %dma_wait3A_138 = tpu.memref_squeeze %dma_wait3A_137 : memref<1x128xi32, #tpu.memory_space<vmem>> -> memref<128xi32, #tpu.memory_space<vmem>>
        %dma_wait3A_139 = tpu.memref_slice %arg3[%add3A_64] : memref<323584xi32, #tpu.memory_space<hbm>> -> memref<128xi32, #tpu.memory_space<hbm>>
        tpu.wait_dma2 semaphore(%run_scoped3A_123 : memref<!tpu.dma_semaphore, #tpu.memory_space<semaphore_mem>>) src(%dma_wait3A_139 : memref<128xi32, #tpu.memory_space<hbm>>) dst(%dma_wait3A_138 : memref<128xi32, #tpu.memory_space<vmem>>)
        tpu.yield
      }) : () -> ()
      %dma_start3A = arith.constant 0 : i32
      %dma_start3A_67 = arith.constant 0 : i32
      %dma_start3A_68 = arith.constant 0 : i32
      %dma_start3A_69 = arith.constant 0 : i32
      %dma_start3A_70 = tpu.memref_slice %arg8[%dma_start3A_67, %dma_start3A_68, %dma_start3A_69] : memref<2x128x128xf32, #tpu.memory_space<vmem>> -> memref<1x128x128xf32, #tpu.memory_space<vmem>>
      %dma_start3A_71 = tpu.memref_squeeze %dma_start3A_70 : memref<1x128x128xf32, #tpu.memory_space<vmem>> -> memref<128x128xf32, #tpu.memory_space<vmem>>
      %dma_start3A_72 = arith.constant 0 : i32
      %dma_start3A_73 = tpu.memref_slice %arg6[%dma_start3A, %dma_start3A_72] : memref<2x128xi32, #tpu.memory_space<vmem>> -> memref<1x128xi32, #tpu.memory_space<vmem>>
      %dma_start3A_74 = tpu.memref_squeeze %dma_start3A_73 : memref<1x128xi32, #tpu.memory_space<vmem>> -> memref<128xi32, #tpu.memory_space<vmem>>
      %dma_start3A_75 = arith.constant 0 : i32
      %dma_start3A_76 = arith.constant 0 : i32
      %dma_start3A_77 = tpu.memref_slice %arg4[%dma_start3A_75, %dma_start3A_76] : memref<10240x128xf32, #tpu.memory_space<hbm>> -> memref<10240x128xf32, #tpu.memory_space<hbm>>
      tpu.enqueue_indirect_dma source(%dma_start3A_77 : memref<10240x128xf32, #tpu.memory_space<hbm>>) target(%dma_start3A_71 : memref<128x128xf32, #tpu.memory_space<vmem>>) offsets(%dma_start3A_74 : memref<128xi32, #tpu.memory_space<vmem>>) semaphore(%arg10 : memref<!tpu.dma_semaphore, #tpu.memory_space<semaphore_mem>>)
      %add3A_78 = arith.constant 128 : i32
      %add3A_79 = arith.addi %add3A_64, %add3A_78 : i32
      %run_scoped3A_80 = arith.constant 1 : i32
      "tpu.region"() ({
        %run_scoped3A_123 = tpu.sem_alloc : memref<!tpu.dma_semaphore, #tpu.memory_space<semaphore_mem>>
        %dma_start3A_124 = arith.constant 0 : i32
        %dma_start3A_125 = tpu.memref_slice %arg6[%run_scoped3A_80, %dma_start3A_124] : memref<2x128xi32, #tpu.memory_space<vmem>> -> memref<1x128xi32, #tpu.memory_space<vmem>>
        %dma_start3A_126 = tpu.memref_squeeze %dma_start3A_125 : memref<1x128xi32, #tpu.memory_space<vmem>> -> memref<128xi32, #tpu.memory_space<vmem>>
        %dma_start3A_127 = tpu.memref_slice %arg2[%add3A_79] : memref<323584xi32, #tpu.memory_space<hbm>> -> memref<128xi32, #tpu.memory_space<hbm>>
        %dma_start3A_128 = arith.constant 0 : i32
        %dma_start3A_129 = tpu.memref_slice %arg6[%run_scoped3A_80, %dma_start3A_128] : memref<2x128xi32, #tpu.memory_space<vmem>> -> memref<1x128xi32, #tpu.memory_space<vmem>>
        %dma_start3A_130 = tpu.memref_squeeze %dma_start3A_129 : memref<1x128xi32, #tpu.memory_space<vmem>> -> memref<128xi32, #tpu.memory_space<vmem>>
        %dma_start3A_131 = tpu.memref_slice %arg2[%add3A_79] : memref<323584xi32, #tpu.memory_space<hbm>> -> memref<128xi32, #tpu.memory_space<hbm>>
        tpu.enqueue_dma source(%dma_start3A_131 : memref<128xi32, #tpu.memory_space<hbm>>) target(%dma_start3A_130 : memref<128xi32, #tpu.memory_space<vmem>>) target_semaphore(%run_scoped3A_123 : memref<!tpu.dma_semaphore, #tpu.memory_space<semaphore_mem>>)
        %dma_wait3A_132 = arith.constant 0 : i32
        %dma_wait3A_133 = tpu.memref_slice %arg6[%run_scoped3A_80, %dma_wait3A_132] : memref<2x128xi32, #tpu.memory_space<vmem>> -> memref<1x128xi32, #tpu.memory_space<vmem>>
        %dma_wait3A_134 = tpu.memref_squeeze %dma_wait3A_133 : memref<1x128xi32, #tpu.memory_space<vmem>> -> memref<128xi32, #tpu.memory_space<vmem>>
        %dma_wait3A_135 = tpu.memref_slice %arg2[%add3A_79] : memref<323584xi32, #tpu.memory_space<hbm>> -> memref<128xi32, #tpu.memory_space<hbm>>
        %dma_wait3A_136 = arith.constant 0 : i32
        %dma_wait3A_137 = tpu.memref_slice %arg6[%run_scoped3A_80, %dma_wait3A_136] : memref<2x128xi32, #tpu.memory_space<vmem>> -> memref<1x128xi32, #tpu.memory_space<vmem>>
        %dma_wait3A_138 = tpu.memref_squeeze %dma_wait3A_137 : memref<1x128xi32, #tpu.memory_space<vmem>> -> memref<128xi32, #tpu.memory_space<vmem>>
        %dma_wait3A_139 = tpu.memref_slice %arg2[%add3A_79] : memref<323584xi32, #tpu.memory_space<hbm>> -> memref<128xi32, #tpu.memory_space<hbm>>
        tpu.wait_dma2 semaphore(%run_scoped3A_123 : memref<!tpu.dma_semaphore, #tpu.memory_space<semaphore_mem>>) src(%dma_wait3A_139 : memref<128xi32, #tpu.memory_space<hbm>>) dst(%dma_wait3A_138 : memref<128xi32, #tpu.memory_space<vmem>>)
        tpu.yield
      }) : () -> ()
      %add3A_81 = arith.constant 128 : i32
      %add3A_82 = arith.addi %add3A_64, %add3A_81 : i32
      %run_scoped3A_83 = arith.constant 1 : i32
      "tpu.region"() ({
        %run_scoped3A_123 = tpu.sem_alloc : memref<!tpu.dma_semaphore, #tpu.memory_space<semaphore_mem>>
        %dma_start3A_124 = arith.constant 0 : i32
        %dma_start3A_125 = tpu.memref_slice %arg7[%run_scoped3A_83, %dma_start3A_124] : memref<2x128xi32, #tpu.memory_space<vmem>> -> memref<1x128xi32, #tpu.memory_space<vmem>>
        %dma_start3A_126 = tpu.memref_squeeze %dma_start3A_125 : memref<1x128xi32, #tpu.memory_space<vmem>> -> memref<128xi32, #tpu.memory_space<vmem>>
        %dma_start3A_127 = tpu.memref_slice %arg3[%add3A_82] : memref<323584xi32, #tpu.memory_space<hbm>> -> memref<128xi32, #tpu.memory_space<hbm>>
        %dma_start3A_128 = arith.constant 0 : i32
        %dma_start3A_129 = tpu.memref_slice %arg7[%run_scoped3A_83, %dma_start3A_128] : memref<2x128xi32, #tpu.memory_space<vmem>> -> memref<1x128xi32, #tpu.memory_space<vmem>>
        %dma_start3A_130 = tpu.memref_squeeze %dma_start3A_129 : memref<1x128xi32, #tpu.memory_space<vmem>> -> memref<128xi32, #tpu.memory_space<vmem>>
        %dma_start3A_131 = tpu.memref_slice %arg3[%add3A_82] : memref<323584xi32, #tpu.memory_space<hbm>> -> memref<128xi32, #tpu.memory_space<hbm>>
        tpu.enqueue_dma source(%dma_start3A_131 : memref<128xi32, #tpu.memory_space<hbm>>) target(%dma_start3A_130 : memref<128xi32, #tpu.memory_space<vmem>>) target_semaphore(%run_scoped3A_123 : memref<!tpu.dma_semaphore, #tpu.memory_space<semaphore_mem>>)
        %dma_wait3A_132 = arith.constant 0 : i32
        %dma_wait3A_133 = tpu.memref_slice %arg7[%run_scoped3A_83, %dma_wait3A_132] : memref<2x128xi32, #tpu.memory_space<vmem>> -> memref<1x128xi32, #tpu.memory_space<vmem>>
        %dma_wait3A_134 = tpu.memref_squeeze %dma_wait3A_133 : memref<1x128xi32, #tpu.memory_space<vmem>> -> memref<128xi32, #tpu.memory_space<vmem>>
        %dma_wait3A_135 = tpu.memref_slice %arg3[%add3A_82] : memref<323584xi32, #tpu.memory_space<hbm>> -> memref<128xi32, #tpu.memory_space<hbm>>
        %dma_wait3A_136 = arith.constant 0 : i32
        %dma_wait3A_137 = tpu.memref_slice %arg7[%run_scoped3A_83, %dma_wait3A_136] : memref<2x128xi32, #tpu.memory_space<vmem>> -> memref<1x128xi32, #tpu.memory_space<vmem>>
        %dma_wait3A_138 = tpu.memref_squeeze %dma_wait3A_137 : memref<1x128xi32, #tpu.memory_space<vmem>> -> memref<128xi32, #tpu.memory_space<vmem>>
        %dma_wait3A_139 = tpu.memref_slice %arg3[%add3A_82] : memref<323584xi32, #tpu.memory_space<hbm>> -> memref<128xi32, #tpu.memory_space<hbm>>
        tpu.wait_dma2 semaphore(%run_scoped3A_123 : memref<!tpu.dma_semaphore, #tpu.memory_space<semaphore_mem>>) src(%dma_wait3A_139 : memref<128xi32, #tpu.memory_space<hbm>>) dst(%dma_wait3A_138 : memref<128xi32, #tpu.memory_space<vmem>>)
        tpu.yield
      }) : () -> ()
      %dma_start3A_84 = arith.constant 1 : i32
      %dma_start3A_85 = arith.constant 1 : i32
      %dma_start3A_86 = arith.constant 0 : i32
      %dma_start3A_87 = arith.constant 0 : i32
      %dma_start3A_88 = tpu.memref_slice %arg8[%dma_start3A_85, %dma_start3A_86, %dma_start3A_87] : memref<2x128x128xf32, #tpu.memory_space<vmem>> -> memref<1x128x128xf32, #tpu.memory_space<vmem>>
      %dma_start3A_89 = tpu.memref_squeeze %dma_start3A_88 : memref<1x128x128xf32, #tpu.memory_space<vmem>> -> memref<128x128xf32, #tpu.memory_space<vmem>>
      %dma_start3A_90 = arith.constant 0 : i32
      %dma_start3A_91 = tpu.memref_slice %arg6[%dma_start3A_84, %dma_start3A_90] : memref<2x128xi32, #tpu.memory_space<vmem>> -> memref<1x128xi32, #tpu.memory_space<vmem>>
      %dma_start3A_92 = tpu.memref_squeeze %dma_start3A_91 : memref<1x128xi32, #tpu.memory_space<vmem>> -> memref<128xi32, #tpu.memory_space<vmem>>
      %dma_start3A_93 = arith.constant 0 : i32
      %dma_start3A_94 = arith.constant 0 : i32
      %dma_start3A_95 = tpu.memref_slice %arg4[%dma_start3A_93, %dma_start3A_94] : memref<10240x128xf32, #tpu.memory_space<hbm>> -> memref<10240x128xf32, #tpu.memory_space<hbm>>
      tpu.enqueue_indirect_dma source(%dma_start3A_95 : memref<10240x128xf32, #tpu.memory_space<hbm>>) target(%dma_start3A_89 : memref<128x128xf32, #tpu.memory_space<vmem>>) offsets(%dma_start3A_92 : memref<128xi32, #tpu.memory_space<vmem>>) semaphore(%arg11 : memref<!tpu.dma_semaphore, #tpu.memory_space<semaphore_mem>>)
      %dma_wait3A = arith.constant 0 : i32
      %dma_wait3A_96 = arith.constant 0 : i32
      %dma_wait3A_97 = arith.constant 0 : i32
      %dma_wait3A_98 = arith.constant 0 : i32
      %dma_wait3A_99 = tpu.memref_slice %arg8[%dma_wait3A_96, %dma_wait3A_97, %dma_wait3A_98] : memref<2x128x128xf32, #tpu.memory_space<vmem>> -> memref<1x128x128xf32, #tpu.memory_space<vmem>>
      %dma_wait3A_100 = tpu.memref_squeeze %dma_wait3A_99 : memref<1x128x128xf32, #tpu.memory_space<vmem>> -> memref<128x128xf32, #tpu.memory_space<vmem>>
      %dma_wait3A_101 = arith.constant 0 : i32
      %dma_wait3A_102 = tpu.memref_slice %arg6[%dma_wait3A, %dma_wait3A_101] : memref<2x128xi32, #tpu.memory_space<vmem>> -> memref<1x128xi32, #tpu.memory_space<vmem>>
      %dma_wait3A_103 = tpu.memref_squeeze %dma_wait3A_102 : memref<1x128xi32, #tpu.memory_space<vmem>> -> memref<128xi32, #tpu.memory_space<vmem>>
      %dma_wait3A_104 = arith.constant 0 : i32
      %dma_wait3A_105 = arith.constant 0 : i32
      %dma_wait3A_106 = tpu.memref_slice %arg4[%dma_wait3A_104, %dma_wait3A_105] : memref<10240x128xf32, #tpu.memory_space<hbm>> -> memref<10240x128xf32, #tpu.memory_space<hbm>>
      tpu.wait_indirect_dma semaphore(%arg10 : memref<!tpu.dma_semaphore, #tpu.memory_space<semaphore_mem>>) src(%dma_wait3A_106 : memref<10240x128xf32, #tpu.memory_space<hbm>>) dst(%dma_wait3A_100 : memref<128x128xf32, #tpu.memory_space<vmem>>)
      %run_scoped3A_107 = arith.constant 0 : i32
      %run_scoped3A_108 = arith.constant 0 : i32
      "tpu.region"() ({
        %run_scoped3A_123 = tpu.sem_alloc : memref<!tpu.dma_semaphore, #tpu.memory_space<semaphore_mem>>
        %dma_start3A_124 = arith.constant 0 : i32
        %dma_start3A_125 = arith.constant 0 : i32
        %dma_start3A_126 = tpu.memref_slice %arg8[%run_scoped3A_107, %dma_start3A_124, %dma_start3A_125] : memref<2x128x128xf32, #tpu.memory_space<vmem>> -> memref<1x128x128xf32, #tpu.memory_space<vmem>>
        %dma_start3A_127 = tpu.memref_squeeze %dma_start3A_126 : memref<1x128x128xf32, #tpu.memory_space<vmem>> -> memref<128x128xf32, #tpu.memory_space<vmem>>
        %dma_start3A_128 = arith.constant 0 : i32
        %dma_start3A_129 = tpu.memref_slice %arg7[%run_scoped3A_108, %dma_start3A_128] : memref<2x128xi32, #tpu.memory_space<vmem>> -> memref<1x128xi32, #tpu.memory_space<vmem>>
        %dma_start3A_130 = tpu.memref_squeeze %dma_start3A_129 : memref<1x128xi32, #tpu.memory_space<vmem>> -> memref<128xi32, #tpu.memory_space<vmem>>
        %dma_start3A_131 = arith.constant 0 : i32
        %dma_start3A_132 = arith.constant 0 : i32
        %dma_start3A_133 = tpu.memref_slice %arg9[%dma_start3A_131, %dma_start3A_132] : memref<10240x128xf32, #tpu.memory_space<vmem_shared>> -> memref<10240x128xf32, #tpu.memory_space<vmem_shared>>
        tpu.enqueue_indirect_dma source(%dma_start3A_127 : memref<128x128xf32, #tpu.memory_space<vmem>>) target(%dma_start3A_133 : memref<10240x128xf32, #tpu.memory_space<vmem_shared>>) offsets(%dma_start3A_130 : memref<128xi32, #tpu.memory_space<vmem>>) semaphore(%run_scoped3A_123 : memref<!tpu.dma_semaphore, #tpu.memory_space<semaphore_mem>>) {add = true}
        %dma_wait3A_134 = arith.constant 0 : i32
        %dma_wait3A_135 = arith.constant 0 : i32
        %dma_wait3A_136 = tpu.memref_slice %arg8[%run_scoped3A_107, %dma_wait3A_134, %dma_wait3A_135] : memref<2x128x128xf32, #tpu.memory_space<vmem>> -> memref<1x128x128xf32, #tpu.memory_space<vmem>>
        %dma_wait3A_137 = tpu.memref_squeeze %dma_wait3A_136 : memref<1x128x128xf32, #tpu.memory_space<vmem>> -> memref<128x128xf32, #tpu.memory_space<vmem>>
        %dma_wait3A_138 = arith.constant 0 : i32
        %dma_wait3A_139 = tpu.memref_slice %arg7[%run_scoped3A_108, %dma_wait3A_138] : memref<2x128xi32, #tpu.memory_space<vmem>> -> memref<1x128xi32, #tpu.memory_space<vmem>>
        %dma_wait3A_140 = tpu.memref_squeeze %dma_wait3A_139 : memref<1x128xi32, #tpu.memory_space<vmem>> -> memref<128xi32, #tpu.memory_space<vmem>>
        %dma_wait3A_141 = arith.constant 0 : i32
        %dma_wait3A_142 = arith.constant 0 : i32
        %dma_wait3A_143 = tpu.memref_slice %arg9[%dma_wait3A_141, %dma_wait3A_142] : memref<10240x128xf32, #tpu.memory_space<vmem_shared>> -> memref<10240x128xf32, #tpu.memory_space<vmem_shared>>
        tpu.wait_indirect_dma semaphore(%run_scoped3A_123 : memref<!tpu.dma_semaphore, #tpu.memory_space<semaphore_mem>>) src(%dma_wait3A_137 : memref<128x128xf32, #tpu.memory_space<vmem>>) dst(%dma_wait3A_143 : memref<10240x128xf32, #tpu.memory_space<vmem_shared>>)
        tpu.yield
      }) : () -> ()
      %dma_wait3A_109 = arith.constant 1 : i32
      %dma_wait3A_110 = arith.constant 1 : i32
      %dma_wait3A_111 = arith.constant 0 : i32
      %dma_wait3A_112 = arith.constant 0 : i32
      %dma_wait3A_113 = tpu.memref_slice %arg8[%dma_wait3A_110, %dma_wait3A_111, %dma_wait3A_112] : memref<2x128x128xf32, #tpu.memory_space<vmem>> -> memref<1x128x128xf32, #tpu.memory_space<vmem>>
      %dma_wait3A_114 = tpu.memref_squeeze %dma_wait3A_113 : memref<1x128x128xf32, #tpu.memory_space<vmem>> -> memref<128x128xf32, #tpu.memory_space<vmem>>
      %dma_wait3A_115 = arith.constant 0 : i32
      %dma_wait3A_116 = tpu.memref_slice %arg6[%dma_wait3A_109, %dma_wait3A_115] : memref<2x128xi32, #tpu.memory_space<vmem>> -> memref<1x128xi32, #tpu.memory_space<vmem>>
      %dma_wait3A_117 = tpu.memref_squeeze %dma_wait3A_116 : memref<1x128xi32, #tpu.memory_space<vmem>> -> memref<128xi32, #tpu.memory_space<vmem>>
      %dma_wait3A_118 = arith.constant 0 : i32
      %dma_wait3A_119 = arith.constant 0 : i32
      %dma_wait3A_120 = tpu.memref_slice %arg4[%dma_wait3A_118, %dma_wait3A_119] : memref<10240x128xf32, #tpu.memory_space<hbm>> -> memref<10240x128xf32, #tpu.memory_space<hbm>>
      tpu.wait_indirect_dma semaphore(%arg11 : memref<!tpu.dma_semaphore, #tpu.memory_space<semaphore_mem>>) src(%dma_wait3A_120 : memref<10240x128xf32, #tpu.memory_space<hbm>>) dst(%dma_wait3A_114 : memref<128x128xf32, #tpu.memory_space<vmem>>)
      %run_scoped3A_121 = arith.constant 1 : i32
      %run_scoped3A_122 = arith.constant 1 : i32
      "tpu.region"() ({
        %run_scoped3A_123 = tpu.sem_alloc : memref<!tpu.dma_semaphore, #tpu.memory_space<semaphore_mem>>
        %dma_start3A_124 = arith.constant 0 : i32
        %dma_start3A_125 = arith.constant 0 : i32
        %dma_start3A_126 = tpu.memref_slice %arg8[%run_scoped3A_121, %dma_start3A_124, %dma_start3A_125] : memref<2x128x128xf32, #tpu.memory_space<vmem>> -> memref<1x128x128xf32, #tpu.memory_space<vmem>>
        %dma_start3A_127 = tpu.memref_squeeze %dma_start3A_126 : memref<1x128x128xf32, #tpu.memory_space<vmem>> -> memref<128x128xf32, #tpu.memory_space<vmem>>
        %dma_start3A_128 = arith.constant 0 : i32
        %dma_start3A_129 = tpu.memref_slice %arg7[%run_scoped3A_122, %dma_start3A_128] : memref<2x128xi32, #tpu.memory_space<vmem>> -> memref<1x128xi32, #tpu.memory_space<vmem>>
        %dma_start3A_130 = tpu.memref_squeeze %dma_start3A_129 : memref<1x128xi32, #tpu.memory_space<vmem>> -> memref<128xi32, #tpu.memory_space<vmem>>
        %dma_start3A_131 = arith.constant 0 : i32
        %dma_start3A_132 = arith.constant 0 : i32
        %dma_start3A_133 = tpu.memref_slice %arg9[%dma_start3A_131, %dma_start3A_132] : memref<10240x128xf32, #tpu.memory_space<vmem_shared>> -> memref<10240x128xf32, #tpu.memory_space<vmem_shared>>
        tpu.enqueue_indirect_dma source(%dma_start3A_127 : memref<128x128xf32, #tpu.memory_space<vmem>>) target(%dma_start3A_133 : memref<10240x128xf32, #tpu.memory_space<vmem_shared>>) offsets(%dma_start3A_130 : memref<128xi32, #tpu.memory_space<vmem>>) semaphore(%run_scoped3A_123 : memref<!tpu.dma_semaphore, #tpu.memory_space<semaphore_mem>>) {add = true}
        %dma_wait3A_134 = arith.constant 0 : i32
        %dma_wait3A_135 = arith.constant 0 : i32
        %dma_wait3A_136 = tpu.memref_slice %arg8[%run_scoped3A_121, %dma_wait3A_134, %dma_wait3A_135] : memref<2x128x128xf32, #tpu.memory_space<vmem>> -> memref<1x128x128xf32, #tpu.memory_space<vmem>>
        %dma_wait3A_137 = tpu.memref_squeeze %dma_wait3A_136 : memref<1x128x128xf32, #tpu.memory_space<vmem>> -> memref<128x128xf32, #tpu.memory_space<vmem>>
        %dma_wait3A_138 = arith.constant 0 : i32
        %dma_wait3A_139 = tpu.memref_slice %arg7[%run_scoped3A_122, %dma_wait3A_138] : memref<2x128xi32, #tpu.memory_space<vmem>> -> memref<1x128xi32, #tpu.memory_space<vmem>>
        %dma_wait3A_140 = tpu.memref_squeeze %dma_wait3A_139 : memref<1x128xi32, #tpu.memory_space<vmem>> -> memref<128xi32, #tpu.memory_space<vmem>>
        %dma_wait3A_141 = arith.constant 0 : i32
        %dma_wait3A_142 = arith.constant 0 : i32
        %dma_wait3A_143 = tpu.memref_slice %arg9[%dma_wait3A_141, %dma_wait3A_142] : memref<10240x128xf32, #tpu.memory_space<vmem_shared>> -> memref<10240x128xf32, #tpu.memory_space<vmem_shared>>
        tpu.wait_indirect_dma semaphore(%run_scoped3A_123 : memref<!tpu.dma_semaphore, #tpu.memory_space<semaphore_mem>>) src(%dma_wait3A_137 : memref<128x128xf32, #tpu.memory_space<vmem>>) dst(%dma_wait3A_143 : memref<10240x128xf32, #tpu.memory_space<vmem_shared>>)
        tpu.yield
      }) : () -> ()
    }
    %scan3A_23 = arith.constant 79 : i32
    %barrier3A_24 = arith.constant 0 : index
    tpu.barrier barrier_id(%barrier3A_24)
    %add3A_25 = arith.constant 0 : i32
    %add3A_26 = arith.addi %mul3A_5, %add3A_25 : i32
    %run_scoped3A_27 = arith.constant 0 : i32
    "tpu.region"() ({
      %run_scoped3A_55 = tpu.sem_alloc : memref<!tpu.dma_semaphore, #tpu.memory_space<semaphore_mem>>
      %dma_start3A = arith.constant 0 : i32
      %dma_start3A_56 = arith.constant 0 : i32
      %dma_start3A_57 = tpu.memref_slice %arg8[%run_scoped3A_27, %dma_start3A, %dma_start3A_56] : memref<2x128x128xf32, #tpu.memory_space<vmem>> -> memref<1x128x128xf32, #tpu.memory_space<vmem>>
      %dma_start3A_58 = tpu.memref_squeeze %dma_start3A_57 : memref<1x128x128xf32, #tpu.memory_space<vmem>> -> memref<128x128xf32, #tpu.memory_space<vmem>>
      %dma_start3A_59 = arith.constant 0 : i32
      %dma_start3A_60 = tpu.memref_slice %arg9[%add3A_26, %dma_start3A_59] : memref<10240x128xf32, #tpu.memory_space<vmem_shared>> -> memref<128x128xf32, #tpu.memory_space<vmem_shared>>
      %dma_start3A_61 = arith.constant 0 : i32
      %dma_start3A_62 = arith.constant 0 : i32
      %dma_start3A_63 = tpu.memref_slice %arg8[%run_scoped3A_27, %dma_start3A_61, %dma_start3A_62] : memref<2x128x128xf32, #tpu.memory_space<vmem>> -> memref<1x128x128xf32, #tpu.memory_space<vmem>>
      %dma_start3A_64 = tpu.memref_squeeze %dma_start3A_63 : memref<1x128x128xf32, #tpu.memory_space<vmem>> -> memref<128x128xf32, #tpu.memory_space<vmem>>
      %dma_start3A_65 = arith.constant 0 : i32
      %dma_start3A_66 = tpu.memref_slice %arg9[%add3A_26, %dma_start3A_65] : memref<10240x128xf32, #tpu.memory_space<vmem_shared>> -> memref<128x128xf32, #tpu.memory_space<vmem_shared>>
      tpu.enqueue_dma source(%dma_start3A_66 : memref<128x128xf32, #tpu.memory_space<vmem_shared>>) target(%dma_start3A_64 : memref<128x128xf32, #tpu.memory_space<vmem>>) target_semaphore(%run_scoped3A_55 : memref<!tpu.dma_semaphore, #tpu.memory_space<semaphore_mem>>)
      %dma_wait3A = arith.constant 0 : i32
      %dma_wait3A_67 = arith.constant 0 : i32
      %dma_wait3A_68 = tpu.memref_slice %arg8[%run_scoped3A_27, %dma_wait3A, %dma_wait3A_67] : memref<2x128x128xf32, #tpu.memory_space<vmem>> -> memref<1x128x128xf32, #tpu.memory_space<vmem>>
      %dma_wait3A_69 = tpu.memref_squeeze %dma_wait3A_68 : memref<1x128x128xf32, #tpu.memory_space<vmem>> -> memref<128x128xf32, #tpu.memory_space<vmem>>
      %dma_wait3A_70 = arith.constant 0 : i32
      %dma_wait3A_71 = tpu.memref_slice %arg9[%add3A_26, %dma_wait3A_70] : memref<10240x128xf32, #tpu.memory_space<vmem_shared>> -> memref<128x128xf32, #tpu.memory_space<vmem_shared>>
      %dma_wait3A_72 = arith.constant 0 : i32
      %dma_wait3A_73 = arith.constant 0 : i32
      %dma_wait3A_74 = tpu.memref_slice %arg8[%run_scoped3A_27, %dma_wait3A_72, %dma_wait3A_73] : memref<2x128x128xf32, #tpu.memory_space<vmem>> -> memref<1x128x128xf32, #tpu.memory_space<vmem>>
      %dma_wait3A_75 = tpu.memref_squeeze %dma_wait3A_74 : memref<1x128x128xf32, #tpu.memory_space<vmem>> -> memref<128x128xf32, #tpu.memory_space<vmem>>
      %dma_wait3A_76 = arith.constant 0 : i32
      %dma_wait3A_77 = tpu.memref_slice %arg9[%add3A_26, %dma_wait3A_76] : memref<10240x128xf32, #tpu.memory_space<vmem_shared>> -> memref<128x128xf32, #tpu.memory_space<vmem_shared>>
      tpu.wait_dma2 semaphore(%run_scoped3A_55 : memref<!tpu.dma_semaphore, #tpu.memory_space<semaphore_mem>>) src(%dma_wait3A_77 : memref<128x128xf32, #tpu.memory_space<vmem_shared>>) dst(%dma_wait3A_75 : memref<128x128xf32, #tpu.memory_space<vmem>>)
      tpu.yield
    }) : () -> ()
    %add3A_28 = arith.constant 0 : i32
    %add3A_29 = arith.addi %mul3A_5, %add3A_28 : i32
    %run_scoped3A_30 = arith.constant 0 : i32
    "tpu.region"() ({
      %run_scoped3A_55 = tpu.sem_alloc : memref<!tpu.dma_semaphore, #tpu.memory_space<semaphore_mem>>
      %dma_start3A = arith.constant 0 : i32
      %dma_start3A_56 = arith.constant 0 : i32
      %dma_start3A_57 = tpu.memref_slice %arg8[%run_scoped3A_30, %dma_start3A, %dma_start3A_56] : memref<2x128x128xf32, #tpu.memory_space<vmem>> -> memref<1x128x128xf32, #tpu.memory_space<vmem>>
      %dma_start3A_58 = tpu.memref_squeeze %dma_start3A_57 : memref<1x128x128xf32, #tpu.memory_space<vmem>> -> memref<128x128xf32, #tpu.memory_space<vmem>>
      %dma_start3A_59 = arith.constant 0 : i32
      %dma_start3A_60 = tpu.memref_slice %arg5[%add3A_29, %dma_start3A_59] : memref<10240x128xf32, #tpu.memory_space<hbm>> -> memref<128x128xf32, #tpu.memory_space<hbm>>
      %dma_start3A_61 = arith.constant 0 : i32
      %dma_start3A_62 = tpu.memref_slice %arg5[%add3A_29, %dma_start3A_61] : memref<10240x128xf32, #tpu.memory_space<hbm>> -> memref<128x128xf32, #tpu.memory_space<hbm>>
      %dma_start3A_63 = arith.constant 0 : i32
      %dma_start3A_64 = arith.constant 0 : i32
      %dma_start3A_65 = tpu.memref_slice %arg8[%run_scoped3A_30, %dma_start3A_63, %dma_start3A_64] : memref<2x128x128xf32, #tpu.memory_space<vmem>> -> memref<1x128x128xf32, #tpu.memory_space<vmem>>
      %dma_start3A_66 = tpu.memref_squeeze %dma_start3A_65 : memref<1x128x128xf32, #tpu.memory_space<vmem>> -> memref<128x128xf32, #tpu.memory_space<vmem>>
      tpu.enqueue_dma source(%dma_start3A_66 : memref<128x128xf32, #tpu.memory_space<vmem>>) target(%dma_start3A_62 : memref<128x128xf32, #tpu.memory_space<hbm>>) target_semaphore(%run_scoped3A_55 : memref<!tpu.dma_semaphore, #tpu.memory_space<semaphore_mem>>)
      %dma_wait3A = arith.constant 0 : i32
      %dma_wait3A_67 = arith.constant 0 : i32
      %dma_wait3A_68 = tpu.memref_slice %arg8[%run_scoped3A_30, %dma_wait3A, %dma_wait3A_67] : memref<2x128x128xf32, #tpu.memory_space<vmem>> -> memref<1x128x128xf32, #tpu.memory_space<vmem>>
      %dma_wait3A_69 = tpu.memref_squeeze %dma_wait3A_68 : memref<1x128x128xf32, #tpu.memory_space<vmem>> -> memref<128x128xf32, #tpu.memory_space<vmem>>
      %dma_wait3A_70 = arith.constant 0 : i32
      %dma_wait3A_71 = tpu.memref_slice %arg5[%add3A_29, %dma_wait3A_70] : memref<10240x128xf32, #tpu.memory_space<hbm>> -> memref<128x128xf32, #tpu.memory_space<hbm>>
      %dma_wait3A_72 = arith.constant 0 : i32
      %dma_wait3A_73 = tpu.memref_slice %arg5[%add3A_29, %dma_wait3A_72] : memref<10240x128xf32, #tpu.memory_space<hbm>> -> memref<128x128xf32, #tpu.memory_space<hbm>>
      %dma_wait3A_74 = arith.constant 0 : i32
      %dma_wait3A_75 = arith.constant 0 : i32
      %dma_wait3A_76 = tpu.memref_slice %arg8[%run_scoped3A_30, %dma_wait3A_74, %dma_wait3A_75] : memref<2x128x128xf32, #tpu.memory_space<vmem>> -> memref<1x128x128xf32, #tpu.memory_space<vmem>>
      %dma_wait3A_77 = tpu.memref_squeeze %dma_wait3A_76 : memref<1x128x128xf32, #tpu.memory_space<vmem>> -> memref<128x128xf32, #tpu.memory_space<vmem>>
      tpu.wait_dma2 semaphore(%run_scoped3A_55 : memref<!tpu.dma_semaphore, #tpu.memory_space<semaphore_mem>>) src(%dma_wait3A_77 : memref<128x128xf32, #tpu.memory_space<vmem>>) dst(%dma_wait3A_73 : memref<128x128xf32, #tpu.memory_space<hbm>>)
      tpu.yield
    }) : () -> ()
    %add3A_31 = arith.constant 128 : i32
    %add3A_32 = arith.addi %mul3A_5, %add3A_31 : i32
    %run_scoped3A_33 = arith.constant 0 : i32
    "tpu.region"() ({
      %run_scoped3A_55 = tpu.sem_alloc : memref<!tpu.dma_semaphore, #tpu.memory_space<semaphore_mem>>
      %dma_start3A = arith.constant 0 : i32
      %dma_start3A_56 = arith.constant 0 : i32
      %dma_start3A_57 = tpu.memref_slice %arg8[%run_scoped3A_33, %dma_start3A, %dma_start3A_56] : memref<2x128x128xf32, #tpu.memory_space<vmem>> -> memref<1x128x128xf32, #tpu.memory_space<vmem>>
      %dma_start3A_58 = tpu.memref_squeeze %dma_start3A_57 : memref<1x128x128xf32, #tpu.memory_space<vmem>> -> memref<128x128xf32, #tpu.memory_space<vmem>>
      %dma_start3A_59 = arith.constant 0 : i32
      %dma_start3A_60 = tpu.memref_slice %arg9[%add3A_32, %dma_start3A_59] : memref<10240x128xf32, #tpu.memory_space<vmem_shared>> -> memref<128x128xf32, #tpu.memory_space<vmem_shared>>
      %dma_start3A_61 = arith.constant 0 : i32
      %dma_start3A_62 = arith.constant 0 : i32
      %dma_start3A_63 = tpu.memref_slice %arg8[%run_scoped3A_33, %dma_start3A_61, %dma_start3A_62] : memref<2x128x128xf32, #tpu.memory_space<vmem>> -> memref<1x128x128xf32, #tpu.memory_space<vmem>>
      %dma_start3A_64 = tpu.memref_squeeze %dma_start3A_63 : memref<1x128x128xf32, #tpu.memory_space<vmem>> -> memref<128x128xf32, #tpu.memory_space<vmem>>
      %dma_start3A_65 = arith.constant 0 : i32
      %dma_start3A_66 = tpu.memref_slice %arg9[%add3A_32, %dma_start3A_65] : memref<10240x128xf32, #tpu.memory_space<vmem_shared>> -> memref<128x128xf32, #tpu.memory_space<vmem_shared>>
      tpu.enqueue_dma source(%dma_start3A_66 : memref<128x128xf32, #tpu.memory_space<vmem_shared>>) target(%dma_start3A_64 : memref<128x128xf32, #tpu.memory_space<vmem>>) target_semaphore(%run_scoped3A_55 : memref<!tpu.dma_semaphore, #tpu.memory_space<semaphore_mem>>)
      %dma_wait3A = arith.constant 0 : i32
      %dma_wait3A_67 = arith.constant 0 : i32
      %dma_wait3A_68 = tpu.memref_slice %arg8[%run_scoped3A_33, %dma_wait3A, %dma_wait3A_67] : memref<2x128x128xf32, #tpu.memory_space<vmem>> -> memref<1x128x128xf32, #tpu.memory_space<vmem>>
      %dma_wait3A_69 = tpu.memref_squeeze %dma_wait3A_68 : memref<1x128x128xf32, #tpu.memory_space<vmem>> -> memref<128x128xf32, #tpu.memory_space<vmem>>
      %dma_wait3A_70 = arith.constant 0 : i32
      %dma_wait3A_71 = tpu.memref_slice %arg9[%add3A_32, %dma_wait3A_70] : memref<10240x128xf32, #tpu.memory_space<vmem_shared>> -> memref<128x128xf32, #tpu.memory_space<vmem_shared>>
      %dma_wait3A_72 = arith.constant 0 : i32
      %dma_wait3A_73 = arith.constant 0 : i32
      %dma_wait3A_74 = tpu.memref_slice %arg8[%run_scoped3A_33, %dma_wait3A_72, %dma_wait3A_73] : memref<2x128x128xf32, #tpu.memory_space<vmem>> -> memref<1x128x128xf32, #tpu.memory_space<vmem>>
      %dma_wait3A_75 = tpu.memref_squeeze %dma_wait3A_74 : memref<1x128x128xf32, #tpu.memory_space<vmem>> -> memref<128x128xf32, #tpu.memory_space<vmem>>
      %dma_wait3A_76 = arith.constant 0 : i32
      %dma_wait3A_77 = tpu.memref_slice %arg9[%add3A_32, %dma_wait3A_76] : memref<10240x128xf32, #tpu.memory_space<vmem_shared>> -> memref<128x128xf32, #tpu.memory_space<vmem_shared>>
      tpu.wait_dma2 semaphore(%run_scoped3A_55 : memref<!tpu.dma_semaphore, #tpu.memory_space<semaphore_mem>>) src(%dma_wait3A_77 : memref<128x128xf32, #tpu.memory_space<vmem_shared>>) dst(%dma_wait3A_75 : memref<128x128xf32, #tpu.memory_space<vmem>>)
      tpu.yield
    }) : () -> ()
    %add3A_34 = arith.constant 128 : i32
    %add3A_35 = arith.addi %mul3A_5, %add3A_34 : i32
    %run_scoped3A_36 = arith.constant 0 : i32
    "tpu.region"() ({
      %run_scoped3A_55 = tpu.sem_alloc : memref<!tpu.dma_semaphore, #tpu.memory_space<semaphore_mem>>
      %dma_start3A = arith.constant 0 : i32
      %dma_start3A_56 = arith.constant 0 : i32
      %dma_start3A_57 = tpu.memref_slice %arg8[%run_scoped3A_36, %dma_start3A, %dma_start3A_56] : memref<2x128x128xf32, #tpu.memory_space<vmem>> -> memref<1x128x128xf32, #tpu.memory_space<vmem>>
      %dma_start3A_58 = tpu.memref_squeeze %dma_start3A_57 : memref<1x128x128xf32, #tpu.memory_space<vmem>> -> memref<128x128xf32, #tpu.memory_space<vmem>>
      %dma_start3A_59 = arith.constant 0 : i32
      %dma_start3A_60 = tpu.memref_slice %arg5[%add3A_35, %dma_start3A_59] : memref<10240x128xf32, #tpu.memory_space<hbm>> -> memref<128x128xf32, #tpu.memory_space<hbm>>
      %dma_start3A_61 = arith.constant 0 : i32
      %dma_start3A_62 = tpu.memref_slice %arg5[%add3A_35, %dma_start3A_61] : memref<10240x128xf32, #tpu.memory_space<hbm>> -> memref<128x128xf32, #tpu.memory_space<hbm>>
      %dma_start3A_63 = arith.constant 0 : i32
      %dma_start3A_64 = arith.constant 0 : i32
      %dma_start3A_65 = tpu.memref_slice %arg8[%run_scoped3A_36, %dma_start3A_63, %dma_start3A_64] : memref<2x128x128xf32, #tpu.memory_space<vmem>> -> memref<1x128x128xf32, #tpu.memory_space<vmem>>
      %dma_start3A_66 = tpu.memref_squeeze %dma_start3A_65 : memref<1x128x128xf32, #tpu.memory_space<vmem>> -> memref<128x128xf32, #tpu.memory_space<vmem>>
      tpu.enqueue_dma source(%dma_start3A_66 : memref<128x128xf32, #tpu.memory_space<vmem>>) target(%dma_start3A_62 : memref<128x128xf32, #tpu.memory_space<hbm>>) target_semaphore(%run_scoped3A_55 : memref<!tpu.dma_semaphore, #tpu.memory_space<semaphore_mem>>)
      %dma_wait3A = arith.constant 0 : i32
      %dma_wait3A_67 = arith.constant 0 : i32
      %dma_wait3A_68 = tpu.memref_slice %arg8[%run_scoped3A_36, %dma_wait3A, %dma_wait3A_67] : memref<2x128x128xf32, #tpu.memory_space<vmem>> -> memref<1x128x128xf32, #tpu.memory_space<vmem>>
      %dma_wait3A_69 = tpu.memref_squeeze %dma_wait3A_68 : memref<1x128x128xf32, #tpu.memory_space<vmem>> -> memref<128x128xf32, #tpu.memory_space<vmem>>
      %dma_wait3A_70 = arith.constant 0 : i32
      %dma_wait3A_71 = tpu.memref_slice %arg5[%add3A_35, %dma_wait3A_70] : memref<10240x128xf32, #tpu.memory_space<hbm>> -> memref<128x128xf32, #tpu.memory_space<hbm>>
      %dma_wait3A_72 = arith.constant 0 : i32
      %dma_wait3A_73 = tpu.memref_slice %arg5[%add3A_35, %dma_wait3A_72] : memref<10240x128xf32, #tpu.memory_space<hbm>> -> memref<128x128xf32, #tpu.memory_space<hbm>>
      %dma_wait3A_74 = arith.constant 0 : i32
      %dma_wait3A_75 = arith.constant 0 : i32
      %dma_wait3A_76 = tpu.memref_slice %arg8[%run_scoped3A_36, %dma_wait3A_74, %dma_wait3A_75] : memref<2x128x128xf32, #tpu.memory_space<vmem>> -> memref<1x128x128xf32, #tpu.memory_space<vmem>>
      %dma_wait3A_77 = tpu.memref_squeeze %dma_wait3A_76 : memref<1x128x128xf32, #tpu.memory_space<vmem>> -> memref<128x128xf32, #tpu.memory_space<vmem>>
      tpu.wait_dma2 semaphore(%run_scoped3A_55 : memref<!tpu.dma_semaphore, #tpu.memory_space<semaphore_mem>>) src(%dma_wait3A_77 : memref<128x128xf32, #tpu.memory_space<vmem>>) dst(%dma_wait3A_73 : memref<128x128xf32, #tpu.memory_space<hbm>>)
      tpu.yield
    }) : () -> ()
    %add3A_37 = arith.constant 256 : i32
    %add3A_38 = arith.addi %mul3A_5, %add3A_37 : i32
    %run_scoped3A_39 = arith.constant 0 : i32
    "tpu.region"() ({
      %run_scoped3A_55 = tpu.sem_alloc : memref<!tpu.dma_semaphore, #tpu.memory_space<semaphore_mem>>
      %dma_start3A = arith.constant 0 : i32
      %dma_start3A_56 = arith.constant 0 : i32
      %dma_start3A_57 = tpu.memref_slice %arg8[%run_scoped3A_39, %dma_start3A, %dma_start3A_56] : memref<2x128x128xf32, #tpu.memory_space<vmem>> -> memref<1x128x128xf32, #tpu.memory_space<vmem>>
      %dma_start3A_58 = tpu.memref_squeeze %dma_start3A_57 : memref<1x128x128xf32, #tpu.memory_space<vmem>> -> memref<128x128xf32, #tpu.memory_space<vmem>>
      %dma_start3A_59 = arith.constant 0 : i32
      %dma_start3A_60 = tpu.memref_slice %arg9[%add3A_38, %dma_start3A_59] : memref<10240x128xf32, #tpu.memory_space<vmem_shared>> -> memref<128x128xf32, #tpu.memory_space<vmem_shared>>
      %dma_start3A_61 = arith.constant 0 : i32
      %dma_start3A_62 = arith.constant 0 : i32
      %dma_start3A_63 = tpu.memref_slice %arg8[%run_scoped3A_39, %dma_start3A_61, %dma_start3A_62] : memref<2x128x128xf32, #tpu.memory_space<vmem>> -> memref<1x128x128xf32, #tpu.memory_space<vmem>>
      %dma_start3A_64 = tpu.memref_squeeze %dma_start3A_63 : memref<1x128x128xf32, #tpu.memory_space<vmem>> -> memref<128x128xf32, #tpu.memory_space<vmem>>
      %dma_start3A_65 = arith.constant 0 : i32
      %dma_start3A_66 = tpu.memref_slice %arg9[%add3A_38, %dma_start3A_65] : memref<10240x128xf32, #tpu.memory_space<vmem_shared>> -> memref<128x128xf32, #tpu.memory_space<vmem_shared>>
      tpu.enqueue_dma source(%dma_start3A_66 : memref<128x128xf32, #tpu.memory_space<vmem_shared>>) target(%dma_start3A_64 : memref<128x128xf32, #tpu.memory_space<vmem>>) target_semaphore(%run_scoped3A_55 : memref<!tpu.dma_semaphore, #tpu.memory_space<semaphore_mem>>)
      %dma_wait3A = arith.constant 0 : i32
      %dma_wait3A_67 = arith.constant 0 : i32
      %dma_wait3A_68 = tpu.memref_slice %arg8[%run_scoped3A_39, %dma_wait3A, %dma_wait3A_67] : memref<2x128x128xf32, #tpu.memory_space<vmem>> -> memref<1x128x128xf32, #tpu.memory_space<vmem>>
      %dma_wait3A_69 = tpu.memref_squeeze %dma_wait3A_68 : memref<1x128x128xf32, #tpu.memory_space<vmem>> -> memref<128x128xf32, #tpu.memory_space<vmem>>
      %dma_wait3A_70 = arith.constant 0 : i32
      %dma_wait3A_71 = tpu.memref_slice %arg9[%add3A_38, %dma_wait3A_70] : memref<10240x128xf32, #tpu.memory_space<vmem_shared>> -> memref<128x128xf32, #tpu.memory_space<vmem_shared>>
      %dma_wait3A_72 = arith.constant 0 : i32
      %dma_wait3A_73 = arith.constant 0 : i32
      %dma_wait3A_74 = tpu.memref_slice %arg8[%run_scoped3A_39, %dma_wait3A_72, %dma_wait3A_73] : memref<2x128x128xf32, #tpu.memory_space<vmem>> -> memref<1x128x128xf32, #tpu.memory_space<vmem>>
      %dma_wait3A_75 = tpu.memref_squeeze %dma_wait3A_74 : memref<1x128x128xf32, #tpu.memory_space<vmem>> -> memref<128x128xf32, #tpu.memory_space<vmem>>
      %dma_wait3A_76 = arith.constant 0 : i32
      %dma_wait3A_77 = tpu.memref_slice %arg9[%add3A_38, %dma_wait3A_76] : memref<10240x128xf32, #tpu.memory_space<vmem_shared>> -> memref<128x128xf32, #tpu.memory_space<vmem_shared>>
      tpu.wait_dma2 semaphore(%run_scoped3A_55 : memref<!tpu.dma_semaphore, #tpu.memory_space<semaphore_mem>>) src(%dma_wait3A_77 : memref<128x128xf32, #tpu.memory_space<vmem_shared>>) dst(%dma_wait3A_75 : memref<128x128xf32, #tpu.memory_space<vmem>>)
      tpu.yield
    }) : () -> ()
    %add3A_40 = arith.constant 256 : i32
    %add3A_41 = arith.addi %mul3A_5, %add3A_40 : i32
    %run_scoped3A_42 = arith.constant 0 : i32
    "tpu.region"() ({
      %run_scoped3A_55 = tpu.sem_alloc : memref<!tpu.dma_semaphore, #tpu.memory_space<semaphore_mem>>
      %dma_start3A = arith.constant 0 : i32
      %dma_start3A_56 = arith.constant 0 : i32
      %dma_start3A_57 = tpu.memref_slice %arg8[%run_scoped3A_42, %dma_start3A, %dma_start3A_56] : memref<2x128x128xf32, #tpu.memory_space<vmem>> -> memref<1x128x128xf32, #tpu.memory_space<vmem>>
      %dma_start3A_58 = tpu.memref_squeeze %dma_start3A_57 : memref<1x128x128xf32, #tpu.memory_space<vmem>> -> memref<128x128xf32, #tpu.memory_space<vmem>>
      %dma_start3A_59 = arith.constant 0 : i32
      %dma_start3A_60 = tpu.memref_slice %arg5[%add3A_41, %dma_start3A_59] : memref<10240x128xf32, #tpu.memory_space<hbm>> -> memref<128x128xf32, #tpu.memory_space<hbm>>
      %dma_start3A_61 = arith.constant 0 : i32
      %dma_start3A_62 = tpu.memref_slice %arg5[%add3A_41, %dma_start3A_61] : memref<10240x128xf32, #tpu.memory_space<hbm>> -> memref<128x128xf32, #tpu.memory_space<hbm>>
      %dma_start3A_63 = arith.constant 0 : i32
      %dma_start3A_64 = arith.constant 0 : i32
      %dma_start3A_65 = tpu.memref_slice %arg8[%run_scoped3A_42, %dma_start3A_63, %dma_start3A_64] : memref<2x128x128xf32, #tpu.memory_space<vmem>> -> memref<1x128x128xf32, #tpu.memory_space<vmem>>
      %dma_start3A_66 = tpu.memref_squeeze %dma_start3A_65 : memref<1x128x128xf32, #tpu.memory_space<vmem>> -> memref<128x128xf32, #tpu.memory_space<vmem>>
      tpu.enqueue_dma source(%dma_start3A_66 : memref<128x128xf32, #tpu.memory_space<vmem>>) target(%dma_start3A_62 : memref<128x128xf32, #tpu.memory_space<hbm>>) target_semaphore(%run_scoped3A_55 : memref<!tpu.dma_semaphore, #tpu.memory_space<semaphore_mem>>)
      %dma_wait3A = arith.constant 0 : i32
      %dma_wait3A_67 = arith.constant 0 : i32
      %dma_wait3A_68 = tpu.memref_slice %arg8[%run_scoped3A_42, %dma_wait3A, %dma_wait3A_67] : memref<2x128x128xf32, #tpu.memory_space<vmem>> -> memref<1x128x128xf32, #tpu.memory_space<vmem>>
      %dma_wait3A_69 = tpu.memref_squeeze %dma_wait3A_68 : memref<1x128x128xf32, #tpu.memory_space<vmem>> -> memref<128x128xf32, #tpu.memory_space<vmem>>
      %dma_wait3A_70 = arith.constant 0 : i32
      %dma_wait3A_71 = tpu.memref_slice %arg5[%add3A_41, %dma_wait3A_70] : memref<10240x128xf32, #tpu.memory_space<hbm>> -> memref<128x128xf32, #tpu.memory_space<hbm>>
      %dma_wait3A_72 = arith.constant 0 : i32
      %dma_wait3A_73 = tpu.memref_slice %arg5[%add3A_41, %dma_wait3A_72] : memref<10240x128xf32, #tpu.memory_space<hbm>> -> memref<128x128xf32, #tpu.memory_space<hbm>>
      %dma_wait3A_74 = arith.constant 0 : i32
      %dma_wait3A_75 = arith.constant 0 : i32
      %dma_wait3A_76 = tpu.memref_slice %arg8[%run_scoped3A_42, %dma_wait3A_74, %dma_wait3A_75] : memref<2x128x128xf32, #tpu.memory_space<vmem>> -> memref<1x128x128xf32, #tpu.memory_space<vmem>>
      %dma_wait3A_77 = tpu.memref_squeeze %dma_wait3A_76 : memref<1x128x128xf32, #tpu.memory_space<vmem>> -> memref<128x128xf32, #tpu.memory_space<vmem>>
      tpu.wait_dma2 semaphore(%run_scoped3A_55 : memref<!tpu.dma_semaphore, #tpu.memory_space<semaphore_mem>>) src(%dma_wait3A_77 : memref<128x128xf32, #tpu.memory_space<vmem>>) dst(%dma_wait3A_73 : memref<128x128xf32, #tpu.memory_space<hbm>>)
      tpu.yield
    }) : () -> ()
    %add3A_43 = arith.constant 384 : i32
    %add3A_44 = arith.addi %mul3A_5, %add3A_43 : i32
    %run_scoped3A_45 = arith.constant 0 : i32
    "tpu.region"() ({
      %run_scoped3A_55 = tpu.sem_alloc : memref<!tpu.dma_semaphore, #tpu.memory_space<semaphore_mem>>
      %dma_start3A = arith.constant 0 : i32
      %dma_start3A_56 = arith.constant 0 : i32
      %dma_start3A_57 = tpu.memref_slice %arg8[%run_scoped3A_45, %dma_start3A, %dma_start3A_56] : memref<2x128x128xf32, #tpu.memory_space<vmem>> -> memref<1x128x128xf32, #tpu.memory_space<vmem>>
      %dma_start3A_58 = tpu.memref_squeeze %dma_start3A_57 : memref<1x128x128xf32, #tpu.memory_space<vmem>> -> memref<128x128xf32, #tpu.memory_space<vmem>>
      %dma_start3A_59 = arith.constant 0 : i32
      %dma_start3A_60 = tpu.memref_slice %arg9[%add3A_44, %dma_start3A_59] : memref<10240x128xf32, #tpu.memory_space<vmem_shared>> -> memref<128x128xf32, #tpu.memory_space<vmem_shared>>
      %dma_start3A_61 = arith.constant 0 : i32
      %dma_start3A_62 = arith.constant 0 : i32
      %dma_start3A_63 = tpu.memref_slice %arg8[%run_scoped3A_45, %dma_start3A_61, %dma_start3A_62] : memref<2x128x128xf32, #tpu.memory_space<vmem>> -> memref<1x128x128xf32, #tpu.memory_space<vmem>>
      %dma_start3A_64 = tpu.memref_squeeze %dma_start3A_63 : memref<1x128x128xf32, #tpu.memory_space<vmem>> -> memref<128x128xf32, #tpu.memory_space<vmem>>
      %dma_start3A_65 = arith.constant 0 : i32
      %dma_start3A_66 = tpu.memref_slice %arg9[%add3A_44, %dma_start3A_65] : memref<10240x128xf32, #tpu.memory_space<vmem_shared>> -> memref<128x128xf32, #tpu.memory_space<vmem_shared>>
      tpu.enqueue_dma source(%dma_start3A_66 : memref<128x128xf32, #tpu.memory_space<vmem_shared>>) target(%dma_start3A_64 : memref<128x128xf32, #tpu.memory_space<vmem>>) target_semaphore(%run_scoped3A_55 : memref<!tpu.dma_semaphore, #tpu.memory_space<semaphore_mem>>)
      %dma_wait3A = arith.constant 0 : i32
      %dma_wait3A_67 = arith.constant 0 : i32
      %dma_wait3A_68 = tpu.memref_slice %arg8[%run_scoped3A_45, %dma_wait3A, %dma_wait3A_67] : memref<2x128x128xf32, #tpu.memory_space<vmem>> -> memref<1x128x128xf32, #tpu.memory_space<vmem>>
      %dma_wait3A_69 = tpu.memref_squeeze %dma_wait3A_68 : memref<1x128x128xf32, #tpu.memory_space<vmem>> -> memref<128x128xf32, #tpu.memory_space<vmem>>
      %dma_wait3A_70 = arith.constant 0 : i32
      %dma_wait3A_71 = tpu.memref_slice %arg9[%add3A_44, %dma_wait3A_70] : memref<10240x128xf32, #tpu.memory_space<vmem_shared>> -> memref<128x128xf32, #tpu.memory_space<vmem_shared>>
      %dma_wait3A_72 = arith.constant 0 : i32
      %dma_wait3A_73 = arith.constant 0 : i32
      %dma_wait3A_74 = tpu.memref_slice %arg8[%run_scoped3A_45, %dma_wait3A_72, %dma_wait3A_73] : memref<2x128x128xf32, #tpu.memory_space<vmem>> -> memref<1x128x128xf32, #tpu.memory_space<vmem>>
      %dma_wait3A_75 = tpu.memref_squeeze %dma_wait3A_74 : memref<1x128x128xf32, #tpu.memory_space<vmem>> -> memref<128x128xf32, #tpu.memory_space<vmem>>
      %dma_wait3A_76 = arith.constant 0 : i32
      %dma_wait3A_77 = tpu.memref_slice %arg9[%add3A_44, %dma_wait3A_76] : memref<10240x128xf32, #tpu.memory_space<vmem_shared>> -> memref<128x128xf32, #tpu.memory_space<vmem_shared>>
      tpu.wait_dma2 semaphore(%run_scoped3A_55 : memref<!tpu.dma_semaphore, #tpu.memory_space<semaphore_mem>>) src(%dma_wait3A_77 : memref<128x128xf32, #tpu.memory_space<vmem_shared>>) dst(%dma_wait3A_75 : memref<128x128xf32, #tpu.memory_space<vmem>>)
      tpu.yield
    }) : () -> ()
    %add3A_46 = arith.constant 384 : i32
    %add3A_47 = arith.addi %mul3A_5, %add3A_46 : i32
    %run_scoped3A_48 = arith.constant 0 : i32
    "tpu.region"() ({
      %run_scoped3A_55 = tpu.sem_alloc : memref<!tpu.dma_semaphore, #tpu.memory_space<semaphore_mem>>
      %dma_start3A = arith.constant 0 : i32
      %dma_start3A_56 = arith.constant 0 : i32
      %dma_start3A_57 = tpu.memref_slice %arg8[%run_scoped3A_48, %dma_start3A, %dma_start3A_56] : memref<2x128x128xf32, #tpu.memory_space<vmem>> -> memref<1x128x128xf32, #tpu.memory_space<vmem>>
      %dma_start3A_58 = tpu.memref_squeeze %dma_start3A_57 : memref<1x128x128xf32, #tpu.memory_space<vmem>> -> memref<128x128xf32, #tpu.memory_space<vmem>>
      %dma_start3A_59 = arith.constant 0 : i32
      %dma_start3A_60 = tpu.memref_slice %arg5[%add3A_47, %dma_start3A_59] : memref<10240x128xf32, #tpu.memory_space<hbm>> -> memref<128x128xf32, #tpu.memory_space<hbm>>
      %dma_start3A_61 = arith.constant 0 : i32
      %dma_start3A_62 = tpu.memref_slice %arg5[%add3A_47, %dma_start3A_61] : memref<10240x128xf32, #tpu.memory_space<hbm>> -> memref<128x128xf32, #tpu.memory_space<hbm>>
      %dma_start3A_63 = arith.constant 0 : i32
      %dma_start3A_64 = arith.constant 0 : i32
      %dma_start3A_65 = tpu.memref_slice %arg8[%run_scoped3A_48, %dma_start3A_63, %dma_start3A_64] : memref<2x128x128xf32, #tpu.memory_space<vmem>> -> memref<1x128x128xf32, #tpu.memory_space<vmem>>
      %dma_start3A_66 = tpu.memref_squeeze %dma_start3A_65 : memref<1x128x128xf32, #tpu.memory_space<vmem>> -> memref<128x128xf32, #tpu.memory_space<vmem>>
      tpu.enqueue_dma source(%dma_start3A_66 : memref<128x128xf32, #tpu.memory_space<vmem>>) target(%dma_start3A_62 : memref<128x128xf32, #tpu.memory_space<hbm>>) target_semaphore(%run_scoped3A_55 : memref<!tpu.dma_semaphore, #tpu.memory_space<semaphore_mem>>)
      %dma_wait3A = arith.constant 0 : i32
      %dma_wait3A_67 = arith.constant 0 : i32
      %dma_wait3A_68 = tpu.memref_slice %arg8[%run_scoped3A_48, %dma_wait3A, %dma_wait3A_67] : memref<2x128x128xf32, #tpu.memory_space<vmem>> -> memref<1x128x128xf32, #tpu.memory_space<vmem>>
      %dma_wait3A_69 = tpu.memref_squeeze %dma_wait3A_68 : memref<1x128x128xf32, #tpu.memory_space<vmem>> -> memref<128x128xf32, #tpu.memory_space<vmem>>
      %dma_wait3A_70 = arith.constant 0 : i32
      %dma_wait3A_71 = tpu.memref_slice %arg5[%add3A_47, %dma_wait3A_70] : memref<10240x128xf32, #tpu.memory_space<hbm>> -> memref<128x128xf32, #tpu.memory_space<hbm>>
      %dma_wait3A_72 = arith.constant 0 : i32
      %dma_wait3A_73 = tpu.memref_slice %arg5[%add3A_47, %dma_wait3A_72] : memref<10240x128xf32, #tpu.memory_space<hbm>> -> memref<128x128xf32, #tpu.memory_space<hbm>>
      %dma_wait3A_74 = arith.constant 0 : i32
      %dma_wait3A_75 = arith.constant 0 : i32
      %dma_wait3A_76 = tpu.memref_slice %arg8[%run_scoped3A_48, %dma_wait3A_74, %dma_wait3A_75] : memref<2x128x128xf32, #tpu.memory_space<vmem>> -> memref<1x128x128xf32, #tpu.memory_space<vmem>>
      %dma_wait3A_77 = tpu.memref_squeeze %dma_wait3A_76 : memref<1x128x128xf32, #tpu.memory_space<vmem>> -> memref<128x128xf32, #tpu.memory_space<vmem>>
      tpu.wait_dma2 semaphore(%run_scoped3A_55 : memref<!tpu.dma_semaphore, #tpu.memory_space<semaphore_mem>>) src(%dma_wait3A_77 : memref<128x128xf32, #tpu.memory_space<vmem>>) dst(%dma_wait3A_73 : memref<128x128xf32, #tpu.memory_space<hbm>>)
      tpu.yield
    }) : () -> ()
    %add3A_49 = arith.constant 512 : i32
    %add3A_50 = arith.addi %mul3A_5, %add3A_49 : i32
    %run_scoped3A_51 = arith.constant 0 : i32
    "tpu.region"() ({
      %run_scoped3A_55 = tpu.sem_alloc : memref<!tpu.dma_semaphore, #tpu.memory_space<semaphore_mem>>
      %dma_start3A = arith.constant 0 : i32
      %dma_start3A_56 = arith.constant 0 : i32
      %dma_start3A_57 = tpu.memref_slice %arg8[%run_scoped3A_51, %dma_start3A, %dma_start3A_56] : memref<2x128x128xf32, #tpu.memory_space<vmem>> -> memref<1x128x128xf32, #tpu.memory_space<vmem>>
      %dma_start3A_58 = tpu.memref_squeeze %dma_start3A_57 : memref<1x128x128xf32, #tpu.memory_space<vmem>> -> memref<128x128xf32, #tpu.memory_space<vmem>>
      %dma_start3A_59 = arith.constant 0 : i32
      %dma_start3A_60 = tpu.memref_slice %arg9[%add3A_50, %dma_start3A_59] : memref<10240x128xf32, #tpu.memory_space<vmem_shared>> -> memref<128x128xf32, #tpu.memory_space<vmem_shared>>
      %dma_start3A_61 = arith.constant 0 : i32
      %dma_start3A_62 = arith.constant 0 : i32
      %dma_start3A_63 = tpu.memref_slice %arg8[%run_scoped3A_51, %dma_start3A_61, %dma_start3A_62] : memref<2x128x128xf32, #tpu.memory_space<vmem>> -> memref<1x128x128xf32, #tpu.memory_space<vmem>>
      %dma_start3A_64 = tpu.memref_squeeze %dma_start3A_63 : memref<1x128x128xf32, #tpu.memory_space<vmem>> -> memref<128x128xf32, #tpu.memory_space<vmem>>
      %dma_start3A_65 = arith.constant 0 : i32
      %dma_start3A_66 = tpu.memref_slice %arg9[%add3A_50, %dma_start3A_65] : memref<10240x128xf32, #tpu.memory_space<vmem_shared>> -> memref<128x128xf32, #tpu.memory_space<vmem_shared>>
      tpu.enqueue_dma source(%dma_start3A_66 : memref<128x128xf32, #tpu.memory_space<vmem_shared>>) target(%dma_start3A_64 : memref<128x128xf32, #tpu.memory_space<vmem>>) target_semaphore(%run_scoped3A_55 : memref<!tpu.dma_semaphore, #tpu.memory_space<semaphore_mem>>)
      %dma_wait3A = arith.constant 0 : i32
      %dma_wait3A_67 = arith.constant 0 : i32
      %dma_wait3A_68 = tpu.memref_slice %arg8[%run_scoped3A_51, %dma_wait3A, %dma_wait3A_67] : memref<2x128x128xf32, #tpu.memory_space<vmem>> -> memref<1x128x128xf32, #tpu.memory_space<vmem>>
      %dma_wait3A_69 = tpu.memref_squeeze %dma_wait3A_68 : memref<1x128x128xf32, #tpu.memory_space<vmem>> -> memref<128x128xf32, #tpu.memory_space<vmem>>
      %dma_wait3A_70 = arith.constant 0 : i32
      %dma_wait3A_71 = tpu.memref_slice %arg9[%add3A_50, %dma_wait3A_70] : memref<10240x128xf32, #tpu.memory_space<vmem_shared>> -> memref<128x128xf32, #tpu.memory_space<vmem_shared>>
      %dma_wait3A_72 = arith.constant 0 : i32
      %dma_wait3A_73 = arith.constant 0 : i32
      %dma_wait3A_74 = tpu.memref_slice %arg8[%run_scoped3A_51, %dma_wait3A_72, %dma_wait3A_73] : memref<2x128x128xf32, #tpu.memory_space<vmem>> -> memref<1x128x128xf32, #tpu.memory_space<vmem>>
      %dma_wait3A_75 = tpu.memref_squeeze %dma_wait3A_74 : memref<1x128x128xf32, #tpu.memory_space<vmem>> -> memref<128x128xf32, #tpu.memory_space<vmem>>
      %dma_wait3A_76 = arith.constant 0 : i32
      %dma_wait3A_77 = tpu.memref_slice %arg9[%add3A_50, %dma_wait3A_76] : memref<10240x128xf32, #tpu.memory_space<vmem_shared>> -> memref<128x128xf32, #tpu.memory_space<vmem_shared>>
      tpu.wait_dma2 semaphore(%run_scoped3A_55 : memref<!tpu.dma_semaphore, #tpu.memory_space<semaphore_mem>>) src(%dma_wait3A_77 : memref<128x128xf32, #tpu.memory_space<vmem_shared>>) dst(%dma_wait3A_75 : memref<128x128xf32, #tpu.memory_space<vmem>>)
      tpu.yield
    }) : () -> ()
    %add3A_52 = arith.constant 512 : i32
    %add3A_53 = arith.addi %mul3A_5, %add3A_52 : i32
    %run_scoped3A_54 = arith.constant 0 : i32
    "tpu.region"() ({
      %run_scoped3A_55 = tpu.sem_alloc : memref<!tpu.dma_semaphore, #tpu.memory_space<semaphore_mem>>
      %dma_start3A = arith.constant 0 : i32
      %dma_start3A_56 = arith.constant 0 : i32
      %dma_start3A_57 = tpu.memref_slice %arg8[%run_scoped3A_54, %dma_start3A, %dma_start3A_56] : memref<2x128x128xf32, #tpu.memory_space<vmem>> -> memref<1x128x128xf32, #tpu.memory_space<vmem>>
      %dma_start3A_58 = tpu.memref_squeeze %dma_start3A_57 : memref<1x128x128xf32, #tpu.memory_space<vmem>> -> memref<128x128xf32, #tpu.memory_space<vmem>>
      %dma_start3A_59 = arith.constant 0 : i32
      %dma_start3A_60 = tpu.memref_slice %arg5[%add3A_53, %dma_start3A_59] : memref<10240x128xf32, #tpu.memory_space<hbm>> -> memref<128x128xf32, #tpu.memory_space<hbm>>
      %dma_start3A_61 = arith.constant 0 : i32
      %dma_start3A_62 = tpu.memref_slice %arg5[%add3A_53, %dma_start3A_61] : memref<10240x128xf32, #tpu.memory_space<hbm>> -> memref<128x128xf32, #tpu.memory_space<hbm>>
      %dma_start3A_63 = arith.constant 0 : i32
      %dma_start3A_64 = arith.constant 0 : i32
      %dma_start3A_65 = tpu.memref_slice %arg8[%run_scoped3A_54, %dma_start3A_63, %dma_start3A_64] : memref<2x128x128xf32, #tpu.memory_space<vmem>> -> memref<1x128x128xf32, #tpu.memory_space<vmem>>
      %dma_start3A_66 = tpu.memref_squeeze %dma_start3A_65 : memref<1x128x128xf32, #tpu.memory_space<vmem>> -> memref<128x128xf32, #tpu.memory_space<vmem>>
      tpu.enqueue_dma source(%dma_start3A_66 : memref<128x128xf32, #tpu.memory_space<vmem>>) target(%dma_start3A_62 : memref<128x128xf32, #tpu.memory_space<hbm>>) target_semaphore(%run_scoped3A_55 : memref<!tpu.dma_semaphore, #tpu.memory_space<semaphore_mem>>)
      %dma_wait3A = arith.constant 0 : i32
      %dma_wait3A_67 = arith.constant 0 : i32
      %dma_wait3A_68 = tpu.memref_slice %arg8[%run_scoped3A_54, %dma_wait3A, %dma_wait3A_67] : memref<2x128x128xf32, #tpu.memory_space<vmem>> -> memref<1x128x128xf32, #tpu.memory_space<vmem>>
      %dma_wait3A_69 = tpu.memref_squeeze %dma_wait3A_68 : memref<1x128x128xf32, #tpu.memory_space<vmem>> -> memref<128x128xf32, #tpu.memory_space<vmem>>
      %dma_wait3A_70 = arith.constant 0 : i32
      %dma_wait3A_71 = tpu.memref_slice %arg5[%add3A_53, %dma_wait3A_70] : memref<10240x128xf32, #tpu.memory_space<hbm>> -> memref<128x128xf32, #tpu.memory_space<hbm>>
      %dma_wait3A_72 = arith.constant 0 : i32
      %dma_wait3A_73 = tpu.memref_slice %arg5[%add3A_53, %dma_wait3A_72] : memref<10240x128xf32, #tpu.memory_space<hbm>> -> memref<128x128xf32, #tpu.memory_space<hbm>>
      %dma_wait3A_74 = arith.constant 0 : i32
      %dma_wait3A_75 = arith.constant 0 : i32
      %dma_wait3A_76 = tpu.memref_slice %arg8[%run_scoped3A_54, %dma_wait3A_74, %dma_wait3A_75] : memref<2x128x128xf32, #tpu.memory_space<vmem>> -> memref<1x128x128xf32, #tpu.memory_space<vmem>>
      %dma_wait3A_77 = tpu.memref_squeeze %dma_wait3A_76 : memref<1x128x128xf32, #tpu.memory_space<vmem>> -> memref<128x128xf32, #tpu.memory_space<vmem>>
      tpu.wait_dma2 semaphore(%run_scoped3A_55 : memref<!tpu.dma_semaphore, #tpu.memory_space<semaphore_mem>>) src(%dma_wait3A_77 : memref<128x128xf32, #tpu.memory_space<vmem>>) dst(%dma_wait3A_73 : memref<128x128xf32, #tpu.memory_space<hbm>>)
      tpu.yield
    }) : () -> ()
    return
  }
}

#map = affine_map<(d0, d1) -> (0)>
#map1 = affine_map<(d0, d1) -> (0, 0)>
module attributes {stable_mosaic.version = 14 : i64} {
  func.func @_deg_kernel(%arg0: i32, %arg1: i32, %arg2: memref<323584xi32, #tpu.memory_space<hbm>>, %arg3: memref<16x10240xf32, #tpu.memory_space<hbm>>, %arg4: memref<128xi32, #tpu.memory_space<vmem>>, %arg5: memref<10240xf32, #tpu.memory_space<vmem>>) attributes {dimension_semantics = [#tpu.dimension_semantics<core_parallel>, #tpu.dimension_semantics<subcore_parallel>], iteration_bounds = array<i64: 1, 16>, scalar_prefetch = 0 : i64, scratch_operands = 2 : i64, tpu.core_type = #tpu.core_type<sc_vector_subcore>, window_params = [{transform_indices = #map}, {transform_indices = #map1}]} {
    %broadcast_in_dim3A = arith.constant 0.000000e+00 : f32
    %broadcast_in_dim3A_0 = vector.broadcast %broadcast_in_dim3A : f32 to vector<16xf32>
    %scan3A = arith.constant 0 : i32
    %scan3A_1 = arith.constant 640 : i32
    %scan3A_2 = arith.addi %scan3A, %scan3A_1 : i32
    %scan3A_3 = arith.constant 1 : i32
    scf.for %scan3A_12 = %scan3A to %scan3A_2 step %scan3A_3  : i32 {
      %mul3A = arith.constant 1 : i32
      %mul3A_13 = arith.muli %scan3A_12, %mul3A : i32
      %add3A = arith.constant 0 : i32
      %add3A_14 = arith.addi %add3A, %mul3A_13 : i32
      %mul3A_15 = arith.constant 16 : i32
      %mul3A_16 = arith.muli %add3A_14, %mul3A_15 : i32
      %swap3A = arith.index_cast %mul3A_16 : i32 to index
      %swap3A_17 = tpu.vector_load %arg5[%swap3A] {strides = array<i32>} : memref<10240xf32, #tpu.memory_space<vmem>>, vector<16xf32>,
      tpu.vector_store %arg5[%swap3A], %broadcast_in_dim3A_0 {strides = array<i32>} : memref<10240xf32, #tpu.memory_space<vmem>>, vector<16xf32>,
    }
    %scan3A_4 = arith.constant 640 : i32
    %broadcast_in_dim3A_5 = arith.constant 1.000000e+00 : f32
    %broadcast_in_dim3A_6 = vector.broadcast %broadcast_in_dim3A_5 : f32 to vector<16xf32>
    %scan3A_7 = arith.constant 0 : i32
    %scan3A_8 = arith.constant 158 : i32
    %scan3A_9 = arith.addi %scan3A_7, %scan3A_8 : i32
    %scan3A_10 = arith.constant 1 : i32
    scf.for %scan3A_12 = %scan3A_7 to %scan3A_9 step %scan3A_10  : i32 {
      %mul3A = arith.constant 1 : i32
      %mul3A_13 = arith.muli %scan3A_12, %mul3A : i32
      %add3A = arith.constant 0 : i32
      %add3A_14 = arith.addi %add3A, %mul3A_13 : i32
      %mul3A_15 = arith.constant 20224 : i32
      %mul3A_16 = arith.muli %arg1, %mul3A_15 : i32
      %mul3A_17 = arith.constant 128 : i32
      %mul3A_18 = arith.muli %add3A_14, %mul3A_17 : i32
      %add3A_19 = arith.addi %mul3A_16, %mul3A_18 : i32
      "tpu.region"() ({
        %run_scoped3A = tpu.sem_alloc : memref<!tpu.dma_semaphore, #tpu.memory_space<semaphore_mem>>
        %dma_start3A = tpu.memref_slice %arg2[%add3A_19] : memref<323584xi32, #tpu.memory_space<hbm>> -> memref<128xi32, #tpu.memory_space<hbm>>
        %dma_start3A_35 = tpu.memref_slice %arg2[%add3A_19] : memref<323584xi32, #tpu.memory_space<hbm>> -> memref<128xi32, #tpu.memory_space<hbm>>
        tpu.enqueue_dma source(%dma_start3A_35 : memref<128xi32, #tpu.memory_space<hbm>>) target(%arg4 : memref<128xi32, #tpu.memory_space<vmem>>) target_semaphore(%run_scoped3A : memref<!tpu.dma_semaphore, #tpu.memory_space<semaphore_mem>>)
        %dma_wait3A = tpu.memref_slice %arg2[%add3A_19] : memref<323584xi32, #tpu.memory_space<hbm>> -> memref<128xi32, #tpu.memory_space<hbm>>
        %dma_wait3A_36 = tpu.memref_slice %arg2[%add3A_19] : memref<323584xi32, #tpu.memory_space<hbm>> -> memref<128xi32, #tpu.memory_space<hbm>>
        tpu.wait_dma2 semaphore(%run_scoped3A : memref<!tpu.dma_semaphore, #tpu.memory_space<semaphore_mem>>) src(%dma_wait3A_36 : memref<128xi32, #tpu.memory_space<hbm>>) dst(%arg4 : memref<128xi32, #tpu.memory_space<vmem>>)
        tpu.yield
      }) : () -> ()
      %get3A = arith.constant 0 : index
      %get3A_20 = tpu.vector_load %arg4[%get3A] {strides = array<i32>} : memref<128xi32, #tpu.memory_space<vmem>>, vector<16xi32>,
      tpu.vector_store_idx %arg5[%get3A_20], %broadcast_in_dim3A_6 {add = true} : memref<10240xf32, #tpu.memory_space<vmem>>[vector<16xi32>], vector<16xf32>,
      %get3A_21 = arith.constant 16 : index
      %get3A_22 = tpu.vector_load %arg4[%get3A_21] {strides = array<i32>} : memref<128xi32, #tpu.memory_space<vmem>>, vector<16xi32>,
      tpu.vector_store_idx %arg5[%get3A_22], %broadcast_in_dim3A_6 {add = true} : memref<10240xf32, #tpu.memory_space<vmem>>[vector<16xi32>], vector<16xf32>,
      %get3A_23 = arith.constant 32 : index
      %get3A_24 = tpu.vector_load %arg4[%get3A_23] {strides = array<i32>} : memref<128xi32, #tpu.memory_space<vmem>>, vector<16xi32>,
      tpu.vector_store_idx %arg5[%get3A_24], %broadcast_in_dim3A_6 {add = true} : memref<10240xf32, #tpu.memory_space<vmem>>[vector<16xi32>], vector<16xf32>,
      %get3A_25 = arith.constant 48 : index
      %get3A_26 = tpu.vector_load %arg4[%get3A_25] {strides = array<i32>} : memref<128xi32, #tpu.memory_space<vmem>>, vector<16xi32>,
      tpu.vector_store_idx %arg5[%get3A_26], %broadcast_in_dim3A_6 {add = true} : memref<10240xf32, #tpu.memory_space<vmem>>[vector<16xi32>], vector<16xf32>,
      %get3A_27 = arith.constant 64 : index
      %get3A_28 = tpu.vector_load %arg4[%get3A_27] {strides = array<i32>} : memref<128xi32, #tpu.memory_space<vmem>>, vector<16xi32>,
      tpu.vector_store_idx %arg5[%get3A_28], %broadcast_in_dim3A_6 {add = true} : memref<10240xf32, #tpu.memory_space<vmem>>[vector<16xi32>], vector<16xf32>,
      %get3A_29 = arith.constant 80 : index
      %get3A_30 = tpu.vector_load %arg4[%get3A_29] {strides = array<i32>} : memref<128xi32, #tpu.memory_space<vmem>>, vector<16xi32>,
      tpu.vector_store_idx %arg5[%get3A_30], %broadcast_in_dim3A_6 {add = true} : memref<10240xf32, #tpu.memory_space<vmem>>[vector<16xi32>], vector<16xf32>,
      %get3A_31 = arith.constant 96 : index
      %get3A_32 = tpu.vector_load %arg4[%get3A_31] {strides = array<i32>} : memref<128xi32, #tpu.memory_space<vmem>>, vector<16xi32>,
      tpu.vector_store_idx %arg5[%get3A_32], %broadcast_in_dim3A_6 {add = true} : memref<10240xf32, #tpu.memory_space<vmem>>[vector<16xi32>], vector<16xf32>,
      %get3A_33 = arith.constant 112 : index
      %get3A_34 = tpu.vector_load %arg4[%get3A_33] {strides = array<i32>} : memref<128xi32, #tpu.memory_space<vmem>>, vector<16xi32>,
      tpu.vector_store_idx %arg5[%get3A_34], %broadcast_in_dim3A_6 {add = true} : memref<10240xf32, #tpu.memory_space<vmem>>[vector<16xi32>], vector<16xf32>,
    }
    %scan3A_11 = arith.constant 158 : i32
    "tpu.region"() ({
      %run_scoped3A = tpu.sem_alloc : memref<!tpu.dma_semaphore, #tpu.memory_space<semaphore_mem>>
      %dma_start3A = arith.constant 0 : i32
      %dma_start3A_12 = tpu.memref_slice %arg3[%arg1, %dma_start3A] : memref<16x10240xf32, #tpu.memory_space<hbm>> -> memref<1x10240xf32, #tpu.memory_space<hbm>>
      %dma_start3A_13 = tpu.memref_squeeze %dma_start3A_12 : memref<1x10240xf32, #tpu.memory_space<hbm>> -> memref<10240xf32, #tpu.memory_space<hbm>>
      %dma_start3A_14 = arith.constant 0 : i32
      %dma_start3A_15 = tpu.memref_slice %arg3[%arg1, %dma_start3A_14] : memref<16x10240xf32, #tpu.memory_space<hbm>> -> memref<1x10240xf32, #tpu.memory_space<hbm>>
      %dma_start3A_16 = tpu.memref_squeeze %dma_start3A_15 : memref<1x10240xf32, #tpu.memory_space<hbm>> -> memref<10240xf32, #tpu.memory_space<hbm>>
      tpu.enqueue_dma source(%arg5 : memref<10240xf32, #tpu.memory_space<vmem>>) target(%dma_start3A_16 : memref<10240xf32, #tpu.memory_space<hbm>>) target_semaphore(%run_scoped3A : memref<!tpu.dma_semaphore, #tpu.memory_space<semaphore_mem>>)
      %dma_wait3A = arith.constant 0 : i32
      %dma_wait3A_17 = tpu.memref_slice %arg3[%arg1, %dma_wait3A] : memref<16x10240xf32, #tpu.memory_space<hbm>> -> memref<1x10240xf32, #tpu.memory_space<hbm>>
      %dma_wait3A_18 = tpu.memref_squeeze %dma_wait3A_17 : memref<1x10240xf32, #tpu.memory_space<hbm>> -> memref<10240xf32, #tpu.memory_space<hbm>>
      %dma_wait3A_19 = arith.constant 0 : i32
      %dma_wait3A_20 = tpu.memref_slice %arg3[%arg1, %dma_wait3A_19] : memref<16x10240xf32, #tpu.memory_space<hbm>> -> memref<1x10240xf32, #tpu.memory_space<hbm>>
      %dma_wait3A_21 = tpu.memref_squeeze %dma_wait3A_20 : memref<1x10240xf32, #tpu.memory_space<hbm>> -> memref<10240xf32, #tpu.memory_space<hbm>>
      tpu.wait_dma2 semaphore(%run_scoped3A : memref<!tpu.dma_semaphore, #tpu.memory_space<semaphore_mem>>) src(%arg5 : memref<10240xf32, #tpu.memory_space<vmem>>) dst(%dma_wait3A_21 : memref<10240xf32, #tpu.memory_space<hbm>>)
      tpu.yield
    }) : () -> ()
    return
  }
}

module attributes {stable_mosaic.version = 14 : i64} {
  func.func @_tc1_body(%arg0: i32, %arg1: memref<16x2048xf32, #tpu.memory_space<vmem>>, %arg2: memref<2048x128xf32, #tpu.memory_space<vmem>>, %arg3: memref<128x128xf32, #tpu.memory_space<vmem>>, %arg4: memref<2048x128xf32, #tpu.memory_space<vmem>>, %arg5: memref<2048x16xf32, #tpu.memory_space<vmem>>) attributes {dimension_semantics = [#tpu.dimension_semantics<arbitrary>], iteration_bounds = array<i64: 5>, scalar_prefetch = 0 : i64, scratch_operands = 0 : i64, tpu.core_type = #tpu.core_type<tc>, window_params = [{transform_indices = @transform_0, window_bounds = array<i64: 16, 2048>}, {transform_indices = @transform_1, window_bounds = array<i64: 2048, 128>}, {pipeline_mode = #tpu.pipeline_mode<synchronous>, transform_indices = @transform_2, window_bounds = array<i64: 128, 128>}, {transform_indices = @transform_3, window_bounds = array<i64: 2048, 128>}, {transform_indices = @transform_4, window_bounds = array<i64: 2048, 16>}]} {
    %broadcast_in_dim3A = arith.constant 1.000000e+00 : f32
    %broadcast_in_dim3A_0 = vector.broadcast %broadcast_in_dim3A : f32 to vector<16x1xf32>
    %get3A = arith.constant 0 : index
    %get3A_1 = arith.constant 0 : index
    %get3A_2 = vector.load %arg1[%get3A, %get3A_1] : memref<16x2048xf32, #tpu.memory_space<vmem>>, vector<16x2048xf32>
    %dot_general3A = arith.constant dense<0.000000e+00> : vector<2048x1xf32>
    %dot_general3A_3 = tpu.matmul %get3A_2, %broadcast_in_dim3A_0, %dot_general3A {dimension_numbers = #tpu.dot_dimension_numbers<[0], [0], [1], [1], [0, 1, 1, 1], [], []>, precision = #tpu.contract_precision<fp32>, transpose_lhs_hint = false} : vector<16x2048xf32>, vector<16x1xf32>, vector<2048x1xf32> -> vector<2048x1xf32>
    %add3A = arith.constant 1.000000e+00 : f32
    %add3A_4 = vector.broadcast %add3A : f32 to vector<2048x1xf32>
    %add3A_5 = arith.addf %dot_general3A_3, %add3A_4 : vector<2048x1xf32>
    %rsqrt3A = math.rsqrt %add3A_5 : vector<2048x1xf32>
    %get3A_6 = arith.constant 0 : index
    %get3A_7 = arith.constant 0 : index
    %get3A_8 = vector.load %arg2[%get3A_6, %get3A_7] : memref<2048x128xf32, #tpu.memory_space<vmem>>, vector<2048x128xf32>
    %get3A_9 = arith.constant 0 : index
    %get3A_10 = arith.constant 0 : index
    %get3A_11 = vector.load %arg3[%get3A_9, %get3A_10] : memref<128x128xf32, #tpu.memory_space<vmem>>, vector<128x128xf32>
    %dot_general3A_12 = arith.constant dense<0.000000e+00> : vector<2048x128xf32>
    %dot_general3A_13 = tpu.matmul %get3A_8, %get3A_11, %dot_general3A_12 {dimension_numbers = #tpu.dot_dimension_numbers<[1], [0], [0], [1], [0, 0, 1, 1], [], []>, precision = #tpu.contract_precision<fp32>, transpose_lhs_hint = false} : vector<2048x128xf32>, vector<128x128xf32>, vector<2048x128xf32> -> vector<2048x128xf32>
    %mul3A = vector.broadcast %rsqrt3A : vector<2048x1xf32> to vector<2048x128xf32>
    %mul3A_14 = arith.mulf %dot_general3A_13, %mul3A : vector<2048x128xf32>
    %swap3A = arith.constant 0 : index
    %swap3A_15 = arith.constant 0 : index
    %swap3A_16 = vector.load %arg4[%swap3A, %swap3A_15] : memref<2048x128xf32, #tpu.memory_space<vmem>>, vector<2048x128xf32>
    tpu.vector_store %arg4[%swap3A, %swap3A_15], %mul3A_14 {strides = array<i32>} : memref<2048x128xf32, #tpu.memory_space<vmem>>, vector<2048x128xf32>,
    %broadcast_in_dim3A_17 = vector.shape_cast %rsqrt3A : vector<2048x1xf32> to vector<2048x1xf32>
    %broadcast_in_dim3A_18 = vector.broadcast %broadcast_in_dim3A_17 : vector<2048x1xf32> to vector<2048x16xf32>
    %swap3A_19 = arith.constant 0 : index
    %swap3A_20 = arith.constant 0 : index
    %swap3A_21 = vector.load %arg5[%swap3A_19, %swap3A_20] : memref<2048x16xf32, #tpu.memory_space<vmem>>, vector<2048x16xf32>
    tpu.vector_store %arg5[%swap3A_19, %swap3A_20], %broadcast_in_dim3A_18 {strides = array<i32>} : memref<2048x16xf32, #tpu.memory_space<vmem>>, vector<2048x16xf32>,
    return
  }
  func.func @transform_0(%arg0: i32) -> (i32, i32) {
    %c0_i32 = arith.constant 0 : i32
    %c0_i32_0 = arith.constant 0 : i32
    return %c0_i32, %arg0 : i32, i32
  }
  func.func @transform_1(%arg0: i32) -> (i32, i32) {
    %c0_i32 = arith.constant 0 : i32
    %c0_i32_0 = arith.constant 0 : i32
    return %arg0, %c0_i32 : i32, i32
  }
  func.func @transform_2(%arg0: i32) -> (i32, i32) {
    %c0_i32 = arith.constant 0 : i32
    %c0_i32_0 = arith.constant 0 : i32
    %c0_i32_1 = arith.constant 0 : i32
    return %c0_i32, %c0_i32_0 : i32, i32
  }
  func.func @transform_3(%arg0: i32) -> (i32, i32) {
    %c0_i32 = arith.constant 0 : i32
    %c0_i32_0 = arith.constant 0 : i32
    return %arg0, %c0_i32 : i32, i32
  }
  func.func @transform_4(%arg0: i32) -> (i32, i32) {
    %c0_i32 = arith.constant 0 : i32
    %c0_i32_0 = arith.constant 0 : i32
    return %arg0, %c0_i32 : i32, i32
  }
}

module attributes {stable_mosaic.version = 14 : i64} {
  func.func @_tc2_body(%arg0: i32, %arg1: memref<2048x128xf32, #tpu.memory_space<vmem>>, %arg2: memref<2048x128xf32, #tpu.memory_space<vmem>>, %arg3: memref<2048x16xf32, #tpu.memory_space<vmem>>, %arg4: memref<1x128xf32, #tpu.memory_space<vmem>>, %arg5: memref<128x128xf32, #tpu.memory_space<vmem>>, %arg6: memref<2048x128xf32, #tpu.memory_space<vmem>>) attributes {dimension_semantics = [#tpu.dimension_semantics<arbitrary>], iteration_bounds = array<i64: 5>, scalar_prefetch = 0 : i64, scratch_operands = 0 : i64, tpu.core_type = #tpu.core_type<tc>, window_params = [{transform_indices = @transform_0, window_bounds = array<i64: 2048, 128>}, {transform_indices = @transform_1, window_bounds = array<i64: 2048, 128>}, {transform_indices = @transform_2, window_bounds = array<i64: 2048, 16>}, {pipeline_mode = #tpu.pipeline_mode<synchronous>, transform_indices = @transform_3, window_bounds = array<i64: 1, 128>}, {pipeline_mode = #tpu.pipeline_mode<synchronous>, transform_indices = @transform_4, window_bounds = array<i64: 128, 128>}, {transform_indices = @transform_5, window_bounds = array<i64: 2048, 128>}]} {
    %get3A = arith.constant 0 : index
    %get3A_0 = arith.constant 0 : index
    %get3A_1 = vector.load %arg3[%get3A, %get3A_0] : memref<2048x16xf32, #tpu.memory_space<vmem>>, vector<2048x1xf32>
    %get3A_2 = arith.constant 0 : index
    %get3A_3 = arith.constant 0 : index
    %get3A_4 = vector.load %arg1[%get3A_2, %get3A_3] : memref<2048x128xf32, #tpu.memory_space<vmem>>, vector<2048x128xf32>
    %get3A_5 = arith.constant 0 : index
    %get3A_6 = arith.constant 0 : index
    %get3A_7 = vector.load %arg2[%get3A_5, %get3A_6] : memref<2048x128xf32, #tpu.memory_space<vmem>>, vector<2048x128xf32>
    %add3A = arith.addf %get3A_4, %get3A_7 : vector<2048x128xf32>
    %mul3A = vector.broadcast %get3A_1 : vector<2048x1xf32> to vector<2048x128xf32>
    %mul3A_8 = arith.mulf %add3A, %mul3A : vector<2048x128xf32>
    %get3A_9 = arith.constant 0 : index
    %get3A_10 = arith.constant 0 : index
    %get3A_11 = vector.load %arg4[%get3A_9, %get3A_10] : memref<1x128xf32, #tpu.memory_space<vmem>>, vector<1x128xf32>
    %add3A_12 = vector.broadcast %get3A_11 : vector<1x128xf32> to vector<2048x128xf32>
    %add3A_13 = arith.addf %mul3A_8, %add3A_12 : vector<2048x128xf32>
    %max3A = arith.constant 0.000000e+00 : f32
    %max3A_14 = vector.broadcast %max3A : f32 to vector<2048x128xf32>
    %max3A_15 = arith.maximumf %add3A_13, %max3A_14 : vector<2048x128xf32>
    %get3A_16 = arith.constant 0 : index
    %get3A_17 = arith.constant 0 : index
    %get3A_18 = vector.load %arg5[%get3A_16, %get3A_17] : memref<128x128xf32, #tpu.memory_space<vmem>>, vector<128x128xf32>
    %dot_general3A = arith.constant dense<0.000000e+00> : vector<2048x128xf32>
    %dot_general3A_19 = tpu.matmul %max3A_15, %get3A_18, %dot_general3A {dimension_numbers = #tpu.dot_dimension_numbers<[1], [0], [0], [1], [0, 0, 1, 1], [], []>, precision = #tpu.contract_precision<fp32>, transpose_lhs_hint = false} : vector<2048x128xf32>, vector<128x128xf32>, vector<2048x128xf32> -> vector<2048x128xf32>
    %mul3A_20 = vector.broadcast %get3A_1 : vector<2048x1xf32> to vector<2048x128xf32>
    %mul3A_21 = arith.mulf %dot_general3A_19, %mul3A_20 : vector<2048x128xf32>
    %swap3A = arith.constant 0 : index
    %swap3A_22 = arith.constant 0 : index
    %swap3A_23 = vector.load %arg6[%swap3A, %swap3A_22] : memref<2048x128xf32, #tpu.memory_space<vmem>>, vector<2048x128xf32>
    tpu.vector_store %arg6[%swap3A, %swap3A_22], %mul3A_21 {strides = array<i32>} : memref<2048x128xf32, #tpu.memory_space<vmem>>, vector<2048x128xf32>,
    return
  }
  func.func @transform_0(%arg0: i32) -> (i32, i32) {
    %c0_i32 = arith.constant 0 : i32
    %c0_i32_0 = arith.constant 0 : i32
    return %arg0, %c0_i32 : i32, i32
  }
  func.func @transform_1(%arg0: i32) -> (i32, i32) {
    %c0_i32 = arith.constant 0 : i32
    %c0_i32_0 = arith.constant 0 : i32
    return %arg0, %c0_i32 : i32, i32
  }
  func.func @transform_2(%arg0: i32) -> (i32, i32) {
    %c0_i32 = arith.constant 0 : i32
    %c0_i32_0 = arith.constant 0 : i32
    return %arg0, %c0_i32 : i32, i32
  }
  func.func @transform_3(%arg0: i32) -> (i32, i32) {
    %c0_i32 = arith.constant 0 : i32
    %c0_i32_0 = arith.constant 0 : i32
    %c0_i32_1 = arith.constant 0 : i32
    return %c0_i32, %c0_i32_0 : i32, i32
  }
  func.func @transform_4(%arg0: i32) -> (i32, i32) {
    %c0_i32 = arith.constant 0 : i32
    %c0_i32_0 = arith.constant 0 : i32
    %c0_i32_1 = arith.constant 0 : i32
    return %c0_i32, %c0_i32_0 : i32, i32
  }
  func.func @transform_5(%arg0: i32) -> (i32, i32) {
    %c0_i32 = arith.constant 0 : i32
    %c0_i32_0 = arith.constant 0 : i32
    return %arg0, %c0_i32 : i32, i32
  }
}

module attributes {stable_mosaic.version = 14 : i64} {
  func.func @_tc3_body(%arg0: i32, %arg1: memref<2048x128xf32, #tpu.memory_space<vmem>>, %arg2: memref<2048x128xf32, #tpu.memory_space<vmem>>, %arg3: memref<2048x16xf32, #tpu.memory_space<vmem>>, %arg4: memref<1x128xf32, #tpu.memory_space<vmem>>, %arg5: memref<2048x8xi32, #tpu.memory_space<vmem>>, %arg6: memref<128x64xf32, #tpu.memory_space<vmem>>, %arg7: memref<1x64xf32, #tpu.memory_space<vmem>>, %arg8: memref<64x64xf32, #tpu.memory_space<vmem>>, %arg9: memref<64x128xf32, #tpu.memory_space<vmem>>, %arg10: memref<64x128xf32, #tpu.memory_space<vmem>>) attributes {dimension_semantics = [#tpu.dimension_semantics<arbitrary>], iteration_bounds = array<i64: 5>, scalar_prefetch = 0 : i64, scratch_operands = 2 : i64, tpu.core_type = #tpu.core_type<tc>, window_params = [{transform_indices = @transform_0, window_bounds = array<i64: 2048, 128>}, {transform_indices = @transform_1, window_bounds = array<i64: 2048, 128>}, {transform_indices = @transform_2, window_bounds = array<i64: 2048, 16>}, {pipeline_mode = #tpu.pipeline_mode<synchronous>, transform_indices = @transform_3, window_bounds = array<i64: 1, 128>}, {transform_indices = @transform_4, window_bounds = array<i64: 2048, 8>}, {pipeline_mode = #tpu.pipeline_mode<synchronous>, transform_indices = @transform_5, window_bounds = array<i64: 128, 64>}, {pipeline_mode = #tpu.pipeline_mode<synchronous>, transform_indices = @transform_6, window_bounds = array<i64: 1, 64>}, {pipeline_mode = #tpu.pipeline_mode<synchronous>, transform_indices = @transform_7, window_bounds = array<i64: 64, 64>}]} {
    %eq3A = arith.constant 0 : i32
    %eq3A_0 = arith.cmpi eq, %arg0, %eq3A : i32
    %convert_element_type3A = arith.extui %eq3A_0 : i1 to i32
    %cond3A = arith.constant 0 : i32
    %cond3A_1 = arith.cmpi ne, %convert_element_type3A, %cond3A : i32
    scf.if %cond3A_1 {
      %broadcast_in_dim3A_47 = arith.constant 0.000000e+00 : f32
      %broadcast_in_dim3A_48 = vector.broadcast %broadcast_in_dim3A_47 : f32 to vector<64x128xf32>
      %swap3A_49 = arith.constant 0 : index
      %swap3A_50 = arith.constant 0 : index
      %swap3A_51 = vector.load %arg9[%swap3A_49, %swap3A_50] : memref<64x128xf32, #tpu.memory_space<vmem>>, vector<64x128xf32>
      tpu.vector_store %arg9[%swap3A_49, %swap3A_50], %broadcast_in_dim3A_48 {strides = array<i32>} : memref<64x128xf32, #tpu.memory_space<vmem>>, vector<64x128xf32>,
      %broadcast_in_dim3A_52 = arith.constant 0.000000e+00 : f32
      %broadcast_in_dim3A_53 = vector.broadcast %broadcast_in_dim3A_52 : f32 to vector<64x128xf32>
      %swap3A_54 = arith.constant 0 : index
      %swap3A_55 = arith.constant 0 : index
      %swap3A_56 = vector.load %arg10[%swap3A_54, %swap3A_55] : memref<64x128xf32, #tpu.memory_space<vmem>>, vector<64x128xf32>
      tpu.vector_store %arg10[%swap3A_54, %swap3A_55], %broadcast_in_dim3A_53 {strides = array<i32>} : memref<64x128xf32, #tpu.memory_space<vmem>>, vector<64x128xf32>,
    } else {
    }
    %get3A = arith.constant 0 : index
    %get3A_2 = arith.constant 0 : index
    %get3A_3 = vector.load %arg3[%get3A, %get3A_2] : memref<2048x16xf32, #tpu.memory_space<vmem>>, vector<2048x1xf32>
    %get3A_4 = arith.constant 0 : index
    %get3A_5 = arith.constant 0 : index
    %get3A_6 = vector.load %arg1[%get3A_4, %get3A_5] : memref<2048x128xf32, #tpu.memory_space<vmem>>, vector<2048x128xf32>
    %get3A_7 = arith.constant 0 : index
    %get3A_8 = arith.constant 0 : index
    %get3A_9 = vector.load %arg2[%get3A_7, %get3A_8] : memref<2048x128xf32, #tpu.memory_space<vmem>>, vector<2048x128xf32>
    %add3A = arith.addf %get3A_6, %get3A_9 : vector<2048x128xf32>
    %mul3A = vector.broadcast %get3A_3 : vector<2048x1xf32> to vector<2048x128xf32>
    %mul3A_10 = arith.mulf %add3A, %mul3A : vector<2048x128xf32>
    %get3A_11 = arith.constant 0 : index
    %get3A_12 = arith.constant 0 : index
    %get3A_13 = vector.load %arg4[%get3A_11, %get3A_12] : memref<1x128xf32, #tpu.memory_space<vmem>>, vector<1x128xf32>
    %add3A_14 = vector.broadcast %get3A_13 : vector<1x128xf32> to vector<2048x128xf32>
    %add3A_15 = arith.addf %mul3A_10, %add3A_14 : vector<2048x128xf32>
    %max3A = arith.constant 0.000000e+00 : f32
    %max3A_16 = vector.broadcast %max3A : f32 to vector<2048x128xf32>
    %max3A_17 = arith.maximumf %add3A_15, %max3A_16 : vector<2048x128xf32>
    %iota3A = tpu.iota {dimensions = array<i32: 1>} : vector<2048x64xi32>
    %get3A_18 = arith.constant 0 : index
    %get3A_19 = arith.constant 0 : index
    %get3A_20 = vector.load %arg5[%get3A_18, %get3A_19] : memref<2048x8xi32, #tpu.memory_space<vmem>>, vector<2048x1xi32>
    %eq3A_21 = vector.broadcast %get3A_20 : vector<2048x1xi32> to vector<2048x64xi32>
    %eq3A_22 = arith.cmpi eq, %eq3A_21, %iota3A : vector<2048x64xi32>
    %convert_element_type3A_23 = arith.extui %eq3A_22 : vector<2048x64xi1> to vector<2048x64xi32>
    %convert_element_type3A_24 = arith.sitofp %convert_element_type3A_23 : vector<2048x64xi32> to vector<2048x64xf32>
    %get3A_25 = arith.constant 0 : index
    %get3A_26 = arith.constant 0 : index
    %get3A_27 = vector.load %arg9[%get3A_25, %get3A_26] : memref<64x128xf32, #tpu.memory_space<vmem>>, vector<64x128xf32>
    %dot_general3A = arith.constant dense<0.000000e+00> : vector<64x128xf32>
    %dot_general3A_28 = tpu.matmul %convert_element_type3A_24, %max3A_17, %dot_general3A {dimension_numbers = #tpu.dot_dimension_numbers<[0], [0], [1], [1], [0, 1, 1, 1], [], []>, precision = #tpu.contract_precision<fp32>, transpose_lhs_hint = false} : vector<2048x64xf32>, vector<2048x128xf32>, vector<64x128xf32> -> vector<64x128xf32>
    %add3A_29 = arith.addf %get3A_27, %dot_general3A_28 : vector<64x128xf32>
    %swap3A = arith.constant 0 : index
    %swap3A_30 = arith.constant 0 : index
    %swap3A_31 = vector.load %arg9[%swap3A, %swap3A_30] : memref<64x128xf32, #tpu.memory_space<vmem>>, vector<64x128xf32>
    tpu.vector_store %arg9[%swap3A, %swap3A_30], %add3A_29 {strides = array<i32>} : memref<64x128xf32, #tpu.memory_space<vmem>>, vector<64x128xf32>,
    %reduce_sum3A = arith.constant dense<0.000000e+00> : vector<64xf32>
    %reduce_sum3A_32 = vector.multi_reduction <add>, %convert_element_type3A_24, %reduce_sum3A [0] : vector<2048x64xf32> to vector<64xf32>
    %get3A_33 = arith.constant 0 : index
    %get3A_34 = arith.constant 0 : index
    %get3A_35 = vector.load %arg10[%get3A_33, %get3A_34] : memref<64x128xf32, #tpu.memory_space<vmem>>, vector<64x128xf32>
    %broadcast_in_dim3A = vector.shape_cast %reduce_sum3A_32 : vector<64xf32> to vector<64x1xf32>
    %broadcast_in_dim3A_36 = vector.shape_cast %broadcast_in_dim3A : vector<64x1xf32> to vector<64x1xf32>
    %broadcast_in_dim3A_37 = vector.broadcast %broadcast_in_dim3A_36 : vector<64x1xf32> to vector<64x128xf32>
    %add3A_38 = arith.addf %get3A_35, %broadcast_in_dim3A_37 : vector<64x128xf32>
    %swap3A_39 = arith.constant 0 : index
    %swap3A_40 = arith.constant 0 : index
    %swap3A_41 = vector.load %arg10[%swap3A_39, %swap3A_40] : memref<64x128xf32, #tpu.memory_space<vmem>>, vector<64x128xf32>
    tpu.vector_store %arg10[%swap3A_39, %swap3A_40], %add3A_38 {strides = array<i32>} : memref<64x128xf32, #tpu.memory_space<vmem>>, vector<64x128xf32>,
    %eq3A_42 = arith.constant 4 : i32
    %eq3A_43 = arith.cmpi eq, %arg0, %eq3A_42 : i32
    %convert_element_type3A_44 = arith.extui %eq3A_43 : i1 to i32
    %cond3A_45 = arith.constant 0 : i32
    %cond3A_46 = arith.cmpi ne, %convert_element_type3A_44, %cond3A_45 : i32
    scf.if %cond3A_46 {
      %get3A_47 = arith.constant 0 : index
      %get3A_48 = arith.constant 0 : index
      %get3A_49 = vector.load %arg9[%get3A_47, %get3A_48] : memref<64x128xf32, #tpu.memory_space<vmem>>, vector<64x128xf32>
      %get3A_50 = arith.constant 0 : index
      %get3A_51 = arith.constant 0 : index
      %get3A_52 = vector.load %arg10[%get3A_50, %get3A_51] : memref<64x128xf32, #tpu.memory_space<vmem>>, vector<64x128xf32>
      %max3A_53 = arith.constant 1.000000e+00 : f32
      %max3A_54 = vector.broadcast %max3A_53 : f32 to vector<64x128xf32>
      %max3A_55 = arith.maximumf %get3A_52, %max3A_54 : vector<64x128xf32>
      %div3A = arith.divf %get3A_49, %max3A_55 : vector<64x128xf32>
      %get3A_56 = arith.constant 0 : index
      %get3A_57 = arith.constant 0 : index
      %get3A_58 = vector.load %arg6[%get3A_56, %get3A_57] : memref<128x64xf32, #tpu.memory_space<vmem>>, vector<128x64xf32>
      %dot_general3A_59 = arith.constant dense<0.000000e+00> : vector<64x64xf32>
      %dot_general3A_60 = tpu.matmul %div3A, %get3A_58, %dot_general3A_59 {dimension_numbers = #tpu.dot_dimension_numbers<[1], [0], [0], [1], [0, 0, 1, 1], [], []>, precision = #tpu.contract_precision<fp32>, transpose_lhs_hint = false} : vector<64x128xf32>, vector<128x64xf32>, vector<64x64xf32> -> vector<64x64xf32>
      %get3A_61 = arith.constant 0 : index
      %get3A_62 = arith.constant 0 : index
      %get3A_63 = vector.load %arg7[%get3A_61, %get3A_62] : memref<1x64xf32, #tpu.memory_space<vmem>>, vector<1x64xf32>
      %add3A_64 = vector.broadcast %get3A_63 : vector<1x64xf32> to vector<64x64xf32>
      %add3A_65 = arith.addf %dot_general3A_60, %add3A_64 : vector<64x64xf32>
      %swap3A_66 = arith.constant 0 : index
      %swap3A_67 = arith.constant 0 : index
      %swap3A_68 = vector.load %arg8[%swap3A_66, %swap3A_67] : memref<64x64xf32, #tpu.memory_space<vmem>>, vector<64x64xf32>
      tpu.vector_store %arg8[%swap3A_66, %swap3A_67], %add3A_65 {strides = array<i32>} : memref<64x64xf32, #tpu.memory_space<vmem>>, vector<64x64xf32>,
    } else {
    }
    return
  }
  func.func @transform_0(%arg0: i32) -> (i32, i32) {
    %c0_i32 = arith.constant 0 : i32
    %c0_i32_0 = arith.constant 0 : i32
    return %arg0, %c0_i32 : i32, i32
  }
  func.func @transform_1(%arg0: i32) -> (i32, i32) {
    %c0_i32 = arith.constant 0 : i32
    %c0_i32_0 = arith.constant 0 : i32
    return %arg0, %c0_i32 : i32, i32
  }
  func.func @transform_2(%arg0: i32) -> (i32, i32) {
    %c0_i32 = arith.constant 0 : i32
    %c0_i32_0 = arith.constant 0 : i32
    return %arg0, %c0_i32 : i32, i32
  }
  func.func @transform_3(%arg0: i32) -> (i32, i32) {
    %c0_i32 = arith.constant 0 : i32
    %c0_i32_0 = arith.constant 0 : i32
    %c0_i32_1 = arith.constant 0 : i32
    return %c0_i32, %c0_i32_0 : i32, i32
  }
  func.func @transform_4(%arg0: i32) -> (i32, i32) {
    %c0_i32 = arith.constant 0 : i32
    %c0_i32_0 = arith.constant 0 : i32
    return %arg0, %c0_i32 : i32, i32
  }
  func.func @transform_5(%arg0: i32) -> (i32, i32) {
    %c0_i32 = arith.constant 0 : i32
    %c0_i32_0 = arith.constant 0 : i32
    %c0_i32_1 = arith.constant 0 : i32
    return %c0_i32, %c0_i32_0 : i32, i32
  }
  func.func @transform_6(%arg0: i32) -> (i32, i32) {
    %c0_i32 = arith.constant 0 : i32
    %c0_i32_0 = arith.constant 0 : i32
    %c0_i32_1 = arith.constant 0 : i32
    return %c0_i32, %c0_i32_0 : i32, i32
  }
  func.func @transform_7(%arg0: i32) -> (i32, i32) {
    %c0_i32 = arith.constant 0 : i32
    %c0_i32_0 = arith.constant 0 : i32
    %c0_i32_1 = arith.constant 0 : i32
    return %c0_i32, %c0_i32_0 : i32, i32
  }
}

</mosaic_0001>

<sc_bundles>
// kernel: kernel.11.cloned.1.call-start
scs
__scs_entry_jumppad:
0x0: {  	(pc) =	sbr.rel $0x88, $3  }
0x1: {  	(tag) =	ssettag $0x0;
	lr =	simm.s32 $0x1  }
0x2: {  	[smem:$0x3F98] =	sst lr;
	_ =	strace $0xD0000000  }
0x3: {  	_ = 	snop  }
0x4: {  	_ = 	snop  }
0x5: {  	_ = 	snop  }
0x6: {  	_ = 	snop  }
0x7: {  	_ = 	snop  }
__scs_overlays_trampoline_lowered:
0x8: {  	[smem:$0x3FA7] =	sst s0  }
0x9: {  	[smem:$0x3FA8] =	sst s1  }
0xa: {  	[smem:$0x3FA9] =	sst s2  }
0xb: {  	[smem:$0x3FAA] =	sst s3  }
0xc: {  	[smem:$0x3FAB] =	sst s4  }
0xd: {  	[smem:$0x3FAC] =	sst s5  }
0xe: {  	[smem:$0x3FAD] =	sst s6  }
0xf: {  	[smem:$0x3FAE] =	sst s7  }
0x10: {  	[smem:$0x3FAF] =	sst s8  }
0x11: {  	[smem:$0x3FB0] =	sst s9;
	s0 =	simm.s32 @!p0 $0x0  }
0x12: {  	s1 =	sld [smem:$0x3F96];
	s0 =	simm.s32 @p0 $0x1  }
0x13: {  	[smem:$0x3FB1] =	sst s0;
	s0 =	simm.s32 @!p1 $0x0  }
0x14: {  	s2 =	sld [smem:$0x3F95];
	s0 =	simm.s32 @p1 $0x1  }
0x15: {  	[smem:$0x3FB2] =	sst s0;
	s0 =	simm.s32 @!p2 $0x0  }
0x16: {  	s3 =	sld [smem:$0x3FDB];
	s0 =	simm.s32 @p2 $0x1  }
0x17: {  	s4 =	simm.s32 $0x1BF5;
	[smem:$0x3FB4] =	sst s0  }
0x18: {  	s0 =	sld [smem:$0x3F97];
	_ =	swait.ge [sflag:s4], $0x0  }
0x19: {  	s7 =	sld [smem:$0x3F98]  }
0x1a: {  	s8 =	sadd.s32 $0xFFFFE003, lr  }
0x1b: {  	s9 =	sadd.s32 $0xFFFFFEF7, lr;
	s5 =	simm.s32 $0xFFFFFFFF;
	p2 =	slt.u32 s8, $0xFFFFF086  }
0x1c: {  	p1 =	slt.u32 s9, $0xF7A;
	s5 =	simm.s32 @!p2 $0x0  }
0x1d: {  	s5 =	simm.s32 @p1 $0x1;
	p0 =	seq.s32 s7, s2  }
0x1e: {  	s7 =	smul.u32 @!p0 $0xF7A, s2;
	p2 =	seq.s32 @!p0 s5, $0x0  }
0x1f: {  	s9 =	smul.u32 $0xF7A, s1;
	s8 =	simm.s32 @!p0 $0x1BF5;
	p2 =	por !p2, p0  }
0x20: {  	[sflag:s8] =	ssyncset.s32 @!p0 $0xFFFFF086;
	s6 =	sadd.s32 @!p0 s3, s7;
	s7 =	simm.s32 @!p0 $0x108  }
0x21: {  	s3 =	sadd.s32 s3, s9;
	s6 =	sadd.s32 @!p0 $0x88, s6;
	s7 =	simm.s32 @p2 $0x1082  }
0x22: {  	[simem:s7], [sflag:s8] =	dma.local @!p0 [hbm:s6], $0xF7A  }
0x23: {  	s9 =	sor.u32 $0xD0000000, s2;
	s6 =	simm.s32 $0x108;
	_ =	swait.ge @!p0 [sflag:s8], $0x0  }
0x24: {  	s3 =	sadd.s32 $0x88, s3;
	s6 =	simm.s32 @!p1 $0x1082;
	[sflag:s4] =	ssyncset.s32 $0xFFFFF086  }
0x25: {  	[simem:s6], [sflag:s4] =	dma.local [hbm:s3], $0xF7A  }
0x26: {  	[smem:$0x3F98] =	sst s1;
	(tag) =	ssettag s2;
	_ =	strace s9  }
0x27: {  	s1 =	sld [smem:$0x3FA8]  }
0x28: {  	s2 =	sld [smem:$0x3FA9]  }
0x29: {  	s4 =	sld [smem:$0x3FAB]  }
0x2a: {  	p0 =	seq.s32 s5, $0x0;
	s5 =	sld [smem:$0x3FAC]  }
0x2b: {  	s6 =	sld [smem:$0x3FAD]  }
0x2c: {  	s7 =	sld [smem:$0x3FAE]  }
0x2d: {  	s3 =	simm.s32 $0x108;
	s8 =	sld [smem:$0x3FAF]  }
0x2e: {  	s3 =	simm.s32 @!p0 $0x1082;
	s9 =	sld [smem:$0x3FB0]  }
0x2f: {  	lr =	sadd.s32 s0, s3;
	s0 =	sld [smem:$0x3FA7]  }
0x30: {  	s3 =	sld [smem:$0x3FAA]  }
0x31: {  	[smem:$0x3FB3] =	sst s10  }
0x32: {  	s10 =	sld [smem:$0x3FB1];
	_ =	sdelay $0x3  }
0x33: {  	p0 =	seq.s32 s10, $0x1;
	s10 =	sld [smem:$0x3FB3];
	_ =	sdelay $0x3  }
0x34: {  	[smem:$0x3FB3] =	sst s10  }
0x35: {  	s10 =	sld [smem:$0x3FB2];
	_ =	sdelay $0x3  }
0x36: {  	p1 =	seq.s32 s10, $0x1;
	s10 =	sld [smem:$0x3FB3];
	_ =	sdelay $0x3  }
0x37: {  	[smem:$0x3FB3] =	sst s10  }
0x38: {  	s10 =	sld [smem:$0x3FB4]  }
0x39: {  	_ = 	snop;
	(pc) =	sbr.ind lr, $3  }
0x3a: {  	_ = 	snop  }
0x3b: {  	_ = 	snop  }
0x3c: {  	p2 =	seq.s32 s10, $0x1;
	s10 =	sld [smem:$0x3FB3]  }
0x3d: {  	_ =	shalt  }
0x3e: {  	_ =	shalt  }
0x3f: {  	_ =	shalt  }
0x40: {  	_ =	shalt  }
0x41: {  	_ =	shalt  }
0x42: {  	_ =	shalt  }
0x43: {  	_ =	shalt  }
0x44: {  	_ =	shalt  }
0x45: {  	_ =	shalt  }
0x46: {  	_ =	shalt  }
0x47: {  	_ =	shalt  }
0x48: {  	_ =	shalt  }
0x49: {  	_ =	shalt  }
0x4a: {  	_ =	shalt  }
0x4b: {  	_ =	shalt  }
0x4c: {  	_ =	shalt  }
0x4d: {  	_ =	shalt  }
0x4e: {  	_ =	shalt  }
0x4f: {  	_ =	shalt  }
0x50: {  	_ =	shalt  }
0x51: {  	_ =	shalt  }
0x52: {  	_ =	shalt  }
0x53: {  	_ =	shalt  }
0x54: {  	_ =	shalt  }
0x55: {  	_ =	shalt  }
0x56: {  	_ =	shalt  }
0x57: {  	_ =	shalt  }
0x58: {  	_ =	shalt  }
0x59: {  	_ =	shalt  }
0x5a: {  	_ =	shalt  }
0x5b: {  	_ =	shalt  }
0x5c: {  	_ =	shalt  }
0x5d: {  	_ =	shalt  }
0x5e: {  	_ =	shalt  }
0x5f: {  	_ =	shalt  }
0x60: {  	_ =	shalt  }
0x61: {  	_ =	shalt  }
0x62: {  	_ =	shalt  }
0x63: {  	_ =	shalt  }
0x64: {  	_ =	shalt  }
0x65: {  	_ =	shalt  }
0x66: {  	_ =	shalt  }
0x67: {  	_ =	shalt  }
0x68: {  	_ =	shalt  }
0x69: {  	_ =	shalt  }
0x6a: {  	_ =	shalt  }
0x6b: {  	_ =	shalt  }
0x6c: {  	_ =	shalt  }
0x6d: {  	_ =	shalt  }
0x6e: {  	_ =	shalt  }
0x6f: {  	_ =	shalt  }
0x70: {  	_ =	shalt  }
0x71: {  	_ =	shalt  }
0x72: {  	_ =	shalt  }
0x73: {  	_ =	shalt  }
0x74: {  	_ =	shalt  }
0x75: {  	_ =	shalt  }
0x76: {  	_ =	shalt  }
0x77: {  	_ =	shalt  }
0x78: {  	_ =	shalt  }
0x79: {  	_ =	shalt  }
0x7a: {  	_ =	shalt  }
0x7b: {  	_ =	shalt  }
0x7c: {  	_ =	shalt  }
0x7d: {  	_ =	shalt  }
0x7e: {  	_ =	shalt  }
0x7f: {  	_ =	shalt  }
0x80: {  	_ =	shalt  }
0x81: {  	_ =	shalt  }
0x82: {  	_ =	shalt  }
0x83: {  	_ =	shalt  }
0x84: {  	_ =	shalt  }
0x85: {  	_ =	shalt  }
0x86: {  	_ =	shalt  }
0x87: {  	_ =	shalt  }
.Lfunc_end0:
.L_simem_size_0:
called_computation.1_lowered:
.L_overlay_start_0:
0x88: {  	s0 =	sld [smem:$0x3FD9]  }
0x89: {  	s1 =	sld [smem:$0x3FFE];
	_ =	sdelay $0x3  }
0x8a: {  	s0 =	sadd.s32 s1, s0  }
0x8b: {  	[smem:$0x3FBF] =	sst s0  }
0x8c: {  	_ = 	snop  }
0x8d: {  	(tm) =	ssettm $0x1  }
0x8e: {  	s15 =	sld [smem:$0x3FFB];
	_ =	sdelay $0x3  }
0x8f: {  	_ =	strace s15  }
0x90: {  	s0 =	sld [smem:$0x3FFC];
	_ =	sdelay $0x3  }
0x91: {  	_ =	strace s0  }
0x92: {  	s0 =	sld [smem:$0x3FFD];
	_ =	sdelay $0x3  }
0x93: {  	_ =	strace s0  }
0x94: {  	_ =	strace $0x8FFFFFFF  }
0x95: {  	s16 =	sld [smem:$0x3FDB];
	_ =	sdelay $0x1  }
0x96: {  	s17 =	simm.s32 $_scs_section_size  }
0x97: {  	s2 =	simm.s32 $_size__tile_overlayer_lowered;
	s3 =	simm.s32 $_tile_overlayer_lowered  }
0x98: {  	s20 =	simm.s32 $0x1BFF;
	s19 =	sshll.u32 s3, $0x1;
	s0 =	sadd.s32 s17, s16  }
0x99: {  	s4 =	simm.s32 $0x0;
	s18 =	sshll.u32 s2, $0x1;
	s2 =	sadd.s32 s19, s0  }
0x9a: {  	[timem:s4], [sflag:s20] =	dma.local [hbm:s2], s18  }
0x9b: {  	_ =	swait.ge [sflag:s20], s18  }
0x9c: {  	s1 =	ssub.s32 $0x0, s18;
	[sflag:s20] =	ssyncset.done $0x0  }
0x9d: {  	[sflag:s20] =	ssyncadd.s32 s1;
	_ =	sdelay $0x1  }
0x9e: {  	s21 =	simm.s32 $0x1B8B  }
0x9f: {  	_ =	swait.ge [sflag:s21], $0x1  }
0xa0: {  	[sflag:s21] =	ssyncset.done $0x0  }
0xa1: {  	s23 =	simm.s32 $0x1B8E;
	s22 =	sld [smem:$0x3FFE];
	[sflag:s21] =	ssyncadd.s32 $0xFFFFFFFF  }
0xa2: {  	s24 =	simm.s32 $execute0_lowered;
	[smem:$0x3FD2] =	sst s23  }
0xa3: {  	s2 =	sshll.u32 s24, $0x1;
	_ =	strace $0x80000049;
	[dreg:$0x1] =	wrdreg $0xFFFFFFFF  }
0xa4: {  	s25 =	simm.s32 $_size_execute0_lowered;
	s0 =	sadd.s32 s0, s2;
	[dreg:$0x0] =	wrdreg $0x0  }
0xa5: {  	s2 =	sshll.u32 s25, $0x1;
	[dreg:$0x2] =	wrdreg s0  }
0xa6: {  	[dreg:$0x3] =	wrdreg s2  }
0xa7: {  	[dreg:$0x4] =	wrdreg $0xC0  }
0xa8: {  	_ =	task [dreg:s4], $0x5FFFF  }
0xa9: {  	[dreg:$0x1] =	wrdreg $0xFFFFFFFF  }
0xaa: {  	[dreg:$0x0] =	wrdreg $0x60  }
0xab: {  	[dreg:$0x2] =	wrdreg s22  }
0xac: {  	[dreg:$0x3] =	wrdreg $0x82000  }
0xad: {  	[dreg:$0x4] =	wrdreg $0x9  }
0xae: {  	_ =	task.clear_ibuf [dreg:s4], $0x5FFFF;
	_ =	strace $0x90000049  }
0xaf: {  	s26 =	simm.s32 $0x9;
	_ =	strace $0x8000004B  }
0xb0: {  	_ =	swait.ge [sflag:s26], $0x1  }
0xb1: {  	[sflag:s26] =	ssyncadd.s32 $0xFFFFFFFF  }
0xb2: {  	_ =	strace $0x9000004B  }
0xb3: {  	_ =	sfence  }
0xb4: {  	s28 =	sld [smem:$0x0];
	_ =	sdelay $0x1  }
0xb5: {  	s29 =	srdreg.scid  }
0xb6: {  	s30 =	sshll.u32 s29, $0xD;
	s31 =	sshrl.u32 s29, $0x2  }
0xb7: {  	s1 =	sand.u32 $0x1, s29;
	s2 =	sand.u32 $0x4000, s30;
	s0 =	sadd.s32 s31, s28  }
0xb8: {  	s1 =	sor.u32 s2, s1;
	s0 =	sshll.u32 s0, $0x11  }
0xb9: {  	s0 =	sor.u32 s0, s1  }
0xba: {  	s0 =	sadd.s32 $0x8F2B, s0  }
0xbb: {  	[sflag:s0] =	ssyncadd.remote.s32 $0x1  }
0xbc: {  	_ =	sfence.sel $0xFFFF  }
0xbd: {  	[dreg:$0x0] =	wrdreg $0xFFFFFFFF;
	(pc) =	sbr.abs _section_cstart, $3  }
0xbe: {  	[dreg:$0x1] =	wrdreg $0xFFFFFFFF  }
0xbf: {  	_ =	task.clear_ibuf [dreg:s4], $0x2FFFF;
	_ =	strace $0x9FFFFFFF  }
0xc0: {  	(tm) =	ssettm $0x7FFFFFFF  }
0xc1: {  	_ =	shalt  }
tec
execute0_lowered:
.L_overlay_start_1:
0x0: {  	(tag) =	ssettag $0x1  }
0x1: {  	s1 =	rddreg [dreg:$0x0]  }
0x2: {  	s3 =	rddreg [dreg:$0x1]  }
0x3: {  	s0 =	rddreg [dreg:$0x2];
	s2 =	simm.s32 $0x0  }
0x4: {  	s5 =	simm.s32 $0x0;
	s6 =	simm.s32 $0x200;
	[smem:$0x7FF] =	sst s2  }
0x5: {  	s17 =	sadd.s32 $0x11E00, s1;
	s16 =	sadd.s32 $0x3000, s1;
	s4 =	sadd.s32 $0x1BC00, s1  }
0x6: {  	v0 =	vimm.f32 $0.0e+00;
	s2 =	sadd.s32 $0x43C00, s1;
	s1 =	stileid.u32;
	_ =	strace $0x8000004A  }
.LBB2_1:
0x7: {  	p0 =	sne.s32 s6, $0xFE00;
	[tilespmem:s5+$0x270] =	vst v0  }
0x8: {  	[tilespmem:s5+$0x200] =	vst v0  }
0x9: {  	[tilespmem:s5+$0x210] =	vst v0  }
.Ltmp0:
0xa: {  	[tilespmem:s5+$0x220] =	vst v0;
	(pc) =	sbr.rel @p0 .LBB2_1-.Ltmp0, $4  }
0xb: {  	[tilespmem:s5+$0x230] =	vst v0  }
0xc: {  	[tilespmem:s5+$0x240] =	vst v0  }
0xd: {  	[tilespmem:s5+$0x250] =	vst v0  }
0xe: {  	[tilespmem:s5+$0x260] =	vst v0;
	s5 =	sshra.s32 s6, $0x2;
	s6 =	sadd.s32 $0x200, s6  }
0xf: {  	[tilespmem:s5+$0x270] =	vst v0  }
0x10: {  	[tilespmem:s5+$0x200] =	vst v0  }
0x11: {  	[tilespmem:s5+$0x210] =	vst v0  }
0x12: {  	[tilespmem:s5+$0x220] =	vst v0  }
0x13: {  	[tilespmem:s5+$0x230] =	vst v0;
	s6 =	smul.u32 $0x50000, s1  }
0x14: {  	[tilespmem:s5+$0x240] =	vst v0  }
0x15: {  	[tilespmem:s5+$0x250] =	vst v0;
	s24 =	smul.u32 $0x280, s1;
	s6 =	sshrl.u32 s6, $0x2  }
0x16: {  	[tilespmem:s5+$0x260] =	vst v0;
	s15 =	simm.s32 $0x200;
	s14 =	simm.s32 $0x3;
	s13 =	sadd.s32 s6, s3  }
0x17: {  	[spmem:s13] =	stream.linear.scatter [tilespmem:s15], [sflag:$0x3], $0x4000, $0x38;
	[tilespmem:$0x1C200] =	vst v63  }
0x18: {  	s9 =	sadd.s32 $0x80, s24;
	_ =	swait.ge [sflag:s14], $0x4000  }
0x19: {  	s25 =	sshll.u32 s9, $0x7;
	[sflag:s14] =	ssyncset.done $0x0  }
0x1a: {  	s12 =	sadd.s32 s25, s3;
	[sflag:s14] =	ssyncadd.s32 $0xFFFFC000  }
0x1b: {  	[spmem:s12] =	stream.linear.scatter [tilespmem:s15], [sflag:$0x3], $0x4000, $0x38;
	[tilespmem:$0x1C200] =	vst v63  }
0x1c: {  	s7 =	sadd.s32 $0x100, s24;
	_ =	swait.ge [sflag:s14], $0x4000  }
0x1d: {  	s26 =	sshll.u32 s7, $0x7;
	[sflag:s14] =	ssyncset.done $0x0  }
0x1e: {  	s11 =	sadd.s32 s26, s3;
	[sflag:s14] =	ssyncadd.s32 $0xFFFFC000  }
0x1f: {  	[spmem:s11] =	stream.linear.scatter [tilespmem:s15], [sflag:$0x3], $0x4000, $0x38;
	[tilespmem:$0x1C200] =	vst v63  }
0x20: {  	s6 =	sadd.s32 $0x180, s24;
	_ =	swait.ge [sflag:s14], $0x4000  }
0x21: {  	s8 =	sshll.u32 s6, $0x7;
	[sflag:s14] =	ssyncset.done $0x0  }
0x22: {  	s10 =	sadd.s32 s8, s3;
	[sflag:s14] =	ssyncadd.s32 $0xFFFFC000  }
0x23: {  	[spmem:s10] =	stream.linear.scatter [tilespmem:s15], [sflag:$0x3], $0x4000, $0x38;
	[tilespmem:$0x1C200] =	vst v63  }
0x24: {  	s5 =	sadd.s32 $0x200, s24;
	_ =	swait.ge [sflag:s14], $0x4000  }
0x25: {  	s29 =	sshll.u32 s5, $0x7;
	[sflag:s14] =	ssyncset.done $0x0  }
0x26: {  	s8 =	sadd.s32 s29, s3;
	[sflag:s14] =	ssyncadd.s32 $0xFFFFC000  }
0x27: {  	[spmem:s8] =	stream.linear.scatter [tilespmem:s15], [sflag:$0x3], $0x4000, $0x38;
	[tilespmem:$0x1C200] =	vst v63  }
0x28: {  	s19 =	smul.u32 $0x9E0, s1;
	_ =	swait.ge [sflag:s14], $0x4000  }
0x29: {  	[sflag:s14] =	ssyncset.done $0x0  }
0x2a: {  	s21 =	sadd.s32 s19, s17;
	[sflag:s14] =	ssyncadd.s32 $0xFFFFC000  }
0x2b: {  	s18 =	simm.s32 $0x0;
	s20 =	sadd.s32 $0x0, s21;
	[bflag:$0x0] =	sbarrier.arrive $0xFFFF  }
0x2c: {  	[tilespmem:s18], [sflag:$0x3] =	stream.linear.gather [hbm4b:s20+s18], $0x80, $0x38;
	[tilespmem:$0x1C200] =	vst v63  }
0x2d: {  	_ =	swait.ge [sflag:s14], $0x80  }
0x2e: {  	s22 =	sadd.s32 s19, s16;
	[sflag:s14] =	ssyncset.done $0x0  }
0x2f: {  	s17 =	simm.s32 $0x100;
	s23 =	sadd.s32 $0x0, s22;
	[sflag:s14] =	ssyncadd.s32 $0xFFFFFF80  }
0x30: {  	[tilespmem:s17], [sflag:$0x3] =	stream.linear.gather [hbm4b:s23+s18], $0x80, $0x38;
	[tilespmem:$0x1C200] =	vst v63  }
0x31: {  	_ =	swait.ge [sflag:s14], $0x80  }
0x32: {  	[sflag:s14] =	ssyncset.done $0x0  }
0x33: {  	s16 =	simm.s32 $0x80;
	[sflag:s14] =	ssyncadd.s32 $0xFFFFFF80  }
0x34: {  	[tilespmem:s15], [sflag:$0x1] =	stream.indirect.gather [hbm4b:s4+s16], $0x80, s18, s16, $0xb8;
	[tilespmem:$0x1C200] =	vst v63  }
0x35: {  	s30 =	sadd.s32 $0x10, s20  }
0x36: {  	[tilespmem:s16], [sflag:$0x3] =	stream.linear.gather [hbm4b:s30+s18], $0x80, $0x38;
	[tilespmem:$0x1C200] =	vst v63  }
0x37: {  	_ =	swait.ge [sflag:s14], $0x80  }
0x38: {  	[sflag:s14] =	ssyncset.done $0x0  }
0x39: {  	s19 =	simm.s32 $0x180;
	s31 =	sadd.s32 $0x10, s23;
	[sflag:s14] =	ssyncadd.s32 $0xFFFFFF80  }
0x3a: {  	[tilespmem:s19], [sflag:$0x3] =	stream.linear.gather [hbm4b:s31+s18], $0x80, $0x38;
	[tilespmem:$0x1C200] =	vst v63  }
0x3b: {  	_ =	swait.ge [sflag:s14], $0x80  }
0x3c: {  	[sflag:s14] =	ssyncset.done $0x0  }
0x3d: {  	s20 =	simm.s32 $0x4200;
	s23 =	simm.s32 $0x1;
	[sflag:s14] =	ssyncadd.s32 $0xFFFFFF80  }
0x3e: {  	[tilespmem:s20], [sflag:$0x2] =	stream.indirect.gather [hbm4b:s4+s16], $0x80, s16, s16, $0xb8;
	[tilespmem:$0x1C200] =	vst v63  }
0x3f: {  	_ =	swait.ge [sflag:s23], $0x4000  }
0x40: {  	[sflag:s23] =	ssyncset.done $0x0  }
0x41: {  	[sflag:s23] =	ssyncadd.s32 $0xFFFFC000  }
0x42: {  	[spmem:s3] =	stream.indirect.scatter.add.f32 [tilespmem:s15], [sflag:$0x3], $0x80, s17, s16, $0xb8;
	[tilespmem:$0x1C200] =	vst v63  }
0x43: {  	_ =	swait.ge [sflag:s14], $0x4000  }
0x44: {  	[sflag:s14] =	ssyncset.done $0x0  }
0x45: {  	s24 =	simm.s32 $0x2;
	[sflag:s14] =	ssyncadd.s32 $0xFFFFC000  }
0x46: {  	_ =	swait.ge [sflag:s24], $0x4000  }
0x47: {  	[sflag:s24] =	ssyncset.done $0x0  }
0x48: {  	[sflag:s24] =	ssyncadd.s32 $0xFFFFC000  }
0x49: {  	[spmem:s3] =	stream.indirect.scatter.add.f32 [tilespmem:s20], [sflag:$0x3], $0x80, s19, s16, $0xb8;
	[tilespmem:$0x1C200] =	vst v63  }
0x4a: {  	_ =	swait.ge [sflag:s14], $0x4000  }
0x4b: {  	s28 =	simm.s32 $0x40;
	s25 =	simm.s32 $0x20;
	[sflag:s14] =	ssyncset.done $0x0  }
.LBB2_3:
0x4c: {  	s29 =	sadd.s32 s25, s21  }
0x4d: {  	[sflag:s14] =	ssyncadd.s32 $0xFFFFC000;
	s30 =	smov.u32 s28;
	s26 =	sadd.s32 $0x20, s28  }
0x4e: {  	[tilespmem:s18], [sflag:$0x3] =	stream.linear.gather [hbm4b:s29+s18], $0x80, $0x38;
	[tilespmem:$0x1C200] =	vst v63  }
0x4f: {  	p0 =	sne.s32 s28, $0x9C0;
	_ =	swait.ge [sflag:s14], $0x80  }
0x50: {  	[sflag:s14] =	ssyncset.done $0x0  }
0x51: {  	s28 =	sadd.s32 s25, s22;
	s25 =	smov.u32 s30;
	[sflag:s14] =	ssyncadd.s32 $0xFFFFFF80  }
0x52: {  	[tilespmem:s17], [sflag:$0x3] =	stream.linear.gather [hbm4b:s28+s18], $0x80, $0x38;
	[tilespmem:$0x1C200] =	vst v63  }
0x53: {  	_ =	swait.ge [sflag:s14], $0x80  }
0x54: {  	[sflag:s14] =	ssyncset.done $0x0  }
0x55: {  	[sflag:s14] =	ssyncadd.s32 $0xFFFFFF80  }
0x56: {  	[tilespmem:s15], [sflag:$0x1] =	stream.indirect.gather [hbm4b:s4+s16], $0x80, s18, s16, $0xb8;
	[tilespmem:$0x1C200] =	vst v63  }
0x57: {  	s29 =	sadd.s32 $0x10, s29  }
0x58: {  	[tilespmem:s16], [sflag:$0x3] =	stream.linear.gather [hbm4b:s29+s18], $0x80, $0x38;
	[tilespmem:$0x1C200] =	vst v63  }
0x59: {  	_ =	swait.ge [sflag:s14], $0x80  }
0x5a: {  	[sflag:s14] =	ssyncset.done $0x0  }
0x5b: {  	s28 =	sadd.s32 $0x10, s28;
	[sflag:s14] =	ssyncadd.s32 $0xFFFFFF80  }
0x5c: {  	[tilespmem:s19], [sflag:$0x3] =	stream.linear.gather [hbm4b:s28+s18], $0x80, $0x38;
	[tilespmem:$0x1C200] =	vst v63  }
0x5d: {  	_ =	swait.ge [sflag:s14], $0x80  }
0x5e: {  	[sflag:s14] =	ssyncset.done $0x0  }
0x5f: {  	[sflag:s14] =	ssyncadd.s32 $0xFFFFFF80  }
0x60: {  	[tilespmem:s20], [sflag:$0x2] =	stream.indirect.gather [hbm4b:s4+s16], $0x80, s16, s16, $0xb8;
	[tilespmem:$0x1C200] =	vst v63  }
0x61: {  	_ =	swait.ge [sflag:s23], $0x4000  }
0x62: {  	[sflag:s23] =	ssyncset.done $0x0  }
0x63: {  	[sflag:s23] =	ssyncadd.s32 $0xFFFFC000  }
0x64: {  	[spmem:s3] =	stream.indirect.scatter.add.f32 [tilespmem:s15], [sflag:$0x3], $0x80, s17, s16, $0xb8;
	[tilespmem:$0x1C200] =	vst v63  }
0x65: {  	_ =	swait.ge [sflag:s14], $0x4000  }
0x66: {  	[sflag:s14] =	ssyncset.done $0x0  }
0x67: {  	[sflag:s14] =	ssyncadd.s32 $0xFFFFC000  }
0x68: {  	_ =	swait.ge [sflag:s24], $0x4000  }
.Ltmp1:
0x69: {  	[sflag:s24] =	ssyncset.done $0x0;
	(pc) =	sbr.rel @p0 .LBB2_3-.Ltmp1, $4  }
0x6a: {  	[sflag:s24] =	ssyncadd.s32 $0xFFFFC000  }
0x6b: {  	[spmem:s3] =	stream.indirect.scatter.add.f32 [tilespmem:s20], [sflag:$0x3], $0x80, s19, s16, $0xb8;
	[tilespmem:$0x1C200] =	vst v63  }
0x6c: {  	_ =	swait.ge [sflag:s14], $0x4000  }
0x6d: {  	s28 =	smov.u32 s26;
	[sflag:s14] =	ssyncset.done $0x0  }
0x6e: {  	s21 =	sadd.s32 s25, s21;
	[sflag:s14] =	ssyncadd.s32 $0xFFFFC000  }
0x6f: {  	[tilespmem:s18], [sflag:$0x3] =	stream.linear.gather [hbm4b:s21+s18], $0x80, $0x38;
	[tilespmem:$0x1C200] =	vst v63  }
0x70: {  	_ =	swait.ge [sflag:s14], $0x80  }
0x71: {  	[sflag:s14] =	ssyncset.done $0x0  }
0x72: {  	s22 =	sadd.s32 s25, s22;
	[sflag:s14] =	ssyncadd.s32 $0xFFFFFF80  }
0x73: {  	[tilespmem:s17], [sflag:$0x3] =	stream.linear.gather [hbm4b:s22+s18], $0x80, $0x38;
	[tilespmem:$0x1C200] =	vst v63  }
0x74: {  	_ =	swait.ge [sflag:s14], $0x80  }
0x75: {  	[sflag:s14] =	ssyncset.done $0x0  }
0x76: {  	[sflag:s14] =	ssyncadd.s32 $0xFFFFFF80  }
0x77: {  	[tilespmem:s15], [sflag:$0x1] =	stream.indirect.gather [hbm4b:s4+s16], $0x80, s18, s16, $0xb8;
	[tilespmem:$0x1C200] =	vst v63  }
0x78: {  	s21 =	sadd.s32 $0x10, s21  }
0x79: {  	[tilespmem:s16], [sflag:$0x3] =	stream.linear.gather [hbm4b:s21+s18], $0x80, $0x38;
	[tilespmem:$0x1C200] =	vst v63  }
0x7a: {  	_ =	swait.ge [sflag:s14], $0x80  }
0x7b: {  	[sflag:s14] =	ssyncset.done $0x0  }
0x7c: {  	s25 =	sadd.s32 $0x10, s22;
	[sflag:s14] =	ssyncadd.s32 $0xFFFFFF80  }
0x7d: {  	[tilespmem:s19], [sflag:$0x3] =	stream.linear.gather [hbm4b:s25+s18], $0x80, $0x38;
	[tilespmem:$0x1C200] =	vst v63  }
0x7e: {  	_ =	swait.ge [sflag:s14], $0x80  }
0x7f: {  	[sflag:s14] =	ssyncset.done $0x0  }
0x80: {  	[sflag:s14] =	ssyncadd.s32 $0xFFFFFF80  }
0x81: {  	[tilespmem:s20], [sflag:$0x2] =	stream.indirect.gather [hbm4b:s4+s16], $0x80, s16, s16, $0xb8;
	[tilespmem:$0x1C200] =	vst v63  }
0x82: {  	_ =	swait.ge [sflag:s23], $0x4000  }
0x83: {  	[sflag:s23] =	ssyncset.done $0x0  }
0x84: {  	[sflag:s23] =	ssyncadd.s32 $0xFFFFC000  }
0x85: {  	[spmem:s3] =	stream.indirect.scatter.add.f32 [tilespmem:s15], [sflag:$0x3], $0x80, s17, s16, $0xb8;
	[tilespmem:$0x1C200] =	vst v63  }
0x86: {  	_ =	swait.ge [sflag:s14], $0x4000  }
0x87: {  	[sflag:s14] =	ssyncset.done $0x0  }
0x88: {  	[sflag:s14] =	ssyncadd.s32 $0xFFFFC000  }
0x89: {  	_ =	swait.ge [sflag:s24], $0x4000  }
0x8a: {  	[sflag:s24] =	ssyncset.done $0x0  }
0x8b: {  	[sflag:s24] =	ssyncadd.s32 $0xFFFFC000  }
0x8c: {  	[spmem:s3] =	stream.indirect.scatter.add.f32 [tilespmem:s20], [sflag:$0x3], $0x80, s19, s16, $0xb8;
	[tilespmem:$0x1C200] =	vst v63  }
0x8d: {  	_ =	swait.ge [sflag:s14], $0x4000  }
0x8e: {  	[sflag:s14] =	ssyncset.done $0x0  }
0x8f: {  	[sflag:s14] =	ssyncadd.s32 $0xFFFFC000  }
0x90: {  	s26 =	simm.s32 $0x200;
	s28 =	simm.s32 $0x3;
	[bflag:$0x0] =	sbarrier.arrive $0xFFFF  }
0x91: {  	[tilespmem:s26], [sflag:$0x3] =	stream.linear.gather [spmem:s13], $0x4000, $0x38;
	[tilespmem:$0x1C200] =	vst v63  }
0x92: {  	s29 =	smul.u32 $0x2800, s1;
	_ =	swait.ge [sflag:s28], $0x4000  }
0x93: {  	[sflag:s28] =	ssyncset.done $0x0  }
0x94: {  	s30 =	simm.s32 $0x0;
	s13 =	sadd.s32 s2, s29;
	[sflag:s28] =	ssyncadd.s32 $0xFFFFC000  }
0x95: {  	[hbm4b:s13+s30] =	stream.linear.scatter [tilespmem:s26], [sflag:$0x3], $0x4000, $0x38;
	[tilespmem:$0x1C200] =	vst v63  }
0x96: {  	_ =	swait.ge [sflag:s28], $0x4000  }
0x97: {  	[sflag:s28] =	ssyncset.done $0x0  }
0x98: {  	[sflag:s28] =	ssyncadd.s32 $0xFFFFC000  }
0x99: {  	[tilespmem:s26], [sflag:$0x3] =	stream.linear.gather [spmem:s12], $0x4000, $0x38;
	[tilespmem:$0x1C200] =	vst v63  }
0x9a: {  	_ =	swait.ge [sflag:s28], $0x4000  }
0x9b: {  	s9 =	sshll.u32 s9, $0x4;
	[sflag:s28] =	ssyncset.done $0x0  }
0x9c: {  	s9 =	sadd.s32 s2, s9;
	[sflag:s28] =	ssyncadd.s32 $0xFFFFC000  }
0x9d: {  	[hbm4b:s9+s30] =	stream.linear.scatter [tilespmem:s26], [sflag:$0x3], $0x4000, $0x38;
	[tilespmem:$0x1C200] =	vst v63  }
0x9e: {  	_ =	swait.ge [sflag:s28], $0x4000  }
0x9f: {  	[sflag:s28] =	ssyncset.done $0x0  }
0xa0: {  	[sflag:s28] =	ssyncadd.s32 $0xFFFFC000  }
0xa1: {  	[tilespmem:s26], [sflag:$0x3] =	stream.linear.gather [spmem:s11], $0x4000, $0x38;
	[tilespmem:$0x1C200] =	vst v63  }
0xa2: {  	_ =	swait.ge [sflag:s28], $0x4000  }
0xa3: {  	s7 =	sshll.u32 s7, $0x4;
	[sflag:s28] =	ssyncset.done $0x0  }
0xa4: {  	s7 =	sadd.s32 s2, s7;
	[sflag:s28] =	ssyncadd.s32 $0xFFFFC000  }
0xa5: {  	[hbm4b:s7+s30] =	stream.linear.scatter [tilespmem:s26], [sflag:$0x3], $0x4000, $0x38;
	[tilespmem:$0x1C200] =	vst v63  }
0xa6: {  	_ =	swait.ge [sflag:s28], $0x4000  }
0xa7: {  	[sflag:s28] =	ssyncset.done $0x0  }
0xa8: {  	[sflag:s28] =	ssyncadd.s32 $0xFFFFC000  }
0xa9: {  	[tilespmem:s26], [sflag:$0x3] =	stream.linear.gather [spmem:s10], $0x4000, $0x38;
	[tilespmem:$0x1C200] =	vst v63  }
0xaa: {  	_ =	swait.ge [sflag:s28], $0x4000  }
0xab: {  	s6 =	sshll.u32 s6, $0x4;
	[sflag:s28] =	ssyncset.done $0x0  }
0xac: {  	s6 =	sadd.s32 s2, s6;
	[sflag:s28] =	ssyncadd.s32 $0xFFFFC000  }
0xad: {  	[hbm4b:s6+s30] =	stream.linear.scatter [tilespmem:s26], [sflag:$0x3], $0x4000, $0x38;
	[tilespmem:$0x1C200] =	vst v63  }
0xae: {  	_ =	swait.ge [sflag:s28], $0x4000  }
0xaf: {  	[sflag:s28] =	ssyncset.done $0x0  }
0xb0: {  	[sflag:s28] =	ssyncadd.s32 $0xFFFFC000  }
0xb1: {  	[tilespmem:s26], [sflag:$0x3] =	stream.linear.gather [spmem:s8], $0x4000, $0x38;
	[tilespmem:$0x1C200] =	vst v63  }
0xb2: {  	_ =	swait.ge [sflag:s28], $0x4000  }
0xb3: {  	s5 =	sshll.u32 s5, $0x4;
	[sflag:s28] =	ssyncset.done $0x0  }
0xb4: {  	s31 =	sadd.s32 s2, s5;
	[sflag:s28] =	ssyncadd.s32 $0xFFFFC000  }
0xb5: {  	[hbm4b:s31+s30] =	stream.linear.scatter [tilespmem:s26], [sflag:$0x3], $0x4000, $0x38;
	[tilespmem:$0x1C200] =	vst v63  }
0xb6: {  	_ =	swait.ge [sflag:s28], $0x4000  }
0xb7: {  	[sflag:s28] =	ssyncset.done $0x0  }
0xb8: {  	[sflag:s28] =	ssyncadd.s32 $0xFFFFC000  }
0xb9: {  	_ =	sfence.sel $0x180000  }
0xba: {  	[bflag:$0x0] =	sbarrier.arrive $0xFFFF  }
0xbb: {  	p0 =	sne.s32 s1, $0x0;
	_ =	strace $0x9000004A  }
0xbc: {  	s0 =	sadd.s32 @!p0 $0x100000, s0;
	[bflag:$0x2] =	sbarrier.arrive $0xFFFF  }
0xbd: {  	[sflag:s0] =	ssyncadd.tile.s32 @!p0 $0x1;
	_ =	shalt  }
.Lfunc_end2:
_tile_overlayer_lowered:
.L_overlay_start_2:
0xbe: {  	(tag) =	ssettag $0x2  }
0xbf: {  	s0 =	rddreg [dreg:$0x0];
	s2 =	stileid.u32  }
0xc0: {  	s1 =	rddreg [dreg:$0x1];
	p0 =	sne.s32 s2, $0x0  }
0xc1: {  	s3 =	rddreg [dreg:$0x2];
	[bflag:$0x3] =	sbarrier.arrive $0xFFFF;
	s2 =	simm.s32 @!p0 $0x1C03  }
0xc2: {  	[timem:s3], [sflag:s2] =	dma.local @!p0 [hbm:s0], s1  }
0xc3: {  	s0 =	simm.s32 @!p0 $0x3  }
0xc4: {  	_ =	swait.ge @!p0 [sflag:s0], s1  }
0xc5: {  	s1 =	ssub.s32 @!p0 $0x0, s1;
	[sflag:s0] =	ssyncset.done @!p0 $0x0  }
0xc6: {  	[sflag:s0] =	ssyncadd.s32 @!p0 s1  }
0xc7: {  	[bflag:$0x3] =	sbarrier.arrive $0xFFFF  }
0xc8: {  	_ =	shalt  }

// kernel: kernel.14.cloned.1.call-start
scs
__scs_entry_jumppad:
0x0: {  	(pc) =	sbr.rel $0x88, $3  }
0x1: {  	(tag) =	ssettag $0x0;
	lr =	simm.s32 $0x1  }
0x2: {  	[smem:$0x3F98] =	sst lr;
	_ =	strace $0xD0000000  }
0x3: {  	_ = 	snop  }
0x4: {  	_ = 	snop  }
0x5: {  	_ = 	snop  }
0x6: {  	_ = 	snop  }
0x7: {  	_ = 	snop  }
__scs_overlays_trampoline_lowered:
0x8: {  	[smem:$0x3FA7] =	sst s0  }
0x9: {  	[smem:$0x3FA8] =	sst s1  }
0xa: {  	[smem:$0x3FA9] =	sst s2  }
0xb: {  	[smem:$0x3FAA] =	sst s3  }
0xc: {  	[smem:$0x3FAB] =	sst s4  }
0xd: {  	[smem:$0x3FAC] =	sst s5  }
0xe: {  	[smem:$0x3FAD] =	sst s6  }
0xf: {  	[smem:$0x3FAE] =	sst s7  }
0x10: {  	[smem:$0x3FAF] =	sst s8  }
0x11: {  	[smem:$0x3FB0] =	sst s9;
	s0 =	simm.s32 @!p0 $0x0  }
0x12: {  	s1 =	sld [smem:$0x3F96];
	s0 =	simm.s32 @p0 $0x1  }
0x13: {  	[smem:$0x3FB1] =	sst s0;
	s0 =	simm.s32 @!p1 $0x0  }
0x14: {  	s2 =	sld [smem:$0x3F95];
	s0 =	simm.s32 @p1 $0x1  }
0x15: {  	[smem:$0x3FB2] =	sst s0;
	s0 =	simm.s32 @!p2 $0x0  }
0x16: {  	s3 =	sld [smem:$0x3FDB];
	s0 =	simm.s32 @p2 $0x1  }
0x17: {  	s4 =	simm.s32 $0x1BF5;
	[smem:$0x3FB4] =	sst s0  }
0x18: {  	s0 =	sld [smem:$0x3F97];
	_ =	swait.ge [sflag:s4], $0x0  }
0x19: {  	s7 =	sld [smem:$0x3F98]  }
0x1a: {  	s8 =	sadd.s32 $0xFFFFE003, lr  }
0x1b: {  	s9 =	sadd.s32 $0xFFFFFEF7, lr;
	s5 =	simm.s32 $0xFFFFFFFF;
	p2 =	slt.u32 s8, $0xFFFFF086  }
0x1c: {  	p1 =	slt.u32 s9, $0xF7A;
	s5 =	simm.s32 @!p2 $0x0  }
0x1d: {  	s5 =	simm.s32 @p1 $0x1;
	p0 =	seq.s32 s7, s2  }
0x1e: {  	s7 =	smul.u32 @!p0 $0xF7A, s2;
	p2 =	seq.s32 @!p0 s5, $0x0  }
0x1f: {  	s9 =	smul.u32 $0xF7A, s1;
	s8 =	simm.s32 @!p0 $0x1BF5;
	p2 =	por !p2, p0  }
0x20: {  	[sflag:s8] =	ssyncset.s32 @!p0 $0xFFFFF086;
	s6 =	sadd.s32 @!p0 s3, s7;
	s7 =	simm.s32 @!p0 $0x108  }
0x21: {  	s3 =	sadd.s32 s3, s9;
	s6 =	sadd.s32 @!p0 $0x88, s6;
	s7 =	simm.s32 @p2 $0x1082  }
0x22: {  	[simem:s7], [sflag:s8] =	dma.local @!p0 [hbm:s6], $0xF7A  }
0x23: {  	s9 =	sor.u32 $0xD0000000, s2;
	s6 =	simm.s32 $0x108;
	_ =	swait.ge @!p0 [sflag:s8], $0x0  }
0x24: {  	s3 =	sadd.s32 $0x88, s3;
	s6 =	simm.s32 @!p1 $0x1082;
	[sflag:s4] =	ssyncset.s32 $0xFFFFF086  }
0x25: {  	[simem:s6], [sflag:s4] =	dma.local [hbm:s3], $0xF7A  }
0x26: {  	[smem:$0x3F98] =	sst s1;
	(tag) =	ssettag s2;
	_ =	strace s9  }
0x27: {  	s1 =	sld [smem:$0x3FA8]  }
0x28: {  	s2 =	sld [smem:$0x3FA9]  }
0x29: {  	s4 =	sld [smem:$0x3FAB]  }
0x2a: {  	p0 =	seq.s32 s5, $0x0;
	s5 =	sld [smem:$0x3FAC]  }
0x2b: {  	s6 =	sld [smem:$0x3FAD]  }
0x2c: {  	s7 =	sld [smem:$0x3FAE]  }
0x2d: {  	s3 =	simm.s32 $0x108;
	s8 =	sld [smem:$0x3FAF]  }
0x2e: {  	s3 =	simm.s32 @!p0 $0x1082;
	s9 =	sld [smem:$0x3FB0]  }
0x2f: {  	lr =	sadd.s32 s0, s3;
	s0 =	sld [smem:$0x3FA7]  }
0x30: {  	s3 =	sld [smem:$0x3FAA]  }
0x31: {  	[smem:$0x3FB3] =	sst s10  }
0x32: {  	s10 =	sld [smem:$0x3FB1];
	_ =	sdelay $0x3  }
0x33: {  	p0 =	seq.s32 s10, $0x1;
	s10 =	sld [smem:$0x3FB3];
	_ =	sdelay $0x3  }
0x34: {  	[smem:$0x3FB3] =	sst s10  }
0x35: {  	s10 =	sld [smem:$0x3FB2];
	_ =	sdelay $0x3  }
0x36: {  	p1 =	seq.s32 s10, $0x1;
	s10 =	sld [smem:$0x3FB3];
	_ =	sdelay $0x3  }
0x37: {  	[smem:$0x3FB3] =	sst s10  }
0x38: {  	s10 =	sld [smem:$0x3FB4]  }
0x39: {  	_ = 	snop;
	(pc) =	sbr.ind lr, $3  }
0x3a: {  	_ = 	snop  }
0x3b: {  	_ = 	snop  }
0x3c: {  	p2 =	seq.s32 s10, $0x1;
	s10 =	sld [smem:$0x3FB3]  }
0x3d: {  	_ =	shalt  }
0x3e: {  	_ =	shalt  }
0x3f: {  	_ =	shalt  }
0x40: {  	_ =	shalt  }
0x41: {  	_ =	shalt  }
0x42: {  	_ =	shalt  }
0x43: {  	_ =	shalt  }
0x44: {  	_ =	shalt  }
0x45: {  	_ =	shalt  }
0x46: {  	_ =	shalt  }
0x47: {  	_ =	shalt  }
0x48: {  	_ =	shalt  }
0x49: {  	_ =	shalt  }
0x4a: {  	_ =	shalt  }
0x4b: {  	_ =	shalt  }
0x4c: {  	_ =	shalt  }
0x4d: {  	_ =	shalt  }
0x4e: {  	_ =	shalt  }
0x4f: {  	_ =	shalt  }
0x50: {  	_ =	shalt  }
0x51: {  	_ =	shalt  }
0x52: {  	_ =	shalt  }
0x53: {  	_ =	shalt  }
0x54: {  	_ =	shalt  }
0x55: {  	_ =	shalt  }
0x56: {  	_ =	shalt  }
0x57: {  	_ =	shalt  }
0x58: {  	_ =	shalt  }
0x59: {  	_ =	shalt  }
0x5a: {  	_ =	shalt  }
0x5b: {  	_ =	shalt  }
0x5c: {  	_ =	shalt  }
0x5d: {  	_ =	shalt  }
0x5e: {  	_ =	shalt  }
0x5f: {  	_ =	shalt  }
0x60: {  	_ =	shalt  }
0x61: {  	_ =	shalt  }
0x62: {  	_ =	shalt  }
0x63: {  	_ =	shalt  }
0x64: {  	_ =	shalt  }
0x65: {  	_ =	shalt  }
0x66: {  	_ =	shalt  }
0x67: {  	_ =	shalt  }
0x68: {  	_ =	shalt  }
0x69: {  	_ =	shalt  }
0x6a: {  	_ =	shalt  }
0x6b: {  	_ =	shalt  }
0x6c: {  	_ =	shalt  }
0x6d: {  	_ =	shalt  }
0x6e: {  	_ =	shalt  }
0x6f: {  	_ =	shalt  }
0x70: {  	_ =	shalt  }
0x71: {  	_ =	shalt  }
0x72: {  	_ =	shalt  }
0x73: {  	_ =	shalt  }
0x74: {  	_ =	shalt  }
0x75: {  	_ =	shalt  }
0x76: {  	_ =	shalt  }
0x77: {  	_ =	shalt  }
0x78: {  	_ =	shalt  }
0x79: {  	_ =	shalt  }
0x7a: {  	_ =	shalt  }
0x7b: {  	_ =	shalt  }
0x7c: {  	_ =	shalt  }
0x7d: {  	_ =	shalt  }
0x7e: {  	_ =	shalt  }
0x7f: {  	_ =	shalt  }
0x80: {  	_ =	shalt  }
0x81: {  	_ =	shalt  }
0x82: {  	_ =	shalt  }
0x83: {  	_ =	shalt  }
0x84: {  	_ =	shalt  }
0x85: {  	_ =	shalt  }
0x86: {  	_ =	shalt  }
0x87: {  	_ =	shalt  }
.Lfunc_end0:
.L_simem_size_0:
called_computation.2_lowered:
.L_overlay_start_0:
0x88: {  	s0 =	sld [smem:$0x3FD9]  }
0x89: {  	s1 =	sld [smem:$0x3FFE];
	_ =	sdelay $0x3  }
0x8a: {  	s0 =	sadd.s32 s1, s0  }
0x8b: {  	[smem:$0x3FBF] =	sst s0  }
0x8c: {  	_ = 	snop  }
0x8d: {  	(tm) =	ssettm $0x1  }
0x8e: {  	s15 =	sld [smem:$0x3FFB];
	_ =	sdelay $0x3  }
0x8f: {  	_ =	strace s15  }
0x90: {  	s0 =	sld [smem:$0x3FFC];
	_ =	sdelay $0x3  }
0x91: {  	_ =	strace s0  }
0x92: {  	s0 =	sld [smem:$0x3FFD];
	_ =	sdelay $0x3  }
0x93: {  	_ =	strace s0  }
0x94: {  	_ =	strace $0x8FFFFFFF  }
0x95: {  	s16 =	sld [smem:$0x3FDB];
	_ =	sdelay $0x1  }
0x96: {  	s17 =	simm.s32 $_scs_section_size  }
0x97: {  	s2 =	simm.s32 $_size__tile_overlayer_lowered;
	s3 =	simm.s32 $_tile_overlayer_lowered  }
0x98: {  	s20 =	simm.s32 $0x1BFF;
	s19 =	sshll.u32 s3, $0x1;
	s0 =	sadd.s32 s17, s16  }
0x99: {  	s4 =	simm.s32 $0x0;
	s18 =	sshll.u32 s2, $0x1;
	s2 =	sadd.s32 s19, s0  }
0x9a: {  	[timem:s4], [sflag:s20] =	dma.local [hbm:s2], s18  }
0x9b: {  	_ =	swait.ge [sflag:s20], s18  }
0x9c: {  	s1 =	ssub.s32 $0x0, s18;
	[sflag:s20] =	ssyncset.done $0x0  }
0x9d: {  	[sflag:s20] =	ssyncadd.s32 s1;
	_ =	sdelay $0x1  }
0x9e: {  	s21 =	simm.s32 $0x1B8B  }
0x9f: {  	_ =	swait.ge [sflag:s21], $0x1  }
0xa0: {  	[sflag:s21] =	ssyncset.done $0x0  }
0xa1: {  	s23 =	simm.s32 $0x1B8E;
	s22 =	sld [smem:$0x3FFE];
	[sflag:s21] =	ssyncadd.s32 $0xFFFFFFFF  }
0xa2: {  	s24 =	simm.s32 $execute0_lowered;
	[smem:$0x3FD2] =	sst s23  }
0xa3: {  	s2 =	sshll.u32 s24, $0x1;
	_ =	strace $0x8000004C;
	[dreg:$0x1] =	wrdreg $0xFFFFFFFF  }
0xa4: {  	s25 =	simm.s32 $_size_execute0_lowered;
	s0 =	sadd.s32 s0, s2;
	[dreg:$0x0] =	wrdreg $0x0  }
0xa5: {  	s2 =	sshll.u32 s25, $0x1;
	[dreg:$0x2] =	wrdreg s0  }
0xa6: {  	[dreg:$0x3] =	wrdreg s2  }
0xa7: {  	[dreg:$0x4] =	wrdreg $0xC0  }
0xa8: {  	_ =	task [dreg:s4], $0x5FFFF  }
0xa9: {  	[dreg:$0x1] =	wrdreg $0xFFFFFFFF  }
0xaa: {  	[dreg:$0x0] =	wrdreg $0x60  }
0xab: {  	[dreg:$0x2] =	wrdreg s22  }
0xac: {  	[dreg:$0x3] =	wrdreg $0x82000  }
0xad: {  	[dreg:$0x4] =	wrdreg $0x9  }
0xae: {  	_ =	task.clear_ibuf [dreg:s4], $0x5FFFF;
	_ =	strace $0x9000004C  }
0xaf: {  	s26 =	simm.s32 $0x9;
	_ =	strace $0x8000004E  }
0xb0: {  	_ =	swait.ge [sflag:s26], $0x1  }
0xb1: {  	[sflag:s26] =	ssyncadd.s32 $0xFFFFFFFF  }
0xb2: {  	_ =	strace $0x9000004E  }
0xb3: {  	_ =	sfence  }
0xb4: {  	s28 =	sld [smem:$0x0];
	_ =	sdelay $0x1  }
0xb5: {  	s29 =	srdreg.scid  }
0xb6: {  	s30 =	sshll.u32 s29, $0xD;
	s31 =	sshrl.u32 s29, $0x2  }
0xb7: {  	s1 =	sand.u32 $0x1, s29;
	s2 =	sand.u32 $0x4000, s30;
	s0 =	sadd.s32 s31, s28  }
0xb8: {  	s1 =	sor.u32 s2, s1;
	s0 =	sshll.u32 s0, $0x11  }
0xb9: {  	s0 =	sor.u32 s0, s1  }
0xba: {  	s0 =	sadd.s32 $0x8F2B, s0  }
0xbb: {  	[sflag:s0] =	ssyncadd.remote.s32 $0x1  }
0xbc: {  	_ =	sfence.sel $0xFFFF  }
0xbd: {  	[dreg:$0x0] =	wrdreg $0xFFFFFFFF;
	(pc) =	sbr.abs _section_cstart, $3  }
0xbe: {  	[dreg:$0x1] =	wrdreg $0xFFFFFFFF  }
0xbf: {  	_ =	task.clear_ibuf [dreg:s4], $0x2FFFF;
	_ =	strace $0x9FFFFFFF  }
0xc0: {  	(tm) =	ssettm $0x7FFFFFFF  }
0xc1: {  	_ =	shalt  }
tec
execute0_lowered:
.L_overlay_start_1:
0x0: {  	(tag) =	ssettag $0x1  }
0x1: {  	s1 =	rddreg [dreg:$0x0]  }
0x2: {  	s3 =	rddreg [dreg:$0x1]  }
0x3: {  	s0 =	rddreg [dreg:$0x2];
	s2 =	simm.s32 $0x0  }
0x4: {  	s5 =	simm.s32 $0x0;
	s6 =	simm.s32 $0x200;
	[smem:$0x7FF] =	sst s2  }
0x5: {  	s17 =	sadd.s32 $0x11E00, s1;
	s16 =	sadd.s32 $0x3000, s1;
	s4 =	sadd.s32 $0x1BC00, s1  }
0x6: {  	v0 =	vimm.f32 $0.0e+00;
	s2 =	sadd.s32 $0x43C00, s1;
	s1 =	stileid.u32;
	_ =	strace $0x8000004D  }
.LBB2_1:
0x7: {  	p0 =	sne.s32 s6, $0xFE00;
	[tilespmem:s5+$0x270] =	vst v0  }
0x8: {  	[tilespmem:s5+$0x200] =	vst v0  }
0x9: {  	[tilespmem:s5+$0x210] =	vst v0  }
.Ltmp0:
0xa: {  	[tilespmem:s5+$0x220] =	vst v0;
	(pc) =	sbr.rel @p0 .LBB2_1-.Ltmp0, $4  }
0xb: {  	[tilespmem:s5+$0x230] =	vst v0  }
0xc: {  	[tilespmem:s5+$0x240] =	vst v0  }
0xd: {  	[tilespmem:s5+$0x250] =	vst v0  }
0xe: {  	[tilespmem:s5+$0x260] =	vst v0;
	s5 =	sshra.s32 s6, $0x2;
	s6 =	sadd.s32 $0x200, s6  }
0xf: {  	[tilespmem:s5+$0x270] =	vst v0  }
0x10: {  	[tilespmem:s5+$0x200] =	vst v0  }
0x11: {  	[tilespmem:s5+$0x210] =	vst v0  }
0x12: {  	[tilespmem:s5+$0x220] =	vst v0  }
0x13: {  	[tilespmem:s5+$0x230] =	vst v0;
	s6 =	smul.u32 $0x50000, s1  }
0x14: {  	[tilespmem:s5+$0x240] =	vst v0  }
0x15: {  	[tilespmem:s5+$0x250] =	vst v0;
	s24 =	smul.u32 $0x280, s1;
	s6 =	sshrl.u32 s6, $0x2  }
0x16: {  	[tilespmem:s5+$0x260] =	vst v0;
	s15 =	simm.s32 $0x200;
	s14 =	simm.s32 $0x3;
	s13 =	sadd.s32 s6, s3  }
0x17: {  	[spmem:s13] =	stream.linear.scatter [tilespmem:s15], [sflag:$0x3], $0x4000, $0x38;
	[tilespmem:$0x1C200] =	vst v63  }
0x18: {  	s9 =	sadd.s32 $0x80, s24;
	_ =	swait.ge [sflag:s14], $0x4000  }
0x19: {  	s25 =	sshll.u32 s9, $0x7;
	[sflag:s14] =	ssyncset.done $0x0  }
0x1a: {  	s12 =	sadd.s32 s25, s3;
	[sflag:s14] =	ssyncadd.s32 $0xFFFFC000  }
0x1b: {  	[spmem:s12] =	stream.linear.scatter [tilespmem:s15], [sflag:$0x3], $0x4000, $0x38;
	[tilespmem:$0x1C200] =	vst v63  }
0x1c: {  	s7 =	sadd.s32 $0x100, s24;
	_ =	swait.ge [sflag:s14], $0x4000  }
0x1d: {  	s26 =	sshll.u32 s7, $0x7;
	[sflag:s14] =	ssyncset.done $0x0  }
0x1e: {  	s11 =	sadd.s32 s26, s3;
	[sflag:s14] =	ssyncadd.s32 $0xFFFFC000  }
0x1f: {  	[spmem:s11] =	stream.linear.scatter [tilespmem:s15], [sflag:$0x3], $0x4000, $0x38;
	[tilespmem:$0x1C200] =	vst v63  }
0x20: {  	s6 =	sadd.s32 $0x180, s24;
	_ =	swait.ge [sflag:s14], $0x4000  }
0x21: {  	s8 =	sshll.u32 s6, $0x7;
	[sflag:s14] =	ssyncset.done $0x0  }
0x22: {  	s10 =	sadd.s32 s8, s3;
	[sflag:s14] =	ssyncadd.s32 $0xFFFFC000  }
0x23: {  	[spmem:s10] =	stream.linear.scatter [tilespmem:s15], [sflag:$0x3], $0x4000, $0x38;
	[tilespmem:$0x1C200] =	vst v63  }
0x24: {  	s5 =	sadd.s32 $0x200, s24;
	_ =	swait.ge [sflag:s14], $0x4000  }
0x25: {  	s29 =	sshll.u32 s5, $0x7;
	[sflag:s14] =	ssyncset.done $0x0  }
0x26: {  	s8 =	sadd.s32 s29, s3;
	[sflag:s14] =	ssyncadd.s32 $0xFFFFC000  }
0x27: {  	[spmem:s8] =	stream.linear.scatter [tilespmem:s15], [sflag:$0x3], $0x4000, $0x38;
	[tilespmem:$0x1C200] =	vst v63  }
0x28: {  	s19 =	smul.u32 $0x9E0, s1;
	_ =	swait.ge [sflag:s14], $0x4000  }
0x29: {  	[sflag:s14] =	ssyncset.done $0x0  }
0x2a: {  	s21 =	sadd.s32 s19, s17;
	[sflag:s14] =	ssyncadd.s32 $0xFFFFC000  }
0x2b: {  	s18 =	simm.s32 $0x0;
	s20 =	sadd.s32 $0x0, s21;
	[bflag:$0x0] =	sbarrier.arrive $0xFFFF  }
0x2c: {  	[tilespmem:s18], [sflag:$0x3] =	stream.linear.gather [hbm4b:s20+s18], $0x80, $0x38;
	[tilespmem:$0x1C200] =	vst v63  }
0x2d: {  	_ =	swait.ge [sflag:s14], $0x80  }
0x2e: {  	s22 =	sadd.s32 s19, s16;
	[sflag:s14] =	ssyncset.done $0x0  }
0x2f: {  	s17 =	simm.s32 $0x100;
	s23 =	sadd.s32 $0x0, s22;
	[sflag:s14] =	ssyncadd.s32 $0xFFFFFF80  }
0x30: {  	[tilespmem:s17], [sflag:$0x3] =	stream.linear.gather [hbm4b:s23+s18], $0x80, $0x38;
	[tilespmem:$0x1C200] =	vst v63  }
0x31: {  	_ =	swait.ge [sflag:s14], $0x80  }
0x32: {  	[sflag:s14] =	ssyncset.done $0x0  }
0x33: {  	s16 =	simm.s32 $0x80;
	[sflag:s14] =	ssyncadd.s32 $0xFFFFFF80  }
0x34: {  	[tilespmem:s15], [sflag:$0x1] =	stream.indirect.gather [hbm4b:s4+s16], $0x80, s18, s16, $0xb8;
	[tilespmem:$0x1C200] =	vst v63  }
0x35: {  	s30 =	sadd.s32 $0x10, s20  }
0x36: {  	[tilespmem:s16], [sflag:$0x3] =	stream.linear.gather [hbm4b:s30+s18], $0x80, $0x38;
	[tilespmem:$0x1C200] =	vst v63  }
0x37: {  	_ =	swait.ge [sflag:s14], $0x80  }
0x38: {  	[sflag:s14] =	ssyncset.done $0x0  }
0x39: {  	s19 =	simm.s32 $0x180;
	s31 =	sadd.s32 $0x10, s23;
	[sflag:s14] =	ssyncadd.s32 $0xFFFFFF80  }
0x3a: {  	[tilespmem:s19], [sflag:$0x3] =	stream.linear.gather [hbm4b:s31+s18], $0x80, $0x38;
	[tilespmem:$0x1C200] =	vst v63  }
0x3b: {  	_ =	swait.ge [sflag:s14], $0x80  }
0x3c: {  	[sflag:s14] =	ssyncset.done $0x0  }
0x3d: {  	s20 =	simm.s32 $0x4200;
	s23 =	simm.s32 $0x1;
	[sflag:s14] =	ssyncadd.s32 $0xFFFFFF80  }
0x3e: {  	[tilespmem:s20], [sflag:$0x2] =	stream.indirect.gather [hbm4b:s4+s16], $0x80, s16, s16, $0xb8;
	[tilespmem:$0x1C200] =	vst v63  }
0x3f: {  	_ =	swait.ge [sflag:s23], $0x4000  }
0x40: {  	[sflag:s23] =	ssyncset.done $0x0  }
0x41: {  	[sflag:s23] =	ssyncadd.s32 $0xFFFFC000  }
0x42: {  	[spmem:s3] =	stream.indirect.scatter.add.f32 [tilespmem:s15], [sflag:$0x3], $0x80, s17, s16, $0xb8;
	[tilespmem:$0x1C200] =	vst v63  }
0x43: {  	_ =	swait.ge [sflag:s14], $0x4000  }
0x44: {  	[sflag:s14] =	ssyncset.done $0x0  }
0x45: {  	s24 =	simm.s32 $0x2;
	[sflag:s14] =	ssyncadd.s32 $0xFFFFC000  }
0x46: {  	_ =	swait.ge [sflag:s24], $0x4000  }
0x47: {  	[sflag:s24] =	ssyncset.done $0x0  }
0x48: {  	[sflag:s24] =	ssyncadd.s32 $0xFFFFC000  }
0x49: {  	[spmem:s3] =	stream.indirect.scatter.add.f32 [tilespmem:s20], [sflag:$0x3], $0x80, s19, s16, $0xb8;
	[tilespmem:$0x1C200] =	vst v63  }
0x4a: {  	_ =	swait.ge [sflag:s14], $0x4000  }
0x4b: {  	s28 =	simm.s32 $0x40;
	s25 =	simm.s32 $0x20;
	[sflag:s14] =	ssyncset.done $0x0  }
.LBB2_3:
0x4c: {  	s29 =	sadd.s32 s25, s21  }
0x4d: {  	[sflag:s14] =	ssyncadd.s32 $0xFFFFC000;
	s30 =	smov.u32 s28;
	s26 =	sadd.s32 $0x20, s28  }
0x4e: {  	[tilespmem:s18], [sflag:$0x3] =	stream.linear.gather [hbm4b:s29+s18], $0x80, $0x38;
	[tilespmem:$0x1C200] =	vst v63  }
0x4f: {  	p0 =	sne.s32 s28, $0x9C0;
	_ =	swait.ge [sflag:s14], $0x80  }
0x50: {  	[sflag:s14] =	ssyncset.done $0x0  }
0x51: {  	s28 =	sadd.s32 s25, s22;
	s25 =	smov.u32 s30;
	[sflag:s14] =	ssyncadd.s32 $0xFFFFFF80  }
0x52: {  	[tilespmem:s17], [sflag:$0x3] =	stream.linear.gather [hbm4b:s28+s18], $0x80, $0x38;
	[tilespmem:$0x1C200] =	vst v63  }
0x53: {  	_ =	swait.ge [sflag:s14], $0x80  }
0x54: {  	[sflag:s14] =	ssyncset.done $0x0  }
0x55: {  	[sflag:s14] =	ssyncadd.s32 $0xFFFFFF80  }
0x56: {  	[tilespmem:s15], [sflag:$0x1] =	stream.indirect.gather [hbm4b:s4+s16], $0x80, s18, s16, $0xb8;
	[tilespmem:$0x1C200] =	vst v63  }
0x57: {  	s29 =	sadd.s32 $0x10, s29  }
0x58: {  	[tilespmem:s16], [sflag:$0x3] =	stream.linear.gather [hbm4b:s29+s18], $0x80, $0x38;
	[tilespmem:$0x1C200] =	vst v63  }
0x59: {  	_ =	swait.ge [sflag:s14], $0x80  }
0x5a: {  	[sflag:s14] =	ssyncset.done $0x0  }
0x5b: {  	s28 =	sadd.s32 $0x10, s28;
	[sflag:s14] =	ssyncadd.s32 $0xFFFFFF80  }
0x5c: {  	[tilespmem:s19], [sflag:$0x3] =	stream.linear.gather [hbm4b:s28+s18], $0x80, $0x38;
	[tilespmem:$0x1C200] =	vst v63  }
0x5d: {  	_ =	swait.ge [sflag:s14], $0x80  }
0x5e: {  	[sflag:s14] =	ssyncset.done $0x0  }
0x5f: {  	[sflag:s14] =	ssyncadd.s32 $0xFFFFFF80  }
0x60: {  	[tilespmem:s20], [sflag:$0x2] =	stream.indirect.gather [hbm4b:s4+s16], $0x80, s16, s16, $0xb8;
	[tilespmem:$0x1C200] =	vst v63  }
0x61: {  	_ =	swait.ge [sflag:s23], $0x4000  }
0x62: {  	[sflag:s23] =	ssyncset.done $0x0  }
0x63: {  	[sflag:s23] =	ssyncadd.s32 $0xFFFFC000  }
0x64: {  	[spmem:s3] =	stream.indirect.scatter.add.f32 [tilespmem:s15], [sflag:$0x3], $0x80, s17, s16, $0xb8;
	[tilespmem:$0x1C200] =	vst v63  }
0x65: {  	_ =	swait.ge [sflag:s14], $0x4000  }
0x66: {  	[sflag:s14] =	ssyncset.done $0x0  }
0x67: {  	[sflag:s14] =	ssyncadd.s32 $0xFFFFC000  }
0x68: {  	_ =	swait.ge [sflag:s24], $0x4000  }
.Ltmp1:
0x69: {  	[sflag:s24] =	ssyncset.done $0x0;
	(pc) =	sbr.rel @p0 .LBB2_3-.Ltmp1, $4  }
0x6a: {  	[sflag:s24] =	ssyncadd.s32 $0xFFFFC000  }
0x6b: {  	[spmem:s3] =	stream.indirect.scatter.add.f32 [tilespmem:s20], [sflag:$0x3], $0x80, s19, s16, $0xb8;
	[tilespmem:$0x1C200] =	vst v63  }
0x6c: {  	_ =	swait.ge [sflag:s14], $0x4000  }
0x6d: {  	s28 =	smov.u32 s26;
	[sflag:s14] =	ssyncset.done $0x0  }
0x6e: {  	s21 =	sadd.s32 s25, s21;
	[sflag:s14] =	ssyncadd.s32 $0xFFFFC000  }
0x6f: {  	[tilespmem:s18], [sflag:$0x3] =	stream.linear.gather [hbm4b:s21+s18], $0x80, $0x38;
	[tilespmem:$0x1C200] =	vst v63  }
0x70: {  	_ =	swait.ge [sflag:s14], $0x80  }
0x71: {  	[sflag:s14] =	ssyncset.done $0x0  }
0x72: {  	s22 =	sadd.s32 s25, s22;
	[sflag:s14] =	ssyncadd.s32 $0xFFFFFF80  }
0x73: {  	[tilespmem:s17], [sflag:$0x3] =	stream.linear.gather [hbm4b:s22+s18], $0x80, $0x38;
	[tilespmem:$0x1C200] =	vst v63  }
0x74: {  	_ =	swait.ge [sflag:s14], $0x80  }
0x75: {  	[sflag:s14] =	ssyncset.done $0x0  }
0x76: {  	[sflag:s14] =	ssyncadd.s32 $0xFFFFFF80  }
0x77: {  	[tilespmem:s15], [sflag:$0x1] =	stream.indirect.gather [hbm4b:s4+s16], $0x80, s18, s16, $0xb8;
	[tilespmem:$0x1C200] =	vst v63  }
0x78: {  	s21 =	sadd.s32 $0x10, s21  }
0x79: {  	[tilespmem:s16], [sflag:$0x3] =	stream.linear.gather [hbm4b:s21+s18], $0x80, $0x38;
	[tilespmem:$0x1C200] =	vst v63  }
0x7a: {  	_ =	swait.ge [sflag:s14], $0x80  }
0x7b: {  	[sflag:s14] =	ssyncset.done $0x0  }
0x7c: {  	s25 =	sadd.s32 $0x10, s22;
	[sflag:s14] =	ssyncadd.s32 $0xFFFFFF80  }
0x7d: {  	[tilespmem:s19], [sflag:$0x3] =	stream.linear.gather [hbm4b:s25+s18], $0x80, $0x38;
	[tilespmem:$0x1C200] =	vst v63  }
0x7e: {  	_ =	swait.ge [sflag:s14], $0x80  }
0x7f: {  	[sflag:s14] =	ssyncset.done $0x0  }
0x80: {  	[sflag:s14] =	ssyncadd.s32 $0xFFFFFF80  }
0x81: {  	[tilespmem:s20], [sflag:$0x2] =	stream.indirect.gather [hbm4b:s4+s16], $0x80, s16, s16, $0xb8;
	[tilespmem:$0x1C200] =	vst v63  }
0x82: {  	_ =	swait.ge [sflag:s23], $0x4000  }
0x83: {  	[sflag:s23] =	ssyncset.done $0x0  }
0x84: {  	[sflag:s23] =	ssyncadd.s32 $0xFFFFC000  }
0x85: {  	[spmem:s3] =	stream.indirect.scatter.add.f32 [tilespmem:s15], [sflag:$0x3], $0x80, s17, s16, $0xb8;
	[tilespmem:$0x1C200] =	vst v63  }
0x86: {  	_ =	swait.ge [sflag:s14], $0x4000  }
0x87: {  	[sflag:s14] =	ssyncset.done $0x0  }
0x88: {  	[sflag:s14] =	ssyncadd.s32 $0xFFFFC000  }
0x89: {  	_ =	swait.ge [sflag:s24], $0x4000  }
0x8a: {  	[sflag:s24] =	ssyncset.done $0x0  }
0x8b: {  	[sflag:s24] =	ssyncadd.s32 $0xFFFFC000  }
0x8c: {  	[spmem:s3] =	stream.indirect.scatter.add.f32 [tilespmem:s20], [sflag:$0x3], $0x80, s19, s16, $0xb8;
	[tilespmem:$0x1C200] =	vst v63  }
0x8d: {  	_ =	swait.ge [sflag:s14], $0x4000  }
0x8e: {  	[sflag:s14] =	ssyncset.done $0x0  }
0x8f: {  	[sflag:s14] =	ssyncadd.s32 $0xFFFFC000  }
0x90: {  	s26 =	simm.s32 $0x200;
	s28 =	simm.s32 $0x3;
	[bflag:$0x0] =	sbarrier.arrive $0xFFFF  }
0x91: {  	[tilespmem:s26], [sflag:$0x3] =	stream.linear.gather [spmem:s13], $0x4000, $0x38;
	[tilespmem:$0x1C200] =	vst v63  }
0x92: {  	s29 =	smul.u32 $0x2800, s1;
	_ =	swait.ge [sflag:s28], $0x4000  }
0x93: {  	[sflag:s28] =	ssyncset.done $0x0  }
0x94: {  	s30 =	simm.s32 $0x0;
	s13 =	sadd.s32 s2, s29;
	[sflag:s28] =	ssyncadd.s32 $0xFFFFC000  }
0x95: {  	[hbm4b:s13+s30] =	stream.linear.scatter [tilespmem:s26], [sflag:$0x3], $0x4000, $0x38;
	[tilespmem:$0x1C200] =	vst v63  }
0x96: {  	_ =	swait.ge [sflag:s28], $0x4000  }
0x97: {  	[sflag:s28] =	ssyncset.done $0x0  }
0x98: {  	[sflag:s28] =	ssyncadd.s32 $0xFFFFC000  }
0x99: {  	[tilespmem:s26], [sflag:$0x3] =	stream.linear.gather [spmem:s12], $0x4000, $0x38;
	[tilespmem:$0x1C200] =	vst v63  }
0x9a: {  	_ =	swait.ge [sflag:s28], $0x4000  }
0x9b: {  	s9 =	sshll.u32 s9, $0x4;
	[sflag:s28] =	ssyncset.done $0x0  }
0x9c: {  	s9 =	sadd.s32 s2, s9;
	[sflag:s28] =	ssyncadd.s32 $0xFFFFC000  }
0x9d: {  	[hbm4b:s9+s30] =	stream.linear.scatter [tilespmem:s26], [sflag:$0x3], $0x4000, $0x38;
	[tilespmem:$0x1C200] =	vst v63  }
0x9e: {  	_ =	swait.ge [sflag:s28], $0x4000  }
0x9f: {  	[sflag:s28] =	ssyncset.done $0x0  }
0xa0: {  	[sflag:s28] =	ssyncadd.s32 $0xFFFFC000  }
0xa1: {  	[tilespmem:s26], [sflag:$0x3] =	stream.linear.gather [spmem:s11], $0x4000, $0x38;
	[tilespmem:$0x1C200] =	vst v63  }
0xa2: {  	_ =	swait.ge [sflag:s28], $0x4000  }
0xa3: {  	s7 =	sshll.u32 s7, $0x4;
	[sflag:s28] =	ssyncset.done $0x0  }
0xa4: {  	s7 =	sadd.s32 s2, s7;
	[sflag:s28] =	ssyncadd.s32 $0xFFFFC000  }
0xa5: {  	[hbm4b:s7+s30] =	stream.linear.scatter [tilespmem:s26], [sflag:$0x3], $0x4000, $0x38;
	[tilespmem:$0x1C200] =	vst v63  }
0xa6: {  	_ =	swait.ge [sflag:s28], $0x4000  }
0xa7: {  	[sflag:s28] =	ssyncset.done $0x0  }
0xa8: {  	[sflag:s28] =	ssyncadd.s32 $0xFFFFC000  }
0xa9: {  	[tilespmem:s26], [sflag:$0x3] =	stream.linear.gather [spmem:s10], $0x4000, $0x38;
	[tilespmem:$0x1C200] =	vst v63  }
0xaa: {  	_ =	swait.ge [sflag:s28], $0x4000  }
0xab: {  	s6 =	sshll.u32 s6, $0x4;
	[sflag:s28] =	ssyncset.done $0x0  }
0xac: {  	s6 =	sadd.s32 s2, s6;
	[sflag:s28] =	ssyncadd.s32 $0xFFFFC000  }
0xad: {  	[hbm4b:s6+s30] =	stream.linear.scatter [tilespmem:s26], [sflag:$0x3], $0x4000, $0x38;
	[tilespmem:$0x1C200] =	vst v63  }
0xae: {  	_ =	swait.ge [sflag:s28], $0x4000  }
0xaf: {  	[sflag:s28] =	ssyncset.done $0x0  }
0xb0: {  	[sflag:s28] =	ssyncadd.s32 $0xFFFFC000  }
0xb1: {  	[tilespmem:s26], [sflag:$0x3] =	stream.linear.gather [spmem:s8], $0x4000, $0x38;
	[tilespmem:$0x1C200] =	vst v63  }
0xb2: {  	_ =	swait.ge [sflag:s28], $0x4000  }
0xb3: {  	s5 =	sshll.u32 s5, $0x4;
	[sflag:s28] =	ssyncset.done $0x0  }
0xb4: {  	s31 =	sadd.s32 s2, s5;
	[sflag:s28] =	ssyncadd.s32 $0xFFFFC000  }
0xb5: {  	[hbm4b:s31+s30] =	stream.linear.scatter [tilespmem:s26], [sflag:$0x3], $0x4000, $0x38;
	[tilespmem:$0x1C200] =	vst v63  }
0xb6: {  	_ =	swait.ge [sflag:s28], $0x4000  }
0xb7: {  	[sflag:s28] =	ssyncset.done $0x0  }
0xb8: {  	[sflag:s28] =	ssyncadd.s32 $0xFFFFC000  }
0xb9: {  	_ =	sfence.sel $0x180000  }
0xba: {  	[bflag:$0x0] =	sbarrier.arrive $0xFFFF  }
0xbb: {  	p0 =	sne.s32 s1, $0x0;
	_ =	strace $0x9000004D  }
0xbc: {  	s0 =	sadd.s32 @!p0 $0x100000, s0;
	[bflag:$0x2] =	sbarrier.arrive $0xFFFF  }
0xbd: {  	[sflag:s0] =	ssyncadd.tile.s32 @!p0 $0x1;
	_ =	shalt  }
.Lfunc_end2:
_tile_overlayer_lowered:
.L_overlay_start_2:
0xbe: {  	(tag) =	ssettag $0x2  }
0xbf: {  	s0 =	rddreg [dreg:$0x0];
	s2 =	stileid.u32  }
0xc0: {  	s1 =	rddreg [dreg:$0x1];
	p0 =	sne.s32 s2, $0x0  }
0xc1: {  	s3 =	rddreg [dreg:$0x2];
	[bflag:$0x3] =	sbarrier.arrive $0xFFFF;
	s2 =	simm.s32 @!p0 $0x1C03  }
0xc2: {  	[timem:s3], [sflag:s2] =	dma.local @!p0 [hbm:s0], s1  }
0xc3: {  	s0 =	simm.s32 @!p0 $0x3  }
0xc4: {  	_ =	swait.ge @!p0 [sflag:s0], s1  }
0xc5: {  	s1 =	ssub.s32 @!p0 $0x0, s1;
	[sflag:s0] =	ssyncset.done @!p0 $0x0  }
0xc6: {  	[sflag:s0] =	ssyncadd.s32 @!p0 s1  }
0xc7: {  	[bflag:$0x3] =	sbarrier.arrive $0xFFFF  }
0xc8: {  	_ =	shalt  }

// kernel: kernel.8.cloned.1.call-start
scs
__scs_entry_jumppad:
0x0: {  	(pc) =	sbr.rel $0x88, $3  }
0x1: {  	(tag) =	ssettag $0x0;
	lr =	simm.s32 $0x1  }
0x2: {  	[smem:$0x3F98] =	sst lr;
	_ =	strace $0xD0000000  }
0x3: {  	_ = 	snop  }
0x4: {  	_ = 	snop  }
0x5: {  	_ = 	snop  }
0x6: {  	_ = 	snop  }
0x7: {  	_ = 	snop  }
__scs_overlays_trampoline_lowered:
0x8: {  	[smem:$0x3FA7] =	sst s0  }
0x9: {  	[smem:$0x3FA8] =	sst s1  }
0xa: {  	[smem:$0x3FA9] =	sst s2  }
0xb: {  	[smem:$0x3FAA] =	sst s3  }
0xc: {  	[smem:$0x3FAB] =	sst s4  }
0xd: {  	[smem:$0x3FAC] =	sst s5  }
0xe: {  	[smem:$0x3FAD] =	sst s6  }
0xf: {  	[smem:$0x3FAE] =	sst s7  }
0x10: {  	[smem:$0x3FAF] =	sst s8  }
0x11: {  	[smem:$0x3FB0] =	sst s9;
	s0 =	simm.s32 @!p0 $0x0  }
0x12: {  	s1 =	sld [smem:$0x3F96];
	s0 =	simm.s32 @p0 $0x1  }
0x13: {  	[smem:$0x3FB1] =	sst s0;
	s0 =	simm.s32 @!p1 $0x0  }
0x14: {  	s2 =	sld [smem:$0x3F95];
	s0 =	simm.s32 @p1 $0x1  }
0x15: {  	[smem:$0x3FB2] =	sst s0;
	s0 =	simm.s32 @!p2 $0x0  }
0x16: {  	s3 =	sld [smem:$0x3FDB];
	s0 =	simm.s32 @p2 $0x1  }
0x17: {  	s4 =	simm.s32 $0x1BF5;
	[smem:$0x3FB4] =	sst s0  }
0x18: {  	s0 =	sld [smem:$0x3F97];
	_ =	swait.ge [sflag:s4], $0x0  }
0x19: {  	s7 =	sld [smem:$0x3F98]  }
0x1a: {  	s8 =	sadd.s32 $0xFFFFE003, lr  }
0x1b: {  	s9 =	sadd.s32 $0xFFFFFEF7, lr;
	s5 =	simm.s32 $0xFFFFFFFF;
	p2 =	slt.u32 s8, $0xFFFFF086  }
0x1c: {  	p1 =	slt.u32 s9, $0xF7A;
	s5 =	simm.s32 @!p2 $0x0  }
0x1d: {  	s5 =	simm.s32 @p1 $0x1;
	p0 =	seq.s32 s7, s2  }
0x1e: {  	s7 =	smul.u32 @!p0 $0xF7A, s2;
	p2 =	seq.s32 @!p0 s5, $0x0  }
0x1f: {  	s9 =	smul.u32 $0xF7A, s1;
	s8 =	simm.s32 @!p0 $0x1BF5;
	p2 =	por !p2, p0  }
0x20: {  	[sflag:s8] =	ssyncset.s32 @!p0 $0xFFFFF086;
	s6 =	sadd.s32 @!p0 s3, s7;
	s7 =	simm.s32 @!p0 $0x108  }
0x21: {  	s3 =	sadd.s32 s3, s9;
	s6 =	sadd.s32 @!p0 $0x88, s6;
	s7 =	simm.s32 @p2 $0x1082  }
0x22: {  	[simem:s7], [sflag:s8] =	dma.local @!p0 [hbm:s6], $0xF7A  }
0x23: {  	s9 =	sor.u32 $0xD0000000, s2;
	s6 =	simm.s32 $0x108;
	_ =	swait.ge @!p0 [sflag:s8], $0x0  }
0x24: {  	s3 =	sadd.s32 $0x88, s3;
	s6 =	simm.s32 @!p1 $0x1082;
	[sflag:s4] =	ssyncset.s32 $0xFFFFF086  }
0x25: {  	[simem:s6], [sflag:s4] =	dma.local [hbm:s3], $0xF7A  }
0x26: {  	[smem:$0x3F98] =	sst s1;
	(tag) =	ssettag s2;
	_ =	strace s9  }
0x27: {  	s1 =	sld [smem:$0x3FA8]  }
0x28: {  	s2 =	sld [smem:$0x3FA9]  }
0x29: {  	s4 =	sld [smem:$0x3FAB]  }
0x2a: {  	p0 =	seq.s32 s5, $0x0;
	s5 =	sld [smem:$0x3FAC]  }
0x2b: {  	s6 =	sld [smem:$0x3FAD]  }
0x2c: {  	s7 =	sld [smem:$0x3FAE]  }
0x2d: {  	s3 =	simm.s32 $0x108;
	s8 =	sld [smem:$0x3FAF]  }
0x2e: {  	s3 =	simm.s32 @!p0 $0x1082;
	s9 =	sld [smem:$0x3FB0]  }
0x2f: {  	lr =	sadd.s32 s0, s3;
	s0 =	sld [smem:$0x3FA7]  }
0x30: {  	s3 =	sld [smem:$0x3FAA]  }
0x31: {  	[smem:$0x3FB3] =	sst s10  }
0x32: {  	s10 =	sld [smem:$0x3FB1];
	_ =	sdelay $0x3  }
0x33: {  	p0 =	seq.s32 s10, $0x1;
	s10 =	sld [smem:$0x3FB3];
	_ =	sdelay $0x3  }
0x34: {  	[smem:$0x3FB3] =	sst s10  }
0x35: {  	s10 =	sld [smem:$0x3FB2];
	_ =	sdelay $0x3  }
0x36: {  	p1 =	seq.s32 s10, $0x1;
	s10 =	sld [smem:$0x3FB3];
	_ =	sdelay $0x3  }
0x37: {  	[smem:$0x3FB3] =	sst s10  }
0x38: {  	s10 =	sld [smem:$0x3FB4]  }
0x39: {  	_ = 	snop;
	(pc) =	sbr.ind lr, $3  }
0x3a: {  	_ = 	snop  }
0x3b: {  	_ = 	snop  }
0x3c: {  	p2 =	seq.s32 s10, $0x1;
	s10 =	sld [smem:$0x3FB3]  }
0x3d: {  	_ =	shalt  }
0x3e: {  	_ =	shalt  }
0x3f: {  	_ =	shalt  }
0x40: {  	_ =	shalt  }
0x41: {  	_ =	shalt  }
0x42: {  	_ =	shalt  }
0x43: {  	_ =	shalt  }
0x44: {  	_ =	shalt  }
0x45: {  	_ =	shalt  }
0x46: {  	_ =	shalt  }
0x47: {  	_ =	shalt  }
0x48: {  	_ =	shalt  }
0x49: {  	_ =	shalt  }
0x4a: {  	_ =	shalt  }
0x4b: {  	_ =	shalt  }
0x4c: {  	_ =	shalt  }
0x4d: {  	_ =	shalt  }
0x4e: {  	_ =	shalt  }
0x4f: {  	_ =	shalt  }
0x50: {  	_ =	shalt  }
0x51: {  	_ =	shalt  }
0x52: {  	_ =	shalt  }
0x53: {  	_ =	shalt  }
0x54: {  	_ =	shalt  }
0x55: {  	_ =	shalt  }
0x56: {  	_ =	shalt  }
0x57: {  	_ =	shalt  }
0x58: {  	_ =	shalt  }
0x59: {  	_ =	shalt  }
0x5a: {  	_ =	shalt  }
0x5b: {  	_ =	shalt  }
0x5c: {  	_ =	shalt  }
0x5d: {  	_ =	shalt  }
0x5e: {  	_ =	shalt  }
0x5f: {  	_ =	shalt  }
0x60: {  	_ =	shalt  }
0x61: {  	_ =	shalt  }
0x62: {  	_ =	shalt  }
0x63: {  	_ =	shalt  }
0x64: {  	_ =	shalt  }
0x65: {  	_ =	shalt  }
0x66: {  	_ =	shalt  }
0x67: {  	_ =	shalt  }
0x68: {  	_ =	shalt  }
0x69: {  	_ =	shalt  }
0x6a: {  	_ =	shalt  }
0x6b: {  	_ =	shalt  }
0x6c: {  	_ =	shalt  }
0x6d: {  	_ =	shalt  }
0x6e: {  	_ =	shalt  }
0x6f: {  	_ =	shalt  }
0x70: {  	_ =	shalt  }
0x71: {  	_ =	shalt  }
0x72: {  	_ =	shalt  }
0x73: {  	_ =	shalt  }
0x74: {  	_ =	shalt  }
0x75: {  	_ =	shalt  }
0x76: {  	_ =	shalt  }
0x77: {  	_ =	shalt  }
0x78: {  	_ =	shalt  }
0x79: {  	_ =	shalt  }
0x7a: {  	_ =	shalt  }
0x7b: {  	_ =	shalt  }
0x7c: {  	_ =	shalt  }
0x7d: {  	_ =	shalt  }
0x7e: {  	_ =	shalt  }
0x7f: {  	_ =	shalt  }
0x80: {  	_ =	shalt  }
0x81: {  	_ =	shalt  }
0x82: {  	_ =	shalt  }
0x83: {  	_ =	shalt  }
0x84: {  	_ =	shalt  }
0x85: {  	_ =	shalt  }
0x86: {  	_ =	shalt  }
0x87: {  	_ =	shalt  }
.Lfunc_end0:
.L_simem_size_0:
called_computation_lowered:
.L_overlay_start_0:
0x88: {  	s0 =	sld [smem:$0x3FD9]  }
0x89: {  	s1 =	sld [smem:$0x3FFE];
	_ =	sdelay $0x3  }
0x8a: {  	s0 =	sadd.s32 s1, s0  }
0x8b: {  	[smem:$0x3FBF] =	sst s0  }
0x8c: {  	_ = 	snop  }
0x8d: {  	(tm) =	ssettm $0x1  }
0x8e: {  	s15 =	sld [smem:$0x3FFB];
	_ =	sdelay $0x3  }
0x8f: {  	_ =	strace s15  }
0x90: {  	s0 =	sld [smem:$0x3FFC];
	_ =	sdelay $0x3  }
0x91: {  	_ =	strace s0  }
0x92: {  	s0 =	sld [smem:$0x3FFD];
	_ =	sdelay $0x3  }
0x93: {  	_ =	strace s0  }
0x94: {  	_ =	strace $0x8FFFFFFF  }
0x95: {  	s16 =	sld [smem:$0x3FDB];
	_ =	sdelay $0x1  }
0x96: {  	s17 =	simm.s32 $_scs_section_size  }
0x97: {  	s2 =	simm.s32 $_size__tile_overlayer_lowered;
	s3 =	simm.s32 $_tile_overlayer_lowered  }
0x98: {  	s20 =	simm.s32 $0x1BFF;
	s19 =	sshll.u32 s3, $0x1;
	s0 =	sadd.s32 s17, s16  }
0x99: {  	s4 =	simm.s32 $0x0;
	s18 =	sshll.u32 s2, $0x1;
	s2 =	sadd.s32 s19, s0  }
0x9a: {  	[timem:s4], [sflag:s20] =	dma.local [hbm:s2], s18  }
0x9b: {  	_ =	swait.ge [sflag:s20], s18  }
0x9c: {  	s1 =	ssub.s32 $0x0, s18;
	[sflag:s20] =	ssyncset.done $0x0  }
0x9d: {  	[sflag:s20] =	ssyncadd.s32 s1;
	_ =	sdelay $0x1  }
0x9e: {  	s21 =	simm.s32 $0x1B8B  }
0x9f: {  	_ =	swait.ge [sflag:s21], $0x1  }
0xa0: {  	[sflag:s21] =	ssyncset.done $0x0  }
0xa1: {  	s23 =	simm.s32 $0x1B8E;
	s22 =	sld [smem:$0x3FFE];
	[sflag:s21] =	ssyncadd.s32 $0xFFFFFFFF  }
0xa2: {  	s24 =	simm.s32 $execute0_lowered;
	[smem:$0x3FD2] =	sst s23  }
0xa3: {  	s2 =	sshll.u32 s24, $0x1;
	_ =	strace $0x80000046;
	[dreg:$0x1] =	wrdreg $0xFFFFFFFF  }
0xa4: {  	s25 =	simm.s32 $_size_execute0_lowered;
	s0 =	sadd.s32 s0, s2;
	[dreg:$0x0] =	wrdreg $0x0  }
0xa5: {  	s2 =	sshll.u32 s25, $0x1;
	[dreg:$0x2] =	wrdreg s0  }
0xa6: {  	[dreg:$0x3] =	wrdreg s2  }
0xa7: {  	[dreg:$0x4] =	wrdreg $0xC0  }
0xa8: {  	_ =	task [dreg:s4], $0x5FFFF  }
0xa9: {  	[dreg:$0x1] =	wrdreg $0xFFFFFFFF  }
0xaa: {  	[dreg:$0x0] =	wrdreg $0x60  }
0xab: {  	[dreg:$0x2] =	wrdreg s22  }
0xac: {  	[dreg:$0x3] =	wrdreg $0x9  }
0xad: {  	_ =	task.clear_ibuf [dreg:s4], $0x4FFFF;
	_ =	strace $0x90000046  }
0xae: {  	s26 =	simm.s32 $0x9;
	_ =	strace $0x80000048  }
0xaf: {  	_ =	swait.ge [sflag:s26], $0x1  }
0xb0: {  	[sflag:s26] =	ssyncadd.s32 $0xFFFFFFFF  }
0xb1: {  	_ =	strace $0x90000048  }
0xb2: {  	_ =	sfence  }
0xb3: {  	s28 =	sld [smem:$0x0];
	_ =	sdelay $0x1  }
0xb4: {  	s29 =	srdreg.scid  }
0xb5: {  	s30 =	sshll.u32 s29, $0xD;
	s31 =	sshrl.u32 s29, $0x2  }
0xb6: {  	s1 =	sand.u32 $0x1, s29;
	s2 =	sand.u32 $0x4000, s30;
	s0 =	sadd.s32 s31, s28  }
0xb7: {  	s1 =	sor.u32 s2, s1;
	s0 =	sshll.u32 s0, $0x11  }
0xb8: {  	s0 =	sor.u32 s0, s1  }
0xb9: {  	s0 =	sadd.s32 $0x8F2B, s0  }
0xba: {  	[sflag:s0] =	ssyncadd.remote.s32 $0x1  }
0xbb: {  	_ =	sfence.sel $0xFFFF  }
0xbc: {  	[dreg:$0x0] =	wrdreg $0xFFFFFFFF;
	(pc) =	sbr.abs _section_cstart, $3  }
0xbd: {  	[dreg:$0x1] =	wrdreg $0xFFFFFFFF  }
0xbe: {  	_ =	task.clear_ibuf [dreg:s4], $0x2FFFF;
	_ =	strace $0x9FFFFFFF  }
0xbf: {  	(tm) =	ssettm $0x7FFFFFFF  }
tec
execute0_lowered:
.L_overlay_start_1:
0x0: {  	(tag) =	ssettag $0x1  }
0x1: {  	s1 =	rddreg [dreg:$0x0]  }
0x2: {  	s0 =	rddreg [dreg:$0x1];
	s2 =	simm.s32 $0x0;
	s4 =	simm.s32 $0x40  }
0x3: {  	s5 =	simm.s32 $0x0;
	[smem:$0x7FF] =	sst s2;
	s3 =	sadd.s32 $0x3000, s1  }
0x4: {  	v0 =	vimm.f32 $0.0e+00;
	s2 =	sadd.s32 $0xCE00, s1;
	s1 =	stileid.u32;
	_ =	strace $0x80000047  }
.LBB2_1:
0x5: {  	p0 =	sne.s32 s4, $0x9FC0;
	[tilespmem:s5+$0x80] =	vst v0;
	s5 =	smov.u32 s4;
	s4 =	sadd.s32 $0x40, s4  }
.Ltmp0:
0x6: {  	(pc) =	sbr.rel @p0 .LBB2_1-.Ltmp0, $2  }
0x7: {  	_ =	sdelay $0x2  }
0x8: {  	s5 =	sshra.s32 s5, $0x2  }
0x9: {  	s4 =	smul.u32 $0x9E0, s1  }
0xa: {  	[tilespmem:s5+$0x80] =	vst v0;
	s5 =	simm.s32 $0x1;
	s6 =	simm.s32 $0x80  }
0xb: {  	v0 =	vimm.f32 $1.000000000e+00;
	s7 =	simm.s32 $0x0;
	s3 =	sadd.s32 s4, s3;
	s4 =	simm.s32 $0x0  }
.LBB2_3:
0xc: {  	s8 =	sadd.s32 s7, s3  }
0xd: {  	[tilespmem:s4], [sflag:$0x1] =	stream.linear.gather [hbm4b:s8+s4], $0x80, $0x38;
	[tilespmem:$0x2880] =	vst v63  }
0xe: {  	_ =	swait.ge [sflag:s5], $0x80  }
0xf: {  	[sflag:s5] =	ssyncset.done $0x0  }
0x10: {  	[sflag:s5] =	ssyncadd.s32 $0xFFFFFF80  }
0x11: {  	v1 =	vld [tilespmem:$0x0];
	_ =	sdelay $0x7  }
0x12: {  	[tilespmem:v1+s6+$0x0] =	vst.idx.add.f32.msk $0xffff, v0  }
0x13: {  	v1 =	vld [tilespmem:$0x10];
	_ =	sdelay $0x7  }
0x14: {  	[tilespmem:v1+s6+$0x0] =	vst.idx.add.f32.msk $0xffff, v0  }
0x15: {  	v1 =	vld [tilespmem:$0x20];
	_ =	sdelay $0x7  }
0x16: {  	[tilespmem:v1+s6+$0x0] =	vst.idx.add.f32.msk $0xffff, v0  }
0x17: {  	v1 =	vld [tilespmem:$0x30];
	_ =	sdelay $0x7  }
0x18: {  	[tilespmem:v1+s6+$0x0] =	vst.idx.add.f32.msk $0xffff, v0  }
0x19: {  	v1 =	vld [tilespmem:$0x40];
	_ =	sdelay $0x7  }
0x1a: {  	[tilespmem:v1+s6+$0x0] =	vst.idx.add.f32.msk $0xffff, v0  }
0x1b: {  	v1 =	vld [tilespmem:$0x50];
	_ =	sdelay $0x7  }
0x1c: {  	[tilespmem:v1+s6+$0x0] =	vst.idx.add.f32.msk $0xffff, v0  }
0x1d: {  	v1 =	vld [tilespmem:$0x60];
	_ =	sdelay $0x7  }
0x1e: {  	[tilespmem:v1+s6+$0x0] =	vst.idx.add.f32.msk $0xffff, v0  }
0x1f: {  	v1 =	vld [tilespmem:$0x70];
	_ =	sdelay $0x2  }
0x20: {  	p0 =	sne.s32 s7, $0x9D0  }
.Ltmp1:
0x21: {  	_ = 	snop;
	(pc) =	sbr.rel @p0 .LBB2_3-.Ltmp1, $2  }
0x22: {  	_ =	sdelay $0x2  }
0x23: {  	s7 =	sadd.s32 $0x10, s7;
	[tilespmem:v1+s6+$0x0] =	vst.idx.add.f32.msk $0xffff, v0  }
0x24: {  	s3 =	sshrl.u32 s1, $0x3  }
0x25: {  	s4 =	sshll.u32 s1, $0x7;
	s3 =	smul.u32 $0x14000, s3  }
0x26: {  	s4 =	sand.u32 $0x380, s4  }
0x27: {  	s3 =	sor.u32 s4, s3  }
0x28: {  	s29 =	simm.s32 $0x400;
	s3 =	sshrl.u32 s3, $0x3  }
0x29: {  	s30 =	simm.s32 $0x80;
	s31 =	simm.s32 $0x1;
	s2 =	sadd.s32 s2, s3  }
0x2a: {  	[hbm4b:s2+s30] =	stream.strided.scatter [tilespmem:s30], [sflag:$0x1], $0x2800, s29, s30, $0x38;
	[tilespmem:$0x2880] =	vst v63  }
0x2b: {  	_ =	swait.ge [sflag:s31], $0x2800  }
0x2c: {  	[sflag:s31] =	ssyncset.done $0x0  }
0x2d: {  	[sflag:s31] =	ssyncadd.s32 $0xFFFFD800  }
0x2e: {  	_ =	sfence.sel $0x180000  }
0x2f: {  	[bflag:$0x0] =	sbarrier.arrive $0xFFFF  }
0x30: {  	p0 =	sne.s32 s1, $0x0;
	_ =	strace $0x90000047  }
0x31: {  	s0 =	sadd.s32 @!p0 $0x100000, s0;
	[bflag:$0x2] =	sbarrier.arrive $0xFFFF  }
0x32: {  	[sflag:s0] =	ssyncadd.tile.s32 @!p0 $0x1;
	_ =	shalt  }
.Lfunc_end2:
_tile_overlayer_lowered:
.L_overlay_start_2:
0x33: {  	(tag) =	ssettag $0x2  }
0x34: {  	s0 =	rddreg [dreg:$0x0];
	s2 =	stileid.u32  }
0x35: {  	s1 =	rddreg [dreg:$0x1];
	p0 =	sne.s32 s2, $0x0  }
0x36: {  	s3 =	rddreg [dreg:$0x2];
	[bflag:$0x3] =	sbarrier.arrive $0xFFFF;
	s2 =	simm.s32 @!p0 $0x1C01  }
0x37: {  	[timem:s3], [sflag:s2] =	dma.local @!p0 [hbm:s0], s1  }
0x38: {  	s0 =	simm.s32 @!p0 $0x1  }
0x39: {  	_ =	swait.ge @!p0 [sflag:s0], s1  }
0x3a: {  	s1 =	ssub.s32 @!p0 $0x0, s1;
	[sflag:s0] =	ssyncset.done @!p0 $0x0  }
0x3b: {  	[sflag:s0] =	ssyncadd.s32 @!p0 s1  }
0x3c: {  	[bflag:$0x3] =	sbarrier.arrive $0xFFFF  }
0x3d: {  	_ =	shalt  }

</sc_bundles>
